<compile_context>
chip_gen: v7x
topology: tpu7x:2x2x1
jax: 0.10.2.dev20260603
libtpu: 0.0.44.dev20260713+nightly
codegen_flags: <defaults>
</compile_context>

<pallas_src>
import functools

import jax
import jax.numpy as jnp
from jax import lax
from jax.experimental import pallas as pl
from jax.experimental.pallas import tpu as pltpu
from jax.experimental.pallas import tpu_sc as plsc

N = 16777216
LANES = 128
ROWS = N // LANES

NC = 2
NS = 16
L = 16
NW = NC * NS
CHUNK = 16384
SC_CHUNKS_PER_W = 10
PER_W = SC_CHUNKS_PER_W * CHUNK
M = NW * PER_W
M_ROWS = M // LANES

_mesh = plsc.VectorSubcoreMesh(core_axis_name="c", subcore_axis_name="s")


@functools.partial(
    pl.kernel,
    mesh=_mesh,
    out_type=jax.ShapeDtypeStruct((M,), jnp.float32),
    scratch_types=(
        [pltpu.VMEM((2, CHUNK), jnp.float32)] * 3
        + [pltpu.SemaphoreType.DMA] * 6
    ),
)
def _sc_div(x_hbm, y_hbm, out_hbm, x_v, y_v, o_v, *sems):
    sgx = sems[0:2]
    sgy = sems[2:4]
    ssc = sems[4:6]
    wid = lax.axis_index("s") * NC + lax.axis_index("c")
    base = wid * PER_W

    def start_gather(ci, t):
        off = base + ci * CHUNK
        hx = pltpu.async_copy(x_hbm.at[pl.ds(off, CHUNK)], x_v.at[t], sgx[t])
        hy = pltpu.async_copy(y_hbm.at[pl.ds(off, CHUNK)], y_v.at[t], sgy[t])
        return hx, hy

    def start_scatter(ci, t):
        off = base + ci * CHUNK
        return pltpu.async_copy(o_v.at[t], out_hbm.at[pl.ds(off, CHUNK)], ssc[t])

    def compute(t):
        @plsc.parallel_loop(0, CHUNK, step=L, unroll=8)
        def vec_body(i):
            s = pl.ds(i, L)
            xv = x_v[t, s]
            yv = y_v[t, s]
            o_v[t, s] = jnp.where(yv == 0.0, 0.0, xv / yv)

    gat = [None, None]
    sca = [None, None]
    gat[0] = start_gather(0, 0)
    for ci in range(SC_CHUNKS_PER_W):
        s = ci & 1
        t = 1 - s
        if ci + 1 < SC_CHUNKS_PER_W:
            gat[t] = start_gather(ci + 1, t)
        hx, hy = gat[s]
        hx.wait()
        hy.wait()
        if sca[s] is not None:
            sca[s].wait()
        compute(s)
        sca[s] = start_scatter(ci, s)
    sca[0].wait()
    sca[1].wait()


TC_BLOCK_ROWS = 8192
TC_ROWS = ROWS - M_ROWS
TC_GRID = TC_ROWS // TC_BLOCK_ROWS
TC_ROW0 = M_ROWS // TC_BLOCK_ROWS


def _tc_div_body(x_ref, y_ref, o_ref):
    xv = x_ref[...]
    yv = y_ref[...]
    o_ref[...] = jnp.where(yv == 0.0, 0.0, xv / yv)


_tc_div = pl.pallas_call(
    _tc_div_body,
    grid=(TC_GRID,),
    in_specs=[
        pl.BlockSpec((TC_BLOCK_ROWS, LANES), lambda i: (TC_ROW0 + i, 0)),
        pl.BlockSpec((TC_BLOCK_ROWS, LANES), lambda i: (TC_ROW0 + i, 0)),
    ],
    out_specs=pl.BlockSpec((TC_BLOCK_ROWS, LANES), lambda i: (TC_ROW0 + i, 0)),
    out_shape=jax.ShapeDtypeStruct((ROWS, LANES), jnp.float32),
)


def _tc_merge_body(sc_ref, _, o_ref):
    o_ref[...] = sc_ref[...]


_tc_merge = pl.pallas_call(
    _tc_merge_body,
    grid=(M_ROWS // TC_BLOCK_ROWS,),
    in_specs=[
        pl.BlockSpec((TC_BLOCK_ROWS, LANES), lambda i: (i, 0)),
        pl.BlockSpec((TC_BLOCK_ROWS, LANES), lambda i: (i, 0)),
    ],
    out_specs=pl.BlockSpec((TC_BLOCK_ROWS, LANES), lambda i: (i, 0)),
    out_shape=jax.ShapeDtypeStruct((ROWS, LANES), jnp.float32),
    input_output_aliases={1: 0},
)


def kernel(x, y):
    sc_out = _sc_div(x, y)
    x2 = x.reshape(ROWS, LANES)
    y2 = y.reshape(ROWS, LANES)
    tc_out = _tc_div(x2, y2)
    merged = _tc_merge(sc_out.reshape(M_ROWS, LANES), tc_out)
    return merged.reshape(N)

# --- scband reference (transcript-rebuilt; emitter-appended) ---
"""Pipeline reference for scband-stable-zero-div-16561393894029 (READ-ONLY COPY).

The authoritative reference and input builder live on the scoring server;
editing this copy changes nothing except your own understanding.
"""

import jax, jax.numpy as jnp
import numpy as np


def setup_inputs(seed: int = 0) -> dict:
    key = jax.random.key(seed)
    k1, k2 = jax.random.split(key)
    N = 16777216
    x = jax.random.normal(k1, (N,), dtype=jnp.float32)
    y = jax.random.normal(k2, (N,), dtype=jnp.float32)
    return {"x": x, "y": y}


def reference(x, y):
    # Faithful translation of StableZeroDiv.forward:
    #   out = zeros_like(y)
    #   out[nonzero(y)] = 1.0 / y[nonzero(y)]
    #   out *= x
    # i.e. out = x * (1/y where y != 0 else 0)
    nz = y != 0
    safe_y = jnp.where(nz, y, jnp.ones_like(y))
    inv = jnp.where(nz, 1.0 / safe_y, jnp.zeros_like(y))
    out = inv * x
    return out

if __name__ == "__main__":
    import jax
    _d = setup_inputs()
    print(jax.jit(kernel)(*tuple(_d.values())))

</pallas_src>

<mosaic_0001>
#map = affine_map<(d0, d1) -> (0)>
module attributes {stable_mosaic.version = 14 : i64} {
  func.func @_sc_div(%arg0: i32, %arg1: i32, %arg2: memref<16777216xf32, #tpu.memory_space<hbm>>, %arg3: memref<16777216xf32, #tpu.memory_space<hbm>>, %arg4: memref<5242880xf32, #tpu.memory_space<hbm>>, %arg5: memref<2x16384xf32, #tpu.memory_space<vmem>>, %arg6: memref<2x16384xf32, #tpu.memory_space<vmem>>, %arg7: memref<2x16384xf32, #tpu.memory_space<vmem>>, %arg8: memref<!tpu.dma_semaphore, #tpu.memory_space<semaphore_mem>>, %arg9: memref<!tpu.dma_semaphore, #tpu.memory_space<semaphore_mem>>, %arg10: memref<!tpu.dma_semaphore, #tpu.memory_space<semaphore_mem>>, %arg11: memref<!tpu.dma_semaphore, #tpu.memory_space<semaphore_mem>>, %arg12: memref<!tpu.dma_semaphore, #tpu.memory_space<semaphore_mem>>, %arg13: memref<!tpu.dma_semaphore, #tpu.memory_space<semaphore_mem>>) attributes {dimension_semantics = [#tpu.dimension_semantics<core_parallel>, #tpu.dimension_semantics<subcore_parallel>], iteration_bounds = array<i64: 2, 16>, scalar_prefetch = 0 : i64, scratch_operands = 9 : i64, tpu.core_type = #tpu.core_type<sc_vector_subcore>, window_params = [{transform_indices = #map}, {transform_indices = #map}, {transform_indices = #map}]} {
    %mul3A = arith.constant 2 : i32
    %mul3A_0 = arith.muli %arg1, %mul3A : i32
    %add3A = arith.addi %mul3A_0, %arg0 : i32
    %mul3A_1 = arith.constant 163840 : i32
    %mul3A_2 = arith.muli %add3A, %mul3A_1 : i32
    %add3A_3 = arith.constant 0 : i32
    %add3A_4 = arith.addi %mul3A_2, %add3A_3 : i32
    %dma_start3A = arith.constant 0 : i32
    %dma_start3A_5 = arith.constant 0 : i32
    %dma_start3A_6 = tpu.memref_slice %arg5[%dma_start3A, %dma_start3A_5] : memref<2x16384xf32, #tpu.memory_space<vmem>> -> memref<1x16384xf32, #tpu.memory_space<vmem>>
    %dma_start3A_7 = tpu.memref_squeeze %dma_start3A_6 : memref<1x16384xf32, #tpu.memory_space<vmem>> -> memref<16384xf32, #tpu.memory_space<vmem>>
    %dma_start3A_8 = tpu.memref_slice %arg2[%add3A_4] : memref<16777216xf32, #tpu.memory_space<hbm>> -> memref<16384xf32, #tpu.memory_space<hbm>>
    %dma_start3A_9 = arith.constant 0 : i32
    %dma_start3A_10 = tpu.memref_slice %arg5[%dma_start3A, %dma_start3A_9] : memref<2x16384xf32, #tpu.memory_space<vmem>> -> memref<1x16384xf32, #tpu.memory_space<vmem>>
    %dma_start3A_11 = tpu.memref_squeeze %dma_start3A_10 : memref<1x16384xf32, #tpu.memory_space<vmem>> -> memref<16384xf32, #tpu.memory_space<vmem>>
    %dma_start3A_12 = tpu.memref_slice %arg2[%add3A_4] : memref<16777216xf32, #tpu.memory_space<hbm>> -> memref<16384xf32, #tpu.memory_space<hbm>>
    tpu.enqueue_dma source(%dma_start3A_12 : memref<16384xf32, #tpu.memory_space<hbm>>) target(%dma_start3A_11 : memref<16384xf32, #tpu.memory_space<vmem>>) target_semaphore(%arg8 : memref<!tpu.dma_semaphore, #tpu.memory_space<semaphore_mem>>)
    %dma_start3A_13 = arith.constant 0 : i32
    %dma_start3A_14 = arith.constant 0 : i32
    %dma_start3A_15 = tpu.memref_slice %arg6[%dma_start3A_13, %dma_start3A_14] : memref<2x16384xf32, #tpu.memory_space<vmem>> -> memref<1x16384xf32, #tpu.memory_space<vmem>>
    %dma_start3A_16 = tpu.memref_squeeze %dma_start3A_15 : memref<1x16384xf32, #tpu.memory_space<vmem>> -> memref<16384xf32, #tpu.memory_space<vmem>>
    %dma_start3A_17 = tpu.memref_slice %arg3[%add3A_4] : memref<16777216xf32, #tpu.memory_space<hbm>> -> memref<16384xf32, #tpu.memory_space<hbm>>
    %dma_start3A_18 = arith.constant 0 : i32
    %dma_start3A_19 = tpu.memref_slice %arg6[%dma_start3A_13, %dma_start3A_18] : memref<2x16384xf32, #tpu.memory_space<vmem>> -> memref<1x16384xf32, #tpu.memory_space<vmem>>
    %dma_start3A_20 = tpu.memref_squeeze %dma_start3A_19 : memref<1x16384xf32, #tpu.memory_space<vmem>> -> memref<16384xf32, #tpu.memory_space<vmem>>
    %dma_start3A_21 = tpu.memref_slice %arg3[%add3A_4] : memref<16777216xf32, #tpu.memory_space<hbm>> -> memref<16384xf32, #tpu.memory_space<hbm>>
    tpu.enqueue_dma source(%dma_start3A_21 : memref<16384xf32, #tpu.memory_space<hbm>>) target(%dma_start3A_20 : memref<16384xf32, #tpu.memory_space<vmem>>) target_semaphore(%arg10 : memref<!tpu.dma_semaphore, #tpu.memory_space<semaphore_mem>>)
    %add3A_22 = arith.constant 16384 : i32
    %add3A_23 = arith.addi %mul3A_2, %add3A_22 : i32
    %dma_start3A_24 = arith.constant 1 : i32
    %dma_start3A_25 = arith.constant 0 : i32
    %dma_start3A_26 = tpu.memref_slice %arg5[%dma_start3A_24, %dma_start3A_25] : memref<2x16384xf32, #tpu.memory_space<vmem>> -> memref<1x16384xf32, #tpu.memory_space<vmem>>
    %dma_start3A_27 = tpu.memref_squeeze %dma_start3A_26 : memref<1x16384xf32, #tpu.memory_space<vmem>> -> memref<16384xf32, #tpu.memory_space<vmem>>
    %dma_start3A_28 = tpu.memref_slice %arg2[%add3A_23] : memref<16777216xf32, #tpu.memory_space<hbm>> -> memref<16384xf32, #tpu.memory_space<hbm>>
    %dma_start3A_29 = arith.constant 0 : i32
    %dma_start3A_30 = tpu.memref_slice %arg5[%dma_start3A_24, %dma_start3A_29] : memref<2x16384xf32, #tpu.memory_space<vmem>> -> memref<1x16384xf32, #tpu.memory_space<vmem>>
    %dma_start3A_31 = tpu.memref_squeeze %dma_start3A_30 : memref<1x16384xf32, #tpu.memory_space<vmem>> -> memref<16384xf32, #tpu.memory_space<vmem>>
    %dma_start3A_32 = tpu.memref_slice %arg2[%add3A_23] : memref<16777216xf32, #tpu.memory_space<hbm>> -> memref<16384xf32, #tpu.memory_space<hbm>>
    tpu.enqueue_dma source(%dma_start3A_32 : memref<16384xf32, #tpu.memory_space<hbm>>) target(%dma_start3A_31 : memref<16384xf32, #tpu.memory_space<vmem>>) target_semaphore(%arg9 : memref<!tpu.dma_semaphore, #tpu.memory_space<semaphore_mem>>)
    %dma_start3A_33 = arith.constant 1 : i32
    %dma_start3A_34 = arith.constant 0 : i32
    %dma_start3A_35 = tpu.memref_slice %arg6[%dma_start3A_33, %dma_start3A_34] : memref<2x16384xf32, #tpu.memory_space<vmem>> -> memref<1x16384xf32, #tpu.memory_space<vmem>>
    %dma_start3A_36 = tpu.memref_squeeze %dma_start3A_35 : memref<1x16384xf32, #tpu.memory_space<vmem>> -> memref<16384xf32, #tpu.memory_space<vmem>>
    %dma_start3A_37 = tpu.memref_slice %arg3[%add3A_23] : memref<16777216xf32, #tpu.memory_space<hbm>> -> memref<16384xf32, #tpu.memory_space<hbm>>
    %dma_start3A_38 = arith.constant 0 : i32
    %dma_start3A_39 = tpu.memref_slice %arg6[%dma_start3A_33, %dma_start3A_38] : memref<2x16384xf32, #tpu.memory_space<vmem>> -> memref<1x16384xf32, #tpu.memory_space<vmem>>
    %dma_start3A_40 = tpu.memref_squeeze %dma_start3A_39 : memref<1x16384xf32, #tpu.memory_space<vmem>> -> memref<16384xf32, #tpu.memory_space<vmem>>
    %dma_start3A_41 = tpu.memref_slice %arg3[%add3A_23] : memref<16777216xf32, #tpu.memory_space<hbm>> -> memref<16384xf32, #tpu.memory_space<hbm>>
    tpu.enqueue_dma source(%dma_start3A_41 : memref<16384xf32, #tpu.memory_space<hbm>>) target(%dma_start3A_40 : memref<16384xf32, #tpu.memory_space<vmem>>) target_semaphore(%arg11 : memref<!tpu.dma_semaphore, #tpu.memory_space<semaphore_mem>>)
    %dma_wait3A = arith.constant 0 : i32
    %dma_wait3A_42 = arith.constant 0 : i32
    %dma_wait3A_43 = tpu.memref_slice %arg5[%dma_wait3A, %dma_wait3A_42] : memref<2x16384xf32, #tpu.memory_space<vmem>> -> memref<1x16384xf32, #tpu.memory_space<vmem>>
    %dma_wait3A_44 = tpu.memref_squeeze %dma_wait3A_43 : memref<1x16384xf32, #tpu.memory_space<vmem>> -> memref<16384xf32, #tpu.memory_space<vmem>>
    %dma_wait3A_45 = tpu.memref_slice %arg2[%add3A_4] : memref<16777216xf32, #tpu.memory_space<hbm>> -> memref<16384xf32, #tpu.memory_space<hbm>>
    %dma_wait3A_46 = arith.constant 0 : i32
    %dma_wait3A_47 = tpu.memref_slice %arg5[%dma_wait3A, %dma_wait3A_46] : memref<2x16384xf32, #tpu.memory_space<vmem>> -> memref<1x16384xf32, #tpu.memory_space<vmem>>
    %dma_wait3A_48 = tpu.memref_squeeze %dma_wait3A_47 : memref<1x16384xf32, #tpu.memory_space<vmem>> -> memref<16384xf32, #tpu.memory_space<vmem>>
    %dma_wait3A_49 = tpu.memref_slice %arg2[%add3A_4] : memref<16777216xf32, #tpu.memory_space<hbm>> -> memref<16384xf32, #tpu.memory_space<hbm>>
    tpu.wait_dma2 semaphore(%arg8 : memref<!tpu.dma_semaphore, #tpu.memory_space<semaphore_mem>>) src(%dma_wait3A_49 : memref<16384xf32, #tpu.memory_space<hbm>>) dst(%dma_wait3A_48 : memref<16384xf32, #tpu.memory_space<vmem>>)
    %dma_wait3A_50 = arith.constant 0 : i32
    %dma_wait3A_51 = arith.constant 0 : i32
    %dma_wait3A_52 = tpu.memref_slice %arg6[%dma_wait3A_50, %dma_wait3A_51] : memref<2x16384xf32, #tpu.memory_space<vmem>> -> memref<1x16384xf32, #tpu.memory_space<vmem>>
    %dma_wait3A_53 = tpu.memref_squeeze %dma_wait3A_52 : memref<1x16384xf32, #tpu.memory_space<vmem>> -> memref<16384xf32, #tpu.memory_space<vmem>>
    %dma_wait3A_54 = tpu.memref_slice %arg3[%add3A_4] : memref<16777216xf32, #tpu.memory_space<hbm>> -> memref<16384xf32, #tpu.memory_space<hbm>>
    %dma_wait3A_55 = arith.constant 0 : i32
    %dma_wait3A_56 = tpu.memref_slice %arg6[%dma_wait3A_50, %dma_wait3A_55] : memref<2x16384xf32, #tpu.memory_space<vmem>> -> memref<1x16384xf32, #tpu.memory_space<vmem>>
    %dma_wait3A_57 = tpu.memref_squeeze %dma_wait3A_56 : memref<1x16384xf32, #tpu.memory_space<vmem>> -> memref<16384xf32, #tpu.memory_space<vmem>>
    %dma_wait3A_58 = tpu.memref_slice %arg3[%add3A_4] : memref<16777216xf32, #tpu.memory_space<hbm>> -> memref<16384xf32, #tpu.memory_space<hbm>>
    tpu.wait_dma2 semaphore(%arg10 : memref<!tpu.dma_semaphore, #tpu.memory_space<semaphore_mem>>) src(%dma_wait3A_58 : memref<16384xf32, #tpu.memory_space<hbm>>) dst(%dma_wait3A_57 : memref<16384xf32, #tpu.memory_space<vmem>>)
    %parallel_loop3A = arith.constant 0 : i32
    %parallel_loop3A_59 = arith.constant 16384 : i32
    %parallel_loop3A_60 = arith.constant 16 : i32
    scf.for %parallel_loop3A_610 = %parallel_loop3A to %parallel_loop3A_59 step %parallel_loop3A_60  : i32 {
      %parallel_loop3A_611 = arith.constant 0 : i32
      %parallel_loop3A_612 = arith.index_cast %parallel_loop3A_611 : i32 to index
      %parallel_loop3A_613 = arith.index_cast %parallel_loop3A_610 : i32 to index
      %parallel_loop3A_614 = tpu.vector_load %arg5[%parallel_loop3A_612, %parallel_loop3A_613] {strides = array<i32>} : memref<2x16384xf32, #tpu.memory_space<vmem>>, vector<1x16xf32>,
      %parallel_loop3A_615 = vector.shape_cast %parallel_loop3A_614 : vector<1x16xf32> to vector<16xf32>
      %parallel_loop3A_616 = arith.constant 0 : i32
      %parallel_loop3A_617 = arith.index_cast %parallel_loop3A_616 : i32 to index
      %parallel_loop3A_618 = arith.index_cast %parallel_loop3A_610 : i32 to index
      %parallel_loop3A_619 = tpu.vector_load %arg6[%parallel_loop3A_617, %parallel_loop3A_618] {strides = array<i32>} : memref<2x16384xf32, #tpu.memory_space<vmem>>, vector<1x16xf32>,
      %parallel_loop3A_620 = vector.shape_cast %parallel_loop3A_619 : vector<1x16xf32> to vector<16xf32>
      %parallel_loop3A_621 = arith.constant 0.000000e+00 : f32
      %parallel_loop3A_622 = vector.broadcast %parallel_loop3A_621 : f32 to vector<16xf32>
      %parallel_loop3A_623 = arith.cmpf oeq, %parallel_loop3A_620, %parallel_loop3A_622 : vector<16xf32>
      %parallel_loop3A_624 = arith.divf %parallel_loop3A_615, %parallel_loop3A_620 : vector<16xf32>
      %parallel_loop3A_625 = arith.constant 0.000000e+00 : f32
      %parallel_loop3A_626 = vector.broadcast %parallel_loop3A_625 : f32 to vector<16xf32>
      %parallel_loop3A_627 = arith.select %parallel_loop3A_623, %parallel_loop3A_626, %parallel_loop3A_624 : vector<16xi1>, vector<16xf32>
      %parallel_loop3A_628 = arith.constant 0 : i32
      %parallel_loop3A_629 = arith.index_cast %parallel_loop3A_628 : i32 to index
      %parallel_loop3A_630 = arith.index_cast %parallel_loop3A_610 : i32 to index
      %parallel_loop3A_631 = tpu.vector_load %arg7[%parallel_loop3A_629, %parallel_loop3A_630] {strides = array<i32>} : memref<2x16384xf32, #tpu.memory_space<vmem>>, vector<1x16xf32>,
      %parallel_loop3A_632 = vector.shape_cast %parallel_loop3A_631 : vector<1x16xf32> to vector<16xf32>
      %parallel_loop3A_633 = vector.shape_cast %parallel_loop3A_627 : vector<16xf32> to vector<1x16xf32>
      tpu.vector_store %arg7[%parallel_loop3A_629, %parallel_loop3A_630], %parallel_loop3A_633 {strides = array<i32>} : memref<2x16384xf32, #tpu.memory_space<vmem>>, vector<1x16xf32>,
    } {sc.loop_unroll_factor = 8 : i64, sc.parallel_access}
    %add3A_61 = arith.constant 0 : i32
    %add3A_62 = arith.addi %mul3A_2, %add3A_61 : i32
    %dma_start3A_63 = arith.constant 0 : i32
    %dma_start3A_64 = arith.constant 0 : i32
    %dma_start3A_65 = tpu.memref_slice %arg7[%dma_start3A_63, %dma_start3A_64] : memref<2x16384xf32, #tpu.memory_space<vmem>> -> memref<1x16384xf32, #tpu.memory_space<vmem>>
    %dma_start3A_66 = tpu.memref_squeeze %dma_start3A_65 : memref<1x16384xf32, #tpu.memory_space<vmem>> -> memref<16384xf32, #tpu.memory_space<vmem>>
    %dma_start3A_67 = tpu.memref_slice %arg4[%add3A_62] : memref<5242880xf32, #tpu.memory_space<hbm>> -> memref<16384xf32, #tpu.memory_space<hbm>>
    %dma_start3A_68 = tpu.memref_slice %arg4[%add3A_62] : memref<5242880xf32, #tpu.memory_space<hbm>> -> memref<16384xf32, #tpu.memory_space<hbm>>
    %dma_start3A_69 = arith.constant 0 : i32
    %dma_start3A_70 = tpu.memref_slice %arg7[%dma_start3A_63, %dma_start3A_69] : memref<2x16384xf32, #tpu.memory_space<vmem>> -> memref<1x16384xf32, #tpu.memory_space<vmem>>
    %dma_start3A_71 = tpu.memref_squeeze %dma_start3A_70 : memref<1x16384xf32, #tpu.memory_space<vmem>> -> memref<16384xf32, #tpu.memory_space<vmem>>
    tpu.enqueue_dma source(%dma_start3A_71 : memref<16384xf32, #tpu.memory_space<vmem>>) target(%dma_start3A_68 : memref<16384xf32, #tpu.memory_space<hbm>>) target_semaphore(%arg12 : memref<!tpu.dma_semaphore, #tpu.memory_space<semaphore_mem>>)
    %add3A_72 = arith.constant 32768 : i32
    %add3A_73 = arith.addi %mul3A_2, %add3A_72 : i32
    %dma_start3A_74 = arith.constant 0 : i32
    %dma_start3A_75 = arith.constant 0 : i32
    %dma_start3A_76 = tpu.memref_slice %arg5[%dma_start3A_74, %dma_start3A_75] : memref<2x16384xf32, #tpu.memory_space<vmem>> -> memref<1x16384xf32, #tpu.memory_space<vmem>>
    %dma_start3A_77 = tpu.memref_squeeze %dma_start3A_76 : memref<1x16384xf32, #tpu.memory_space<vmem>> -> memref<16384xf32, #tpu.memory_space<vmem>>
    %dma_start3A_78 = tpu.memref_slice %arg2[%add3A_73] : memref<16777216xf32, #tpu.memory_space<hbm>> -> memref<16384xf32, #tpu.memory_space<hbm>>
    %dma_start3A_79 = arith.constant 0 : i32
    %dma_start3A_80 = tpu.memref_slice %arg5[%dma_start3A_74, %dma_start3A_79] : memref<2x16384xf32, #tpu.memory_space<vmem>> -> memref<1x16384xf32, #tpu.memory_space<vmem>>
    %dma_start3A_81 = tpu.memref_squeeze %dma_start3A_80 : memref<1x16384xf32, #tpu.memory_space<vmem>> -> memref<16384xf32, #tpu.memory_space<vmem>>
    %dma_start3A_82 = tpu.memref_slice %arg2[%add3A_73] : memref<16777216xf32, #tpu.memory_space<hbm>> -> memref<16384xf32, #tpu.memory_space<hbm>>
    tpu.enqueue_dma source(%dma_start3A_82 : memref<16384xf32, #tpu.memory_space<hbm>>) target(%dma_start3A_81 : memref<16384xf32, #tpu.memory_space<vmem>>) target_semaphore(%arg8 : memref<!tpu.dma_semaphore, #tpu.memory_space<semaphore_mem>>)
    %dma_start3A_83 = arith.constant 0 : i32
    %dma_start3A_84 = arith.constant 0 : i32
    %dma_start3A_85 = tpu.memref_slice %arg6[%dma_start3A_83, %dma_start3A_84] : memref<2x16384xf32, #tpu.memory_space<vmem>> -> memref<1x16384xf32, #tpu.memory_space<vmem>>
    %dma_start3A_86 = tpu.memref_squeeze %dma_start3A_85 : memref<1x16384xf32, #tpu.memory_space<vmem>> -> memref<16384xf32, #tpu.memory_space<vmem>>
    %dma_start3A_87 = tpu.memref_slice %arg3[%add3A_73] : memref<16777216xf32, #tpu.memory_space<hbm>> -> memref<16384xf32, #tpu.memory_space<hbm>>
    %dma_start3A_88 = arith.constant 0 : i32
    %dma_start3A_89 = tpu.memref_slice %arg6[%dma_start3A_83, %dma_start3A_88] : memref<2x16384xf32, #tpu.memory_space<vmem>> -> memref<1x16384xf32, #tpu.memory_space<vmem>>
    %dma_start3A_90 = tpu.memref_squeeze %dma_start3A_89 : memref<1x16384xf32, #tpu.memory_space<vmem>> -> memref<16384xf32, #tpu.memory_space<vmem>>
    %dma_start3A_91 = tpu.memref_slice %arg3[%add3A_73] : memref<16777216xf32, #tpu.memory_space<hbm>> -> memref<16384xf32, #tpu.memory_space<hbm>>
    tpu.enqueue_dma source(%dma_start3A_91 : memref<16384xf32, #tpu.memory_space<hbm>>) target(%dma_start3A_90 : memref<16384xf32, #tpu.memory_space<vmem>>) target_semaphore(%arg10 : memref<!tpu.dma_semaphore, #tpu.memory_space<semaphore_mem>>)
    %dma_wait3A_92 = arith.constant 1 : i32
    %dma_wait3A_93 = arith.constant 0 : i32
    %dma_wait3A_94 = tpu.memref_slice %arg5[%dma_wait3A_92, %dma_wait3A_93] : memref<2x16384xf32, #tpu.memory_space<vmem>> -> memref<1x16384xf32, #tpu.memory_space<vmem>>
    %dma_wait3A_95 = tpu.memref_squeeze %dma_wait3A_94 : memref<1x16384xf32, #tpu.memory_space<vmem>> -> memref<16384xf32, #tpu.memory_space<vmem>>
    %dma_wait3A_96 = tpu.memref_slice %arg2[%add3A_23] : memref<16777216xf32, #tpu.memory_space<hbm>> -> memref<16384xf32, #tpu.memory_space<hbm>>
    %dma_wait3A_97 = arith.constant 0 : i32
    %dma_wait3A_98 = tpu.memref_slice %arg5[%dma_wait3A_92, %dma_wait3A_97] : memref<2x16384xf32, #tpu.memory_space<vmem>> -> memref<1x16384xf32, #tpu.memory_space<vmem>>
    %dma_wait3A_99 = tpu.memref_squeeze %dma_wait3A_98 : memref<1x16384xf32, #tpu.memory_space<vmem>> -> memref<16384xf32, #tpu.memory_space<vmem>>
    %dma_wait3A_100 = tpu.memref_slice %arg2[%add3A_23] : memref<16777216xf32, #tpu.memory_space<hbm>> -> memref<16384xf32, #tpu.memory_space<hbm>>
    tpu.wait_dma2 semaphore(%arg9 : memref<!tpu.dma_semaphore, #tpu.memory_space<semaphore_mem>>) src(%dma_wait3A_100 : memref<16384xf32, #tpu.memory_space<hbm>>) dst(%dma_wait3A_99 : memref<16384xf32, #tpu.memory_space<vmem>>)
    %dma_wait3A_101 = arith.constant 1 : i32
    %dma_wait3A_102 = arith.constant 0 : i32
    %dma_wait3A_103 = tpu.memref_slice %arg6[%dma_wait3A_101, %dma_wait3A_102] : memref<2x16384xf32, #tpu.memory_space<vmem>> -> memref<1x16384xf32, #tpu.memory_space<vmem>>
    %dma_wait3A_104 = tpu.memref_squeeze %dma_wait3A_103 : memref<1x16384xf32, #tpu.memory_space<vmem>> -> memref<16384xf32, #tpu.memory_space<vmem>>
    %dma_wait3A_105 = tpu.memref_slice %arg3[%add3A_23] : memref<16777216xf32, #tpu.memory_space<hbm>> -> memref<16384xf32, #tpu.memory_space<hbm>>
    %dma_wait3A_106 = arith.constant 0 : i32
    %dma_wait3A_107 = tpu.memref_slice %arg6[%dma_wait3A_101, %dma_wait3A_106] : memref<2x16384xf32, #tpu.memory_space<vmem>> -> memref<1x16384xf32, #tpu.memory_space<vmem>>
    %dma_wait3A_108 = tpu.memref_squeeze %dma_wait3A_107 : memref<1x16384xf32, #tpu.memory_space<vmem>> -> memref<16384xf32, #tpu.memory_space<vmem>>
    %dma_wait3A_109 = tpu.memref_slice %arg3[%add3A_23] : memref<16777216xf32, #tpu.memory_space<hbm>> -> memref<16384xf32, #tpu.memory_space<hbm>>
    tpu.wait_dma2 semaphore(%arg11 : memref<!tpu.dma_semaphore, #tpu.memory_space<semaphore_mem>>) src(%dma_wait3A_109 : memref<16384xf32, #tpu.memory_space<hbm>>) dst(%dma_wait3A_108 : memref<16384xf32, #tpu.memory_space<vmem>>)
    %parallel_loop3A_110 = arith.constant 0 : i32
    %parallel_loop3A_111 = arith.constant 16384 : i32
    %parallel_loop3A_112 = arith.constant 16 : i32
    scf.for %parallel_loop3A_610 = %parallel_loop3A_110 to %parallel_loop3A_111 step %parallel_loop3A_112  : i32 {
      %parallel_loop3A_611 = arith.constant 1 : i32
      %parallel_loop3A_612 = arith.index_cast %parallel_loop3A_611 : i32 to index
      %parallel_loop3A_613 = arith.index_cast %parallel_loop3A_610 : i32 to index
      %parallel_loop3A_614 = tpu.vector_load %arg5[%parallel_loop3A_612, %parallel_loop3A_613] {strides = array<i32>} : memref<2x16384xf32, #tpu.memory_space<vmem>>, vector<1x16xf32>,
      %parallel_loop3A_615 = vector.shape_cast %parallel_loop3A_614 : vector<1x16xf32> to vector<16xf32>
      %parallel_loop3A_616 = arith.constant 1 : i32
      %parallel_loop3A_617 = arith.index_cast %parallel_loop3A_616 : i32 to index
      %parallel_loop3A_618 = arith.index_cast %parallel_loop3A_610 : i32 to index
      %parallel_loop3A_619 = tpu.vector_load %arg6[%parallel_loop3A_617, %parallel_loop3A_618] {strides = array<i32>} : memref<2x16384xf32, #tpu.memory_space<vmem>>, vector<1x16xf32>,
      %parallel_loop3A_620 = vector.shape_cast %parallel_loop3A_619 : vector<1x16xf32> to vector<16xf32>
      %parallel_loop3A_621 = arith.constant 0.000000e+00 : f32
      %parallel_loop3A_622 = vector.broadcast %parallel_loop3A_621 : f32 to vector<16xf32>
      %parallel_loop3A_623 = arith.cmpf oeq, %parallel_loop3A_620, %parallel_loop3A_622 : vector<16xf32>
      %parallel_loop3A_624 = arith.divf %parallel_loop3A_615, %parallel_loop3A_620 : vector<16xf32>
      %parallel_loop3A_625 = arith.constant 0.000000e+00 : f32
      %parallel_loop3A_626 = vector.broadcast %parallel_loop3A_625 : f32 to vector<16xf32>
      %parallel_loop3A_627 = arith.select %parallel_loop3A_623, %parallel_loop3A_626, %parallel_loop3A_624 : vector<16xi1>, vector<16xf32>
      %parallel_loop3A_628 = arith.constant 1 : i32
      %parallel_loop3A_629 = arith.index_cast %parallel_loop3A_628 : i32 to index
      %parallel_loop3A_630 = arith.index_cast %parallel_loop3A_610 : i32 to index
      %parallel_loop3A_631 = tpu.vector_load %arg7[%parallel_loop3A_629, %parallel_loop3A_630] {strides = array<i32>} : memref<2x16384xf32, #tpu.memory_space<vmem>>, vector<1x16xf32>,
      %parallel_loop3A_632 = vector.shape_cast %parallel_loop3A_631 : vector<1x16xf32> to vector<16xf32>
      %parallel_loop3A_633 = vector.shape_cast %parallel_loop3A_627 : vector<16xf32> to vector<1x16xf32>
      tpu.vector_store %arg7[%parallel_loop3A_629, %parallel_loop3A_630], %parallel_loop3A_633 {strides = array<i32>} : memref<2x16384xf32, #tpu.memory_space<vmem>>, vector<1x16xf32>,
    } {sc.loop_unroll_factor = 8 : i64, sc.parallel_access}
    %add3A_113 = arith.constant 16384 : i32
    %add3A_114 = arith.addi %mul3A_2, %add3A_113 : i32
    %dma_start3A_115 = arith.constant 1 : i32
    %dma_start3A_116 = arith.constant 0 : i32
    %dma_start3A_117 = tpu.memref_slice %arg7[%dma_start3A_115, %dma_start3A_116] : memref<2x16384xf32, #tpu.memory_space<vmem>> -> memref<1x16384xf32, #tpu.memory_space<vmem>>
    %dma_start3A_118 = tpu.memref_squeeze %dma_start3A_117 : memref<1x16384xf32, #tpu.memory_space<vmem>> -> memref<16384xf32, #tpu.memory_space<vmem>>
    %dma_start3A_119 = tpu.memref_slice %arg4[%add3A_114] : memref<5242880xf32, #tpu.memory_space<hbm>> -> memref<16384xf32, #tpu.memory_space<hbm>>
    %dma_start3A_120 = tpu.memref_slice %arg4[%add3A_114] : memref<5242880xf32, #tpu.memory_space<hbm>> -> memref<16384xf32, #tpu.memory_space<hbm>>
    %dma_start3A_121 = arith.constant 0 : i32
    %dma_start3A_122 = tpu.memref_slice %arg7[%dma_start3A_115, %dma_start3A_121] : memref<2x16384xf32, #tpu.memory_space<vmem>> -> memref<1x16384xf32, #tpu.memory_space<vmem>>
    %dma_start3A_123 = tpu.memref_squeeze %dma_start3A_122 : memref<1x16384xf32, #tpu.memory_space<vmem>> -> memref<16384xf32, #tpu.memory_space<vmem>>
    tpu.enqueue_dma source(%dma_start3A_123 : memref<16384xf32, #tpu.memory_space<vmem>>) target(%dma_start3A_120 : memref<16384xf32, #tpu.memory_space<hbm>>) target_semaphore(%arg13 : memref<!tpu.dma_semaphore, #tpu.memory_space<semaphore_mem>>)
    %add3A_124 = arith.constant 49152 : i32
    %add3A_125 = arith.addi %mul3A_2, %add3A_124 : i32
    %dma_start3A_126 = arith.constant 1 : i32
    %dma_start3A_127 = arith.constant 0 : i32
    %dma_start3A_128 = tpu.memref_slice %arg5[%dma_start3A_126, %dma_start3A_127] : memref<2x16384xf32, #tpu.memory_space<vmem>> -> memref<1x16384xf32, #tpu.memory_space<vmem>>
    %dma_start3A_129 = tpu.memref_squeeze %dma_start3A_128 : memref<1x16384xf32, #tpu.memory_space<vmem>> -> memref<16384xf32, #tpu.memory_space<vmem>>
    %dma_start3A_130 = tpu.memref_slice %arg2[%add3A_125] : memref<16777216xf32, #tpu.memory_space<hbm>> -> memref<16384xf32, #tpu.memory_space<hbm>>
    %dma_start3A_131 = arith.constant 0 : i32
    %dma_start3A_132 = tpu.memref_slice %arg5[%dma_start3A_126, %dma_start3A_131] : memref<2x16384xf32, #tpu.memory_space<vmem>> -> memref<1x16384xf32, #tpu.memory_space<vmem>>
    %dma_start3A_133 = tpu.memref_squeeze %dma_start3A_132 : memref<1x16384xf32, #tpu.memory_space<vmem>> -> memref<16384xf32, #tpu.memory_space<vmem>>
    %dma_start3A_134 = tpu.memref_slice %arg2[%add3A_125] : memref<16777216xf32, #tpu.memory_space<hbm>> -> memref<16384xf32, #tpu.memory_space<hbm>>
    tpu.enqueue_dma source(%dma_start3A_134 : memref<16384xf32, #tpu.memory_space<hbm>>) target(%dma_start3A_133 : memref<16384xf32, #tpu.memory_space<vmem>>) target_semaphore(%arg9 : memref<!tpu.dma_semaphore, #tpu.memory_space<semaphore_mem>>)
    %dma_start3A_135 = arith.constant 1 : i32
    %dma_start3A_136 = arith.constant 0 : i32
    %dma_start3A_137 = tpu.memref_slice %arg6[%dma_start3A_135, %dma_start3A_136] : memref<2x16384xf32, #tpu.memory_space<vmem>> -> memref<1x16384xf32, #tpu.memory_space<vmem>>
    %dma_start3A_138 = tpu.memref_squeeze %dma_start3A_137 : memref<1x16384xf32, #tpu.memory_space<vmem>> -> memref<16384xf32, #tpu.memory_space<vmem>>
    %dma_start3A_139 = tpu.memref_slice %arg3[%add3A_125] : memref<16777216xf32, #tpu.memory_space<hbm>> -> memref<16384xf32, #tpu.memory_space<hbm>>
    %dma_start3A_140 = arith.constant 0 : i32
    %dma_start3A_141 = tpu.memref_slice %arg6[%dma_start3A_135, %dma_start3A_140] : memref<2x16384xf32, #tpu.memory_space<vmem>> -> memref<1x16384xf32, #tpu.memory_space<vmem>>
    %dma_start3A_142 = tpu.memref_squeeze %dma_start3A_141 : memref<1x16384xf32, #tpu.memory_space<vmem>> -> memref<16384xf32, #tpu.memory_space<vmem>>
    %dma_start3A_143 = tpu.memref_slice %arg3[%add3A_125] : memref<16777216xf32, #tpu.memory_space<hbm>> -> memref<16384xf32, #tpu.memory_space<hbm>>
    tpu.enqueue_dma source(%dma_start3A_143 : memref<16384xf32, #tpu.memory_space<hbm>>) target(%dma_start3A_142 : memref<16384xf32, #tpu.memory_space<vmem>>) target_semaphore(%arg11 : memref<!tpu.dma_semaphore, #tpu.memory_space<semaphore_mem>>)
    %dma_wait3A_144 = arith.constant 0 : i32
    %dma_wait3A_145 = arith.constant 0 : i32
    %dma_wait3A_146 = tpu.memref_slice %arg5[%dma_wait3A_144, %dma_wait3A_145] : memref<2x16384xf32, #tpu.memory_space<vmem>> -> memref<1x16384xf32, #tpu.memory_space<vmem>>
    %dma_wait3A_147 = tpu.memref_squeeze %dma_wait3A_146 : memref<1x16384xf32, #tpu.memory_space<vmem>> -> memref<16384xf32, #tpu.memory_space<vmem>>
    %dma_wait3A_148 = tpu.memref_slice %arg2[%add3A_73] : memref<16777216xf32, #tpu.memory_space<hbm>> -> memref<16384xf32, #tpu.memory_space<hbm>>
    %dma_wait3A_149 = arith.constant 0 : i32
    %dma_wait3A_150 = tpu.memref_slice %arg5[%dma_wait3A_144, %dma_wait3A_149] : memref<2x16384xf32, #tpu.memory_space<vmem>> -> memref<1x16384xf32, #tpu.memory_space<vmem>>
    %dma_wait3A_151 = tpu.memref_squeeze %dma_wait3A_150 : memref<1x16384xf32, #tpu.memory_space<vmem>> -> memref<16384xf32, #tpu.memory_space<vmem>>
    %dma_wait3A_152 = tpu.memref_slice %arg2[%add3A_73] : memref<16777216xf32, #tpu.memory_space<hbm>> -> memref<16384xf32, #tpu.memory_space<hbm>>
    tpu.wait_dma2 semaphore(%arg8 : memref<!tpu.dma_semaphore, #tpu.memory_space<semaphore_mem>>) src(%dma_wait3A_152 : memref<16384xf32, #tpu.memory_space<hbm>>) dst(%dma_wait3A_151 : memref<16384xf32, #tpu.memory_space<vmem>>)
    %dma_wait3A_153 = arith.constant 0 : i32
    %dma_wait3A_154 = arith.constant 0 : i32
    %dma_wait3A_155 = tpu.memref_slice %arg6[%dma_wait3A_153, %dma_wait3A_154] : memref<2x16384xf32, #tpu.memory_space<vmem>> -> memref<1x16384xf32, #tpu.memory_space<vmem>>
    %dma_wait3A_156 = tpu.memref_squeeze %dma_wait3A_155 : memref<1x16384xf32, #tpu.memory_space<vmem>> -> memref<16384xf32, #tpu.memory_space<vmem>>
    %dma_wait3A_157 = tpu.memref_slice %arg3[%add3A_73] : memref<16777216xf32, #tpu.memory_space<hbm>> -> memref<16384xf32, #tpu.memory_space<hbm>>
    %dma_wait3A_158 = arith.constant 0 : i32
    %dma_wait3A_159 = tpu.memref_slice %arg6[%dma_wait3A_153, %dma_wait3A_158] : memref<2x16384xf32, #tpu.memory_space<vmem>> -> memref<1x16384xf32, #tpu.memory_space<vmem>>
    %dma_wait3A_160 = tpu.memref_squeeze %dma_wait3A_159 : memref<1x16384xf32, #tpu.memory_space<vmem>> -> memref<16384xf32, #tpu.memory_space<vmem>>
    %dma_wait3A_161 = tpu.memref_slice %arg3[%add3A_73] : memref<16777216xf32, #tpu.memory_space<hbm>> -> memref<16384xf32, #tpu.memory_space<hbm>>
    tpu.wait_dma2 semaphore(%arg10 : memref<!tpu.dma_semaphore, #tpu.memory_space<semaphore_mem>>) src(%dma_wait3A_161 : memref<16384xf32, #tpu.memory_space<hbm>>) dst(%dma_wait3A_160 : memref<16384xf32, #tpu.memory_space<vmem>>)
    %dma_wait3A_162 = arith.constant 0 : i32
    %dma_wait3A_163 = arith.constant 0 : i32
    %dma_wait3A_164 = tpu.memref_slice %arg7[%dma_wait3A_162, %dma_wait3A_163] : memref<2x16384xf32, #tpu.memory_space<vmem>> -> memref<1x16384xf32, #tpu.memory_space<vmem>>
    %dma_wait3A_165 = tpu.memref_squeeze %dma_wait3A_164 : memref<1x16384xf32, #tpu.memory_space<vmem>> -> memref<16384xf32, #tpu.memory_space<vmem>>
    %dma_wait3A_166 = tpu.memref_slice %arg4[%add3A_62] : memref<5242880xf32, #tpu.memory_space<hbm>> -> memref<16384xf32, #tpu.memory_space<hbm>>
    %dma_wait3A_167 = tpu.memref_slice %arg4[%add3A_62] : memref<5242880xf32, #tpu.memory_space<hbm>> -> memref<16384xf32, #tpu.memory_space<hbm>>
    %dma_wait3A_168 = arith.constant 0 : i32
    %dma_wait3A_169 = tpu.memref_slice %arg7[%dma_wait3A_162, %dma_wait3A_168] : memref<2x16384xf32, #tpu.memory_space<vmem>> -> memref<1x16384xf32, #tpu.memory_space<vmem>>
    %dma_wait3A_170 = tpu.memref_squeeze %dma_wait3A_169 : memref<1x16384xf32, #tpu.memory_space<vmem>> -> memref<16384xf32, #tpu.memory_space<vmem>>
    tpu.wait_dma2 semaphore(%arg12 : memref<!tpu.dma_semaphore, #tpu.memory_space<semaphore_mem>>) src(%dma_wait3A_170 : memref<16384xf32, #tpu.memory_space<vmem>>) dst(%dma_wait3A_167 : memref<16384xf32, #tpu.memory_space<hbm>>)
    %parallel_loop3A_171 = arith.constant 0 : i32
    %parallel_loop3A_172 = arith.constant 16384 : i32
    %parallel_loop3A_173 = arith.constant 16 : i32
    scf.for %parallel_loop3A_610 = %parallel_loop3A_171 to %parallel_loop3A_172 step %parallel_loop3A_173  : i32 {
      %parallel_loop3A_611 = arith.constant 0 : i32
      %parallel_loop3A_612 = arith.index_cast %parallel_loop3A_611 : i32 to index
      %parallel_loop3A_613 = arith.index_cast %parallel_loop3A_610 : i32 to index
      %parallel_loop3A_614 = tpu.vector_load %arg5[%parallel_loop3A_612, %parallel_loop3A_613] {strides = array<i32>} : memref<2x16384xf32, #tpu.memory_space<vmem>>, vector<1x16xf32>,
      %parallel_loop3A_615 = vector.shape_cast %parallel_loop3A_614 : vector<1x16xf32> to vector<16xf32>
      %parallel_loop3A_616 = arith.constant 0 : i32
      %parallel_loop3A_617 = arith.index_cast %parallel_loop3A_616 : i32 to index
      %parallel_loop3A_618 = arith.index_cast %parallel_loop3A_610 : i32 to index
      %parallel_loop3A_619 = tpu.vector_load %arg6[%parallel_loop3A_617, %parallel_loop3A_618] {strides = array<i32>} : memref<2x16384xf32, #tpu.memory_space<vmem>>, vector<1x16xf32>,
      %parallel_loop3A_620 = vector.shape_cast %parallel_loop3A_619 : vector<1x16xf32> to vector<16xf32>
      %parallel_loop3A_621 = arith.constant 0.000000e+00 : f32
      %parallel_loop3A_622 = vector.broadcast %parallel_loop3A_621 : f32 to vector<16xf32>
      %parallel_loop3A_623 = arith.cmpf oeq, %parallel_loop3A_620, %parallel_loop3A_622 : vector<16xf32>
      %parallel_loop3A_624 = arith.divf %parallel_loop3A_615, %parallel_loop3A_620 : vector<16xf32>
      %parallel_loop3A_625 = arith.constant 0.000000e+00 : f32
      %parallel_loop3A_626 = vector.broadcast %parallel_loop3A_625 : f32 to vector<16xf32>
      %parallel_loop3A_627 = arith.select %parallel_loop3A_623, %parallel_loop3A_626, %parallel_loop3A_624 : vector<16xi1>, vector<16xf32>
      %parallel_loop3A_628 = arith.constant 0 : i32
      %parallel_loop3A_629 = arith.index_cast %parallel_loop3A_628 : i32 to index
      %parallel_loop3A_630 = arith.index_cast %parallel_loop3A_610 : i32 to index
      %parallel_loop3A_631 = tpu.vector_load %arg7[%parallel_loop3A_629, %parallel_loop3A_630] {strides = array<i32>} : memref<2x16384xf32, #tpu.memory_space<vmem>>, vector<1x16xf32>,
      %parallel_loop3A_632 = vector.shape_cast %parallel_loop3A_631 : vector<1x16xf32> to vector<16xf32>
      %parallel_loop3A_633 = vector.shape_cast %parallel_loop3A_627 : vector<16xf32> to vector<1x16xf32>
      tpu.vector_store %arg7[%parallel_loop3A_629, %parallel_loop3A_630], %parallel_loop3A_633 {strides = array<i32>} : memref<2x16384xf32, #tpu.memory_space<vmem>>, vector<1x16xf32>,
    } {sc.loop_unroll_factor = 8 : i64, sc.parallel_access}
    %add3A_174 = arith.constant 32768 : i32
    %add3A_175 = arith.addi %mul3A_2, %add3A_174 : i32
    %dma_start3A_176 = arith.constant 0 : i32
    %dma_start3A_177 = arith.constant 0 : i32
    %dma_start3A_178 = tpu.memref_slice %arg7[%dma_start3A_176, %dma_start3A_177] : memref<2x16384xf32, #tpu.memory_space<vmem>> -> memref<1x16384xf32, #tpu.memory_space<vmem>>
    %dma_start3A_179 = tpu.memref_squeeze %dma_start3A_178 : memref<1x16384xf32, #tpu.memory_space<vmem>> -> memref<16384xf32, #tpu.memory_space<vmem>>
    %dma_start3A_180 = tpu.memref_slice %arg4[%add3A_175] : memref<5242880xf32, #tpu.memory_space<hbm>> -> memref<16384xf32, #tpu.memory_space<hbm>>
    %dma_start3A_181 = tpu.memref_slice %arg4[%add3A_175] : memref<5242880xf32, #tpu.memory_space<hbm>> -> memref<16384xf32, #tpu.memory_space<hbm>>
    %dma_start3A_182 = arith.constant 0 : i32
    %dma_start3A_183 = tpu.memref_slice %arg7[%dma_start3A_176, %dma_start3A_182] : memref<2x16384xf32, #tpu.memory_space<vmem>> -> memref<1x16384xf32, #tpu.memory_space<vmem>>
    %dma_start3A_184 = tpu.memref_squeeze %dma_start3A_183 : memref<1x16384xf32, #tpu.memory_space<vmem>> -> memref<16384xf32, #tpu.memory_space<vmem>>
    tpu.enqueue_dma source(%dma_start3A_184 : memref<16384xf32, #tpu.memory_space<vmem>>) target(%dma_start3A_181 : memref<16384xf32, #tpu.memory_space<hbm>>) target_semaphore(%arg12 : memref<!tpu.dma_semaphore, #tpu.memory_space<semaphore_mem>>)
    %add3A_185 = arith.constant 65536 : i32
    %add3A_186 = arith.addi %mul3A_2, %add3A_185 : i32
    %dma_start3A_187 = arith.constant 0 : i32
    %dma_start3A_188 = arith.constant 0 : i32
    %dma_start3A_189 = tpu.memref_slice %arg5[%dma_start3A_187, %dma_start3A_188] : memref<2x16384xf32, #tpu.memory_space<vmem>> -> memref<1x16384xf32, #tpu.memory_space<vmem>>
    %dma_start3A_190 = tpu.memref_squeeze %dma_start3A_189 : memref<1x16384xf32, #tpu.memory_space<vmem>> -> memref<16384xf32, #tpu.memory_space<vmem>>
    %dma_start3A_191 = tpu.memref_slice %arg2[%add3A_186] : memref<16777216xf32, #tpu.memory_space<hbm>> -> memref<16384xf32, #tpu.memory_space<hbm>>
    %dma_start3A_192 = arith.constant 0 : i32
    %dma_start3A_193 = tpu.memref_slice %arg5[%dma_start3A_187, %dma_start3A_192] : memref<2x16384xf32, #tpu.memory_space<vmem>> -> memref<1x16384xf32, #tpu.memory_space<vmem>>
    %dma_start3A_194 = tpu.memref_squeeze %dma_start3A_193 : memref<1x16384xf32, #tpu.memory_space<vmem>> -> memref<16384xf32, #tpu.memory_space<vmem>>
    %dma_start3A_195 = tpu.memref_slice %arg2[%add3A_186] : memref<16777216xf32, #tpu.memory_space<hbm>> -> memref<16384xf32, #tpu.memory_space<hbm>>
    tpu.enqueue_dma source(%dma_start3A_195 : memref<16384xf32, #tpu.memory_space<hbm>>) target(%dma_start3A_194 : memref<16384xf32, #tpu.memory_space<vmem>>) target_semaphore(%arg8 : memref<!tpu.dma_semaphore, #tpu.memory_space<semaphore_mem>>)
    %dma_start3A_196 = arith.constant 0 : i32
    %dma_start3A_197 = arith.constant 0 : i32
    %dma_start3A_198 = tpu.memref_slice %arg6[%dma_start3A_196, %dma_start3A_197] : memref<2x16384xf32, #tpu.memory_space<vmem>> -> memref<1x16384xf32, #tpu.memory_space<vmem>>
    %dma_start3A_199 = tpu.memref_squeeze %dma_start3A_198 : memref<1x16384xf32, #tpu.memory_space<vmem>> -> memref<16384xf32, #tpu.memory_space<vmem>>
    %dma_start3A_200 = tpu.memref_slice %arg3[%add3A_186] : memref<16777216xf32, #tpu.memory_space<hbm>> -> memref<16384xf32, #tpu.memory_space<hbm>>
    %dma_start3A_201 = arith.constant 0 : i32
    %dma_start3A_202 = tpu.memref_slice %arg6[%dma_start3A_196, %dma_start3A_201] : memref<2x16384xf32, #tpu.memory_space<vmem>> -> memref<1x16384xf32, #tpu.memory_space<vmem>>
    %dma_start3A_203 = tpu.memref_squeeze %dma_start3A_202 : memref<1x16384xf32, #tpu.memory_space<vmem>> -> memref<16384xf32, #tpu.memory_space<vmem>>
    %dma_start3A_204 = tpu.memref_slice %arg3[%add3A_186] : memref<16777216xf32, #tpu.memory_space<hbm>> -> memref<16384xf32, #tpu.memory_space<hbm>>
    tpu.enqueue_dma source(%dma_start3A_204 : memref<16384xf32, #tpu.memory_space<hbm>>) target(%dma_start3A_203 : memref<16384xf32, #tpu.memory_space<vmem>>) target_semaphore(%arg10 : memref<!tpu.dma_semaphore, #tpu.memory_space<semaphore_mem>>)
    %dma_wait3A_205 = arith.constant 1 : i32
    %dma_wait3A_206 = arith.constant 0 : i32
    %dma_wait3A_207 = tpu.memref_slice %arg5[%dma_wait3A_205, %dma_wait3A_206] : memref<2x16384xf32, #tpu.memory_space<vmem>> -> memref<1x16384xf32, #tpu.memory_space<vmem>>
    %dma_wait3A_208 = tpu.memref_squeeze %dma_wait3A_207 : memref<1x16384xf32, #tpu.memory_space<vmem>> -> memref<16384xf32, #tpu.memory_space<vmem>>
    %dma_wait3A_209 = tpu.memref_slice %arg2[%add3A_125] : memref<16777216xf32, #tpu.memory_space<hbm>> -> memref<16384xf32, #tpu.memory_space<hbm>>
    %dma_wait3A_210 = arith.constant 0 : i32
    %dma_wait3A_211 = tpu.memref_slice %arg5[%dma_wait3A_205, %dma_wait3A_210] : memref<2x16384xf32, #tpu.memory_space<vmem>> -> memref<1x16384xf32, #tpu.memory_space<vmem>>
    %dma_wait3A_212 = tpu.memref_squeeze %dma_wait3A_211 : memref<1x16384xf32, #tpu.memory_space<vmem>> -> memref<16384xf32, #tpu.memory_space<vmem>>
    %dma_wait3A_213 = tpu.memref_slice %arg2[%add3A_125] : memref<16777216xf32, #tpu.memory_space<hbm>> -> memref<16384xf32, #tpu.memory_space<hbm>>
    tpu.wait_dma2 semaphore(%arg9 : memref<!tpu.dma_semaphore, #tpu.memory_space<semaphore_mem>>) src(%dma_wait3A_213 : memref<16384xf32, #tpu.memory_space<hbm>>) dst(%dma_wait3A_212 : memref<16384xf32, #tpu.memory_space<vmem>>)
    %dma_wait3A_214 = arith.constant 1 : i32
    %dma_wait3A_215 = arith.constant 0 : i32
    %dma_wait3A_216 = tpu.memref_slice %arg6[%dma_wait3A_214, %dma_wait3A_215] : memref<2x16384xf32, #tpu.memory_space<vmem>> -> memref<1x16384xf32, #tpu.memory_space<vmem>>
    %dma_wait3A_217 = tpu.memref_squeeze %dma_wait3A_216 : memref<1x16384xf32, #tpu.memory_space<vmem>> -> memref<16384xf32, #tpu.memory_space<vmem>>
    %dma_wait3A_218 = tpu.memref_slice %arg3[%add3A_125] : memref<16777216xf32, #tpu.memory_space<hbm>> -> memref<16384xf32, #tpu.memory_space<hbm>>
    %dma_wait3A_219 = arith.constant 0 : i32
    %dma_wait3A_220 = tpu.memref_slice %arg6[%dma_wait3A_214, %dma_wait3A_219] : memref<2x16384xf32, #tpu.memory_space<vmem>> -> memref<1x16384xf32, #tpu.memory_space<vmem>>
    %dma_wait3A_221 = tpu.memref_squeeze %dma_wait3A_220 : memref<1x16384xf32, #tpu.memory_space<vmem>> -> memref<16384xf32, #tpu.memory_space<vmem>>
    %dma_wait3A_222 = tpu.memref_slice %arg3[%add3A_125] : memref<16777216xf32, #tpu.memory_space<hbm>> -> memref<16384xf32, #tpu.memory_space<hbm>>
    tpu.wait_dma2 semaphore(%arg11 : memref<!tpu.dma_semaphore, #tpu.memory_space<semaphore_mem>>) src(%dma_wait3A_222 : memref<16384xf32, #tpu.memory_space<hbm>>) dst(%dma_wait3A_221 : memref<16384xf32, #tpu.memory_space<vmem>>)
    %dma_wait3A_223 = arith.constant 1 : i32
    %dma_wait3A_224 = arith.constant 0 : i32
    %dma_wait3A_225 = tpu.memref_slice %arg7[%dma_wait3A_223, %dma_wait3A_224] : memref<2x16384xf32, #tpu.memory_space<vmem>> -> memref<1x16384xf32, #tpu.memory_space<vmem>>
    %dma_wait3A_226 = tpu.memref_squeeze %dma_wait3A_225 : memref<1x16384xf32, #tpu.memory_space<vmem>> -> memref<16384xf32, #tpu.memory_space<vmem>>
    %dma_wait3A_227 = tpu.memref_slice %arg4[%add3A_114] : memref<5242880xf32, #tpu.memory_space<hbm>> -> memref<16384xf32, #tpu.memory_space<hbm>>
    %dma_wait3A_228 = tpu.memref_slice %arg4[%add3A_114] : memref<5242880xf32, #tpu.memory_space<hbm>> -> memref<16384xf32, #tpu.memory_space<hbm>>
    %dma_wait3A_229 = arith.constant 0 : i32
    %dma_wait3A_230 = tpu.memref_slice %arg7[%dma_wait3A_223, %dma_wait3A_229] : memref<2x16384xf32, #tpu.memory_space<vmem>> -> memref<1x16384xf32, #tpu.memory_space<vmem>>
    %dma_wait3A_231 = tpu.memref_squeeze %dma_wait3A_230 : memref<1x16384xf32, #tpu.memory_space<vmem>> -> memref<16384xf32, #tpu.memory_space<vmem>>
    tpu.wait_dma2 semaphore(%arg13 : memref<!tpu.dma_semaphore, #tpu.memory_space<semaphore_mem>>) src(%dma_wait3A_231 : memref<16384xf32, #tpu.memory_space<vmem>>) dst(%dma_wait3A_228 : memref<16384xf32, #tpu.memory_space<hbm>>)
    %parallel_loop3A_232 = arith.constant 0 : i32
    %parallel_loop3A_233 = arith.constant 16384 : i32
    %parallel_loop3A_234 = arith.constant 16 : i32
    scf.for %parallel_loop3A_610 = %parallel_loop3A_232 to %parallel_loop3A_233 step %parallel_loop3A_234  : i32 {
      %parallel_loop3A_611 = arith.constant 1 : i32
      %parallel_loop3A_612 = arith.index_cast %parallel_loop3A_611 : i32 to index
      %parallel_loop3A_613 = arith.index_cast %parallel_loop3A_610 : i32 to index
      %parallel_loop3A_614 = tpu.vector_load %arg5[%parallel_loop3A_612, %parallel_loop3A_613] {strides = array<i32>} : memref<2x16384xf32, #tpu.memory_space<vmem>>, vector<1x16xf32>,
      %parallel_loop3A_615 = vector.shape_cast %parallel_loop3A_614 : vector<1x16xf32> to vector<16xf32>
      %parallel_loop3A_616 = arith.constant 1 : i32
      %parallel_loop3A_617 = arith.index_cast %parallel_loop3A_616 : i32 to index
      %parallel_loop3A_618 = arith.index_cast %parallel_loop3A_610 : i32 to index
      %parallel_loop3A_619 = tpu.vector_load %arg6[%parallel_loop3A_617, %parallel_loop3A_618] {strides = array<i32>} : memref<2x16384xf32, #tpu.memory_space<vmem>>, vector<1x16xf32>,
      %parallel_loop3A_620 = vector.shape_cast %parallel_loop3A_619 : vector<1x16xf32> to vector<16xf32>
      %parallel_loop3A_621 = arith.constant 0.000000e+00 : f32
      %parallel_loop3A_622 = vector.broadcast %parallel_loop3A_621 : f32 to vector<16xf32>
      %parallel_loop3A_623 = arith.cmpf oeq, %parallel_loop3A_620, %parallel_loop3A_622 : vector<16xf32>
      %parallel_loop3A_624 = arith.divf %parallel_loop3A_615, %parallel_loop3A_620 : vector<16xf32>
      %parallel_loop3A_625 = arith.constant 0.000000e+00 : f32
      %parallel_loop3A_626 = vector.broadcast %parallel_loop3A_625 : f32 to vector<16xf32>
      %parallel_loop3A_627 = arith.select %parallel_loop3A_623, %parallel_loop3A_626, %parallel_loop3A_624 : vector<16xi1>, vector<16xf32>
      %parallel_loop3A_628 = arith.constant 1 : i32
      %parallel_loop3A_629 = arith.index_cast %parallel_loop3A_628 : i32 to index
      %parallel_loop3A_630 = arith.index_cast %parallel_loop3A_610 : i32 to index
      %parallel_loop3A_631 = tpu.vector_load %arg7[%parallel_loop3A_629, %parallel_loop3A_630] {strides = array<i32>} : memref<2x16384xf32, #tpu.memory_space<vmem>>, vector<1x16xf32>,
      %parallel_loop3A_632 = vector.shape_cast %parallel_loop3A_631 : vector<1x16xf32> to vector<16xf32>
      %parallel_loop3A_633 = vector.shape_cast %parallel_loop3A_627 : vector<16xf32> to vector<1x16xf32>
      tpu.vector_store %arg7[%parallel_loop3A_629, %parallel_loop3A_630], %parallel_loop3A_633 {strides = array<i32>} : memref<2x16384xf32, #tpu.memory_space<vmem>>, vector<1x16xf32>,
    } {sc.loop_unroll_factor = 8 : i64, sc.parallel_access}
    %add3A_235 = arith.constant 49152 : i32
    %add3A_236 = arith.addi %mul3A_2, %add3A_235 : i32
    %dma_start3A_237 = arith.constant 1 : i32
    %dma_start3A_238 = arith.constant 0 : i32
    %dma_start3A_239 = tpu.memref_slice %arg7[%dma_start3A_237, %dma_start3A_238] : memref<2x16384xf32, #tpu.memory_space<vmem>> -> memref<1x16384xf32, #tpu.memory_space<vmem>>
    %dma_start3A_240 = tpu.memref_squeeze %dma_start3A_239 : memref<1x16384xf32, #tpu.memory_space<vmem>> -> memref<16384xf32, #tpu.memory_space<vmem>>
    %dma_start3A_241 = tpu.memref_slice %arg4[%add3A_236] : memref<5242880xf32, #tpu.memory_space<hbm>> -> memref<16384xf32, #tpu.memory_space<hbm>>
    %dma_start3A_242 = tpu.memref_slice %arg4[%add3A_236] : memref<5242880xf32, #tpu.memory_space<hbm>> -> memref<16384xf32, #tpu.memory_space<hbm>>
    %dma_start3A_243 = arith.constant 0 : i32
    %dma_start3A_244 = tpu.memref_slice %arg7[%dma_start3A_237, %dma_start3A_243] : memref<2x16384xf32, #tpu.memory_space<vmem>> -> memref<1x16384xf32, #tpu.memory_space<vmem>>
    %dma_start3A_245 = tpu.memref_squeeze %dma_start3A_244 : memref<1x16384xf32, #tpu.memory_space<vmem>> -> memref<16384xf32, #tpu.memory_space<vmem>>
    tpu.enqueue_dma source(%dma_start3A_245 : memref<16384xf32, #tpu.memory_space<vmem>>) target(%dma_start3A_242 : memref<16384xf32, #tpu.memory_space<hbm>>) target_semaphore(%arg13 : memref<!tpu.dma_semaphore, #tpu.memory_space<semaphore_mem>>)
    %add3A_246 = arith.constant 81920 : i32
    %add3A_247 = arith.addi %mul3A_2, %add3A_246 : i32
    %dma_start3A_248 = arith.constant 1 : i32
    %dma_start3A_249 = arith.constant 0 : i32
    %dma_start3A_250 = tpu.memref_slice %arg5[%dma_start3A_248, %dma_start3A_249] : memref<2x16384xf32, #tpu.memory_space<vmem>> -> memref<1x16384xf32, #tpu.memory_space<vmem>>
    %dma_start3A_251 = tpu.memref_squeeze %dma_start3A_250 : memref<1x16384xf32, #tpu.memory_space<vmem>> -> memref<16384xf32, #tpu.memory_space<vmem>>
    %dma_start3A_252 = tpu.memref_slice %arg2[%add3A_247] : memref<16777216xf32, #tpu.memory_space<hbm>> -> memref<16384xf32, #tpu.memory_space<hbm>>
    %dma_start3A_253 = arith.constant 0 : i32
    %dma_start3A_254 = tpu.memref_slice %arg5[%dma_start3A_248, %dma_start3A_253] : memref<2x16384xf32, #tpu.memory_space<vmem>> -> memref<1x16384xf32, #tpu.memory_space<vmem>>
    %dma_start3A_255 = tpu.memref_squeeze %dma_start3A_254 : memref<1x16384xf32, #tpu.memory_space<vmem>> -> memref<16384xf32, #tpu.memory_space<vmem>>
    %dma_start3A_256 = tpu.memref_slice %arg2[%add3A_247] : memref<16777216xf32, #tpu.memory_space<hbm>> -> memref<16384xf32, #tpu.memory_space<hbm>>
    tpu.enqueue_dma source(%dma_start3A_256 : memref<16384xf32, #tpu.memory_space<hbm>>) target(%dma_start3A_255 : memref<16384xf32, #tpu.memory_space<vmem>>) target_semaphore(%arg9 : memref<!tpu.dma_semaphore, #tpu.memory_space<semaphore_mem>>)
    %dma_start3A_257 = arith.constant 1 : i32
    %dma_start3A_258 = arith.constant 0 : i32
    %dma_start3A_259 = tpu.memref_slice %arg6[%dma_start3A_257, %dma_start3A_258] : memref<2x16384xf32, #tpu.memory_space<vmem>> -> memref<1x16384xf32, #tpu.memory_space<vmem>>
    %dma_start3A_260 = tpu.memref_squeeze %dma_start3A_259 : memref<1x16384xf32, #tpu.memory_space<vmem>> -> memref<16384xf32, #tpu.memory_space<vmem>>
    %dma_start3A_261 = tpu.memref_slice %arg3[%add3A_247] : memref<16777216xf32, #tpu.memory_space<hbm>> -> memref<16384xf32, #tpu.memory_space<hbm>>
    %dma_start3A_262 = arith.constant 0 : i32
    %dma_start3A_263 = tpu.memref_slice %arg6[%dma_start3A_257, %dma_start3A_262] : memref<2x16384xf32, #tpu.memory_space<vmem>> -> memref<1x16384xf32, #tpu.memory_space<vmem>>
    %dma_start3A_264 = tpu.memref_squeeze %dma_start3A_263 : memref<1x16384xf32, #tpu.memory_space<vmem>> -> memref<16384xf32, #tpu.memory_space<vmem>>
    %dma_start3A_265 = tpu.memref_slice %arg3[%add3A_247] : memref<16777216xf32, #tpu.memory_space<hbm>> -> memref<16384xf32, #tpu.memory_space<hbm>>
    tpu.enqueue_dma source(%dma_start3A_265 : memref<16384xf32, #tpu.memory_space<hbm>>) target(%dma_start3A_264 : memref<16384xf32, #tpu.memory_space<vmem>>) target_semaphore(%arg11 : memref<!tpu.dma_semaphore, #tpu.memory_space<semaphore_mem>>)
    %dma_wait3A_266 = arith.constant 0 : i32
    %dma_wait3A_267 = arith.constant 0 : i32
    %dma_wait3A_268 = tpu.memref_slice %arg5[%dma_wait3A_266, %dma_wait3A_267] : memref<2x16384xf32, #tpu.memory_space<vmem>> -> memref<1x16384xf32, #tpu.memory_space<vmem>>
    %dma_wait3A_269 = tpu.memref_squeeze %dma_wait3A_268 : memref<1x16384xf32, #tpu.memory_space<vmem>> -> memref<16384xf32, #tpu.memory_space<vmem>>
    %dma_wait3A_270 = tpu.memref_slice %arg2[%add3A_186] : memref<16777216xf32, #tpu.memory_space<hbm>> -> memref<16384xf32, #tpu.memory_space<hbm>>
    %dma_wait3A_271 = arith.constant 0 : i32
    %dma_wait3A_272 = tpu.memref_slice %arg5[%dma_wait3A_266, %dma_wait3A_271] : memref<2x16384xf32, #tpu.memory_space<vmem>> -> memref<1x16384xf32, #tpu.memory_space<vmem>>
    %dma_wait3A_273 = tpu.memref_squeeze %dma_wait3A_272 : memref<1x16384xf32, #tpu.memory_space<vmem>> -> memref<16384xf32, #tpu.memory_space<vmem>>
    %dma_wait3A_274 = tpu.memref_slice %arg2[%add3A_186] : memref<16777216xf32, #tpu.memory_space<hbm>> -> memref<16384xf32, #tpu.memory_space<hbm>>
    tpu.wait_dma2 semaphore(%arg8 : memref<!tpu.dma_semaphore, #tpu.memory_space<semaphore_mem>>) src(%dma_wait3A_274 : memref<16384xf32, #tpu.memory_space<hbm>>) dst(%dma_wait3A_273 : memref<16384xf32, #tpu.memory_space<vmem>>)
    %dma_wait3A_275 = arith.constant 0 : i32
    %dma_wait3A_276 = arith.constant 0 : i32
    %dma_wait3A_277 = tpu.memref_slice %arg6[%dma_wait3A_275, %dma_wait3A_276] : memref<2x16384xf32, #tpu.memory_space<vmem>> -> memref<1x16384xf32, #tpu.memory_space<vmem>>
    %dma_wait3A_278 = tpu.memref_squeeze %dma_wait3A_277 : memref<1x16384xf32, #tpu.memory_space<vmem>> -> memref<16384xf32, #tpu.memory_space<vmem>>
    %dma_wait3A_279 = tpu.memref_slice %arg3[%add3A_186] : memref<16777216xf32, #tpu.memory_space<hbm>> -> memref<16384xf32, #tpu.memory_space<hbm>>
    %dma_wait3A_280 = arith.constant 0 : i32
    %dma_wait3A_281 = tpu.memref_slice %arg6[%dma_wait3A_275, %dma_wait3A_280] : memref<2x16384xf32, #tpu.memory_space<vmem>> -> memref<1x16384xf32, #tpu.memory_space<vmem>>
    %dma_wait3A_282 = tpu.memref_squeeze %dma_wait3A_281 : memref<1x16384xf32, #tpu.memory_space<vmem>> -> memref<16384xf32, #tpu.memory_space<vmem>>
    %dma_wait3A_283 = tpu.memref_slice %arg3[%add3A_186] : memref<16777216xf32, #tpu.memory_space<hbm>> -> memref<16384xf32, #tpu.memory_space<hbm>>
    tpu.wait_dma2 semaphore(%arg10 : memref<!tpu.dma_semaphore, #tpu.memory_space<semaphore_mem>>) src(%dma_wait3A_283 : memref<16384xf32, #tpu.memory_space<hbm>>) dst(%dma_wait3A_282 : memref<16384xf32, #tpu.memory_space<vmem>>)
    %dma_wait3A_284 = arith.constant 0 : i32
    %dma_wait3A_285 = arith.constant 0 : i32
    %dma_wait3A_286 = tpu.memref_slice %arg7[%dma_wait3A_284, %dma_wait3A_285] : memref<2x16384xf32, #tpu.memory_space<vmem>> -> memref<1x16384xf32, #tpu.memory_space<vmem>>
    %dma_wait3A_287 = tpu.memref_squeeze %dma_wait3A_286 : memref<1x16384xf32, #tpu.memory_space<vmem>> -> memref<16384xf32, #tpu.memory_space<vmem>>
    %dma_wait3A_288 = tpu.memref_slice %arg4[%add3A_175] : memref<5242880xf32, #tpu.memory_space<hbm>> -> memref<16384xf32, #tpu.memory_space<hbm>>
    %dma_wait3A_289 = tpu.memref_slice %arg4[%add3A_175] : memref<5242880xf32, #tpu.memory_space<hbm>> -> memref<16384xf32, #tpu.memory_space<hbm>>
    %dma_wait3A_290 = arith.constant 0 : i32
    %dma_wait3A_291 = tpu.memref_slice %arg7[%dma_wait3A_284, %dma_wait3A_290] : memref<2x16384xf32, #tpu.memory_space<vmem>> -> memref<1x16384xf32, #tpu.memory_space<vmem>>
    %dma_wait3A_292 = tpu.memref_squeeze %dma_wait3A_291 : memref<1x16384xf32, #tpu.memory_space<vmem>> -> memref<16384xf32, #tpu.memory_space<vmem>>
    tpu.wait_dma2 semaphore(%arg12 : memref<!tpu.dma_semaphore, #tpu.memory_space<semaphore_mem>>) src(%dma_wait3A_292 : memref<16384xf32, #tpu.memory_space<vmem>>) dst(%dma_wait3A_289 : memref<16384xf32, #tpu.memory_space<hbm>>)
    %parallel_loop3A_293 = arith.constant 0 : i32
    %parallel_loop3A_294 = arith.constant 16384 : i32
    %parallel_loop3A_295 = arith.constant 16 : i32
    scf.for %parallel_loop3A_610 = %parallel_loop3A_293 to %parallel_loop3A_294 step %parallel_loop3A_295  : i32 {
      %parallel_loop3A_611 = arith.constant 0 : i32
      %parallel_loop3A_612 = arith.index_cast %parallel_loop3A_611 : i32 to index
      %parallel_loop3A_613 = arith.index_cast %parallel_loop3A_610 : i32 to index
      %parallel_loop3A_614 = tpu.vector_load %arg5[%parallel_loop3A_612, %parallel_loop3A_613] {strides = array<i32>} : memref<2x16384xf32, #tpu.memory_space<vmem>>, vector<1x16xf32>,
      %parallel_loop3A_615 = vector.shape_cast %parallel_loop3A_614 : vector<1x16xf32> to vector<16xf32>
      %parallel_loop3A_616 = arith.constant 0 : i32
      %parallel_loop3A_617 = arith.index_cast %parallel_loop3A_616 : i32 to index
      %parallel_loop3A_618 = arith.index_cast %parallel_loop3A_610 : i32 to index
      %parallel_loop3A_619 = tpu.vector_load %arg6[%parallel_loop3A_617, %parallel_loop3A_618] {strides = array<i32>} : memref<2x16384xf32, #tpu.memory_space<vmem>>, vector<1x16xf32>,
      %parallel_loop3A_620 = vector.shape_cast %parallel_loop3A_619 : vector<1x16xf32> to vector<16xf32>
      %parallel_loop3A_621 = arith.constant 0.000000e+00 : f32
      %parallel_loop3A_622 = vector.broadcast %parallel_loop3A_621 : f32 to vector<16xf32>
      %parallel_loop3A_623 = arith.cmpf oeq, %parallel_loop3A_620, %parallel_loop3A_622 : vector<16xf32>
      %parallel_loop3A_624 = arith.divf %parallel_loop3A_615, %parallel_loop3A_620 : vector<16xf32>
      %parallel_loop3A_625 = arith.constant 0.000000e+00 : f32
      %parallel_loop3A_626 = vector.broadcast %parallel_loop3A_625 : f32 to vector<16xf32>
      %parallel_loop3A_627 = arith.select %parallel_loop3A_623, %parallel_loop3A_626, %parallel_loop3A_624 : vector<16xi1>, vector<16xf32>
      %parallel_loop3A_628 = arith.constant 0 : i32
      %parallel_loop3A_629 = arith.index_cast %parallel_loop3A_628 : i32 to index
      %parallel_loop3A_630 = arith.index_cast %parallel_loop3A_610 : i32 to index
      %parallel_loop3A_631 = tpu.vector_load %arg7[%parallel_loop3A_629, %parallel_loop3A_630] {strides = array<i32>} : memref<2x16384xf32, #tpu.memory_space<vmem>>, vector<1x16xf32>,
      %parallel_loop3A_632 = vector.shape_cast %parallel_loop3A_631 : vector<1x16xf32> to vector<16xf32>
      %parallel_loop3A_633 = vector.shape_cast %parallel_loop3A_627 : vector<16xf32> to vector<1x16xf32>
      tpu.vector_store %arg7[%parallel_loop3A_629, %parallel_loop3A_630], %parallel_loop3A_633 {strides = array<i32>} : memref<2x16384xf32, #tpu.memory_space<vmem>>, vector<1x16xf32>,
    } {sc.loop_unroll_factor = 8 : i64, sc.parallel_access}
    %add3A_296 = arith.constant 65536 : i32
    %add3A_297 = arith.addi %mul3A_2, %add3A_296 : i32
    %dma_start3A_298 = arith.constant 0 : i32
    %dma_start3A_299 = arith.constant 0 : i32
    %dma_start3A_300 = tpu.memref_slice %arg7[%dma_start3A_298, %dma_start3A_299] : memref<2x16384xf32, #tpu.memory_space<vmem>> -> memref<1x16384xf32, #tpu.memory_space<vmem>>
    %dma_start3A_301 = tpu.memref_squeeze %dma_start3A_300 : memref<1x16384xf32, #tpu.memory_space<vmem>> -> memref<16384xf32, #tpu.memory_space<vmem>>
    %dma_start3A_302 = tpu.memref_slice %arg4[%add3A_297] : memref<5242880xf32, #tpu.memory_space<hbm>> -> memref<16384xf32, #tpu.memory_space<hbm>>
    %dma_start3A_303 = tpu.memref_slice %arg4[%add3A_297] : memref<5242880xf32, #tpu.memory_space<hbm>> -> memref<16384xf32, #tpu.memory_space<hbm>>
    %dma_start3A_304 = arith.constant 0 : i32
    %dma_start3A_305 = tpu.memref_slice %arg7[%dma_start3A_298, %dma_start3A_304] : memref<2x16384xf32, #tpu.memory_space<vmem>> -> memref<1x16384xf32, #tpu.memory_space<vmem>>
    %dma_start3A_306 = tpu.memref_squeeze %dma_start3A_305 : memref<1x16384xf32, #tpu.memory_space<vmem>> -> memref<16384xf32, #tpu.memory_space<vmem>>
    tpu.enqueue_dma source(%dma_start3A_306 : memref<16384xf32, #tpu.memory_space<vmem>>) target(%dma_start3A_303 : memref<16384xf32, #tpu.memory_space<hbm>>) target_semaphore(%arg12 : memref<!tpu.dma_semaphore, #tpu.memory_space<semaphore_mem>>)
    %add3A_307 = arith.constant 98304 : i32
    %add3A_308 = arith.addi %mul3A_2, %add3A_307 : i32
    %dma_start3A_309 = arith.constant 0 : i32
    %dma_start3A_310 = arith.constant 0 : i32
    %dma_start3A_311 = tpu.memref_slice %arg5[%dma_start3A_309, %dma_start3A_310] : memref<2x16384xf32, #tpu.memory_space<vmem>> -> memref<1x16384xf32, #tpu.memory_space<vmem>>
    %dma_start3A_312 = tpu.memref_squeeze %dma_start3A_311 : memref<1x16384xf32, #tpu.memory_space<vmem>> -> memref<16384xf32, #tpu.memory_space<vmem>>
    %dma_start3A_313 = tpu.memref_slice %arg2[%add3A_308] : memref<16777216xf32, #tpu.memory_space<hbm>> -> memref<16384xf32, #tpu.memory_space<hbm>>
    %dma_start3A_314 = arith.constant 0 : i32
    %dma_start3A_315 = tpu.memref_slice %arg5[%dma_start3A_309, %dma_start3A_314] : memref<2x16384xf32, #tpu.memory_space<vmem>> -> memref<1x16384xf32, #tpu.memory_space<vmem>>
    %dma_start3A_316 = tpu.memref_squeeze %dma_start3A_315 : memref<1x16384xf32, #tpu.memory_space<vmem>> -> memref<16384xf32, #tpu.memory_space<vmem>>
    %dma_start3A_317 = tpu.memref_slice %arg2[%add3A_308] : memref<16777216xf32, #tpu.memory_space<hbm>> -> memref<16384xf32, #tpu.memory_space<hbm>>
    tpu.enqueue_dma source(%dma_start3A_317 : memref<16384xf32, #tpu.memory_space<hbm>>) target(%dma_start3A_316 : memref<16384xf32, #tpu.memory_space<vmem>>) target_semaphore(%arg8 : memref<!tpu.dma_semaphore, #tpu.memory_space<semaphore_mem>>)
    %dma_start3A_318 = arith.constant 0 : i32
    %dma_start3A_319 = arith.constant 0 : i32
    %dma_start3A_320 = tpu.memref_slice %arg6[%dma_start3A_318, %dma_start3A_319] : memref<2x16384xf32, #tpu.memory_space<vmem>> -> memref<1x16384xf32, #tpu.memory_space<vmem>>
    %dma_start3A_321 = tpu.memref_squeeze %dma_start3A_320 : memref<1x16384xf32, #tpu.memory_space<vmem>> -> memref<16384xf32, #tpu.memory_space<vmem>>
    %dma_start3A_322 = tpu.memref_slice %arg3[%add3A_308] : memref<16777216xf32, #tpu.memory_space<hbm>> -> memref<16384xf32, #tpu.memory_space<hbm>>
    %dma_start3A_323 = arith.constant 0 : i32
    %dma_start3A_324 = tpu.memref_slice %arg6[%dma_start3A_318, %dma_start3A_323] : memref<2x16384xf32, #tpu.memory_space<vmem>> -> memref<1x16384xf32, #tpu.memory_space<vmem>>
    %dma_start3A_325 = tpu.memref_squeeze %dma_start3A_324 : memref<1x16384xf32, #tpu.memory_space<vmem>> -> memref<16384xf32, #tpu.memory_space<vmem>>
    %dma_start3A_326 = tpu.memref_slice %arg3[%add3A_308] : memref<16777216xf32, #tpu.memory_space<hbm>> -> memref<16384xf32, #tpu.memory_space<hbm>>
    tpu.enqueue_dma source(%dma_start3A_326 : memref<16384xf32, #tpu.memory_space<hbm>>) target(%dma_start3A_325 : memref<16384xf32, #tpu.memory_space<vmem>>) target_semaphore(%arg10 : memref<!tpu.dma_semaphore, #tpu.memory_space<semaphore_mem>>)
    %dma_wait3A_327 = arith.constant 1 : i32
    %dma_wait3A_328 = arith.constant 0 : i32
    %dma_wait3A_329 = tpu.memref_slice %arg5[%dma_wait3A_327, %dma_wait3A_328] : memref<2x16384xf32, #tpu.memory_space<vmem>> -> memref<1x16384xf32, #tpu.memory_space<vmem>>
    %dma_wait3A_330 = tpu.memref_squeeze %dma_wait3A_329 : memref<1x16384xf32, #tpu.memory_space<vmem>> -> memref<16384xf32, #tpu.memory_space<vmem>>
    %dma_wait3A_331 = tpu.memref_slice %arg2[%add3A_247] : memref<16777216xf32, #tpu.memory_space<hbm>> -> memref<16384xf32, #tpu.memory_space<hbm>>
    %dma_wait3A_332 = arith.constant 0 : i32
    %dma_wait3A_333 = tpu.memref_slice %arg5[%dma_wait3A_327, %dma_wait3A_332] : memref<2x16384xf32, #tpu.memory_space<vmem>> -> memref<1x16384xf32, #tpu.memory_space<vmem>>
    %dma_wait3A_334 = tpu.memref_squeeze %dma_wait3A_333 : memref<1x16384xf32, #tpu.memory_space<vmem>> -> memref<16384xf32, #tpu.memory_space<vmem>>
    %dma_wait3A_335 = tpu.memref_slice %arg2[%add3A_247] : memref<16777216xf32, #tpu.memory_space<hbm>> -> memref<16384xf32, #tpu.memory_space<hbm>>
    tpu.wait_dma2 semaphore(%arg9 : memref<!tpu.dma_semaphore, #tpu.memory_space<semaphore_mem>>) src(%dma_wait3A_335 : memref<16384xf32, #tpu.memory_space<hbm>>) dst(%dma_wait3A_334 : memref<16384xf32, #tpu.memory_space<vmem>>)
    %dma_wait3A_336 = arith.constant 1 : i32
    %dma_wait3A_337 = arith.constant 0 : i32
    %dma_wait3A_338 = tpu.memref_slice %arg6[%dma_wait3A_336, %dma_wait3A_337] : memref<2x16384xf32, #tpu.memory_space<vmem>> -> memref<1x16384xf32, #tpu.memory_space<vmem>>
    %dma_wait3A_339 = tpu.memref_squeeze %dma_wait3A_338 : memref<1x16384xf32, #tpu.memory_space<vmem>> -> memref<16384xf32, #tpu.memory_space<vmem>>
    %dma_wait3A_340 = tpu.memref_slice %arg3[%add3A_247] : memref<16777216xf32, #tpu.memory_space<hbm>> -> memref<16384xf32, #tpu.memory_space<hbm>>
    %dma_wait3A_341 = arith.constant 0 : i32
    %dma_wait3A_342 = tpu.memref_slice %arg6[%dma_wait3A_336, %dma_wait3A_341] : memref<2x16384xf32, #tpu.memory_space<vmem>> -> memref<1x16384xf32, #tpu.memory_space<vmem>>
    %dma_wait3A_343 = tpu.memref_squeeze %dma_wait3A_342 : memref<1x16384xf32, #tpu.memory_space<vmem>> -> memref<16384xf32, #tpu.memory_space<vmem>>
    %dma_wait3A_344 = tpu.memref_slice %arg3[%add3A_247] : memref<16777216xf32, #tpu.memory_space<hbm>> -> memref<16384xf32, #tpu.memory_space<hbm>>
    tpu.wait_dma2 semaphore(%arg11 : memref<!tpu.dma_semaphore, #tpu.memory_space<semaphore_mem>>) src(%dma_wait3A_344 : memref<16384xf32, #tpu.memory_space<hbm>>) dst(%dma_wait3A_343 : memref<16384xf32, #tpu.memory_space<vmem>>)
    %dma_wait3A_345 = arith.constant 1 : i32
    %dma_wait3A_346 = arith.constant 0 : i32
    %dma_wait3A_347 = tpu.memref_slice %arg7[%dma_wait3A_345, %dma_wait3A_346] : memref<2x16384xf32, #tpu.memory_space<vmem>> -> memref<1x16384xf32, #tpu.memory_space<vmem>>
    %dma_wait3A_348 = tpu.memref_squeeze %dma_wait3A_347 : memref<1x16384xf32, #tpu.memory_space<vmem>> -> memref<16384xf32, #tpu.memory_space<vmem>>
    %dma_wait3A_349 = tpu.memref_slice %arg4[%add3A_236] : memref<5242880xf32, #tpu.memory_space<hbm>> -> memref<16384xf32, #tpu.memory_space<hbm>>
    %dma_wait3A_350 = tpu.memref_slice %arg4[%add3A_236] : memref<5242880xf32, #tpu.memory_space<hbm>> -> memref<16384xf32, #tpu.memory_space<hbm>>
    %dma_wait3A_351 = arith.constant 0 : i32
    %dma_wait3A_352 = tpu.memref_slice %arg7[%dma_wait3A_345, %dma_wait3A_351] : memref<2x16384xf32, #tpu.memory_space<vmem>> -> memref<1x16384xf32, #tpu.memory_space<vmem>>
    %dma_wait3A_353 = tpu.memref_squeeze %dma_wait3A_352 : memref<1x16384xf32, #tpu.memory_space<vmem>> -> memref<16384xf32, #tpu.memory_space<vmem>>
    tpu.wait_dma2 semaphore(%arg13 : memref<!tpu.dma_semaphore, #tpu.memory_space<semaphore_mem>>) src(%dma_wait3A_353 : memref<16384xf32, #tpu.memory_space<vmem>>) dst(%dma_wait3A_350 : memref<16384xf32, #tpu.memory_space<hbm>>)
    %parallel_loop3A_354 = arith.constant 0 : i32
    %parallel_loop3A_355 = arith.constant 16384 : i32
    %parallel_loop3A_356 = arith.constant 16 : i32
    scf.for %parallel_loop3A_610 = %parallel_loop3A_354 to %parallel_loop3A_355 step %parallel_loop3A_356  : i32 {
      %parallel_loop3A_611 = arith.constant 1 : i32
      %parallel_loop3A_612 = arith.index_cast %parallel_loop3A_611 : i32 to index
      %parallel_loop3A_613 = arith.index_cast %parallel_loop3A_610 : i32 to index
      %parallel_loop3A_614 = tpu.vector_load %arg5[%parallel_loop3A_612, %parallel_loop3A_613] {strides = array<i32>} : memref<2x16384xf32, #tpu.memory_space<vmem>>, vector<1x16xf32>,
      %parallel_loop3A_615 = vector.shape_cast %parallel_loop3A_614 : vector<1x16xf32> to vector<16xf32>
      %parallel_loop3A_616 = arith.constant 1 : i32
      %parallel_loop3A_617 = arith.index_cast %parallel_loop3A_616 : i32 to index
      %parallel_loop3A_618 = arith.index_cast %parallel_loop3A_610 : i32 to index
      %parallel_loop3A_619 = tpu.vector_load %arg6[%parallel_loop3A_617, %parallel_loop3A_618] {strides = array<i32>} : memref<2x16384xf32, #tpu.memory_space<vmem>>, vector<1x16xf32>,
      %parallel_loop3A_620 = vector.shape_cast %parallel_loop3A_619 : vector<1x16xf32> to vector<16xf32>
      %parallel_loop3A_621 = arith.constant 0.000000e+00 : f32
      %parallel_loop3A_622 = vector.broadcast %parallel_loop3A_621 : f32 to vector<16xf32>
      %parallel_loop3A_623 = arith.cmpf oeq, %parallel_loop3A_620, %parallel_loop3A_622 : vector<16xf32>
      %parallel_loop3A_624 = arith.divf %parallel_loop3A_615, %parallel_loop3A_620 : vector<16xf32>
      %parallel_loop3A_625 = arith.constant 0.000000e+00 : f32
      %parallel_loop3A_626 = vector.broadcast %parallel_loop3A_625 : f32 to vector<16xf32>
      %parallel_loop3A_627 = arith.select %parallel_loop3A_623, %parallel_loop3A_626, %parallel_loop3A_624 : vector<16xi1>, vector<16xf32>
      %parallel_loop3A_628 = arith.constant 1 : i32
      %parallel_loop3A_629 = arith.index_cast %parallel_loop3A_628 : i32 to index
      %parallel_loop3A_630 = arith.index_cast %parallel_loop3A_610 : i32 to index
      %parallel_loop3A_631 = tpu.vector_load %arg7[%parallel_loop3A_629, %parallel_loop3A_630] {strides = array<i32>} : memref<2x16384xf32, #tpu.memory_space<vmem>>, vector<1x16xf32>,
      %parallel_loop3A_632 = vector.shape_cast %parallel_loop3A_631 : vector<1x16xf32> to vector<16xf32>
      %parallel_loop3A_633 = vector.shape_cast %parallel_loop3A_627 : vector<16xf32> to vector<1x16xf32>
      tpu.vector_store %arg7[%parallel_loop3A_629, %parallel_loop3A_630], %parallel_loop3A_633 {strides = array<i32>} : memref<2x16384xf32, #tpu.memory_space<vmem>>, vector<1x16xf32>,
    } {sc.loop_unroll_factor = 8 : i64, sc.parallel_access}
    %add3A_357 = arith.constant 81920 : i32
    %add3A_358 = arith.addi %mul3A_2, %add3A_357 : i32
    %dma_start3A_359 = arith.constant 1 : i32
    %dma_start3A_360 = arith.constant 0 : i32
    %dma_start3A_361 = tpu.memref_slice %arg7[%dma_start3A_359, %dma_start3A_360] : memref<2x16384xf32, #tpu.memory_space<vmem>> -> memref<1x16384xf32, #tpu.memory_space<vmem>>
    %dma_start3A_362 = tpu.memref_squeeze %dma_start3A_361 : memref<1x16384xf32, #tpu.memory_space<vmem>> -> memref<16384xf32, #tpu.memory_space<vmem>>
    %dma_start3A_363 = tpu.memref_slice %arg4[%add3A_358] : memref<5242880xf32, #tpu.memory_space<hbm>> -> memref<16384xf32, #tpu.memory_space<hbm>>
    %dma_start3A_364 = tpu.memref_slice %arg4[%add3A_358] : memref<5242880xf32, #tpu.memory_space<hbm>> -> memref<16384xf32, #tpu.memory_space<hbm>>
    %dma_start3A_365 = arith.constant 0 : i32
    %dma_start3A_366 = tpu.memref_slice %arg7[%dma_start3A_359, %dma_start3A_365] : memref<2x16384xf32, #tpu.memory_space<vmem>> -> memref<1x16384xf32, #tpu.memory_space<vmem>>
    %dma_start3A_367 = tpu.memref_squeeze %dma_start3A_366 : memref<1x16384xf32, #tpu.memory_space<vmem>> -> memref<16384xf32, #tpu.memory_space<vmem>>
    tpu.enqueue_dma source(%dma_start3A_367 : memref<16384xf32, #tpu.memory_space<vmem>>) target(%dma_start3A_364 : memref<16384xf32, #tpu.memory_space<hbm>>) target_semaphore(%arg13 : memref<!tpu.dma_semaphore, #tpu.memory_space<semaphore_mem>>)
    %add3A_368 = arith.constant 114688 : i32
    %add3A_369 = arith.addi %mul3A_2, %add3A_368 : i32
    %dma_start3A_370 = arith.constant 1 : i32
    %dma_start3A_371 = arith.constant 0 : i32
    %dma_start3A_372 = tpu.memref_slice %arg5[%dma_start3A_370, %dma_start3A_371] : memref<2x16384xf32, #tpu.memory_space<vmem>> -> memref<1x16384xf32, #tpu.memory_space<vmem>>
    %dma_start3A_373 = tpu.memref_squeeze %dma_start3A_372 : memref<1x16384xf32, #tpu.memory_space<vmem>> -> memref<16384xf32, #tpu.memory_space<vmem>>
    %dma_start3A_374 = tpu.memref_slice %arg2[%add3A_369] : memref<16777216xf32, #tpu.memory_space<hbm>> -> memref<16384xf32, #tpu.memory_space<hbm>>
    %dma_start3A_375 = arith.constant 0 : i32
    %dma_start3A_376 = tpu.memref_slice %arg5[%dma_start3A_370, %dma_start3A_375] : memref<2x16384xf32, #tpu.memory_space<vmem>> -> memref<1x16384xf32, #tpu.memory_space<vmem>>
    %dma_start3A_377 = tpu.memref_squeeze %dma_start3A_376 : memref<1x16384xf32, #tpu.memory_space<vmem>> -> memref<16384xf32, #tpu.memory_space<vmem>>
    %dma_start3A_378 = tpu.memref_slice %arg2[%add3A_369] : memref<16777216xf32, #tpu.memory_space<hbm>> -> memref<16384xf32, #tpu.memory_space<hbm>>
    tpu.enqueue_dma source(%dma_start3A_378 : memref<16384xf32, #tpu.memory_space<hbm>>) target(%dma_start3A_377 : memref<16384xf32, #tpu.memory_space<vmem>>) target_semaphore(%arg9 : memref<!tpu.dma_semaphore, #tpu.memory_space<semaphore_mem>>)
    %dma_start3A_379 = arith.constant 1 : i32
    %dma_start3A_380 = arith.constant 0 : i32
    %dma_start3A_381 = tpu.memref_slice %arg6[%dma_start3A_379, %dma_start3A_380] : memref<2x16384xf32, #tpu.memory_space<vmem>> -> memref<1x16384xf32, #tpu.memory_space<vmem>>
    %dma_start3A_382 = tpu.memref_squeeze %dma_start3A_381 : memref<1x16384xf32, #tpu.memory_space<vmem>> -> memref<16384xf32, #tpu.memory_space<vmem>>
    %dma_start3A_383 = tpu.memref_slice %arg3[%add3A_369] : memref<16777216xf32, #tpu.memory_space<hbm>> -> memref<16384xf32, #tpu.memory_space<hbm>>
    %dma_start3A_384 = arith.constant 0 : i32
    %dma_start3A_385 = tpu.memref_slice %arg6[%dma_start3A_379, %dma_start3A_384] : memref<2x16384xf32, #tpu.memory_space<vmem>> -> memref<1x16384xf32, #tpu.memory_space<vmem>>
    %dma_start3A_386 = tpu.memref_squeeze %dma_start3A_385 : memref<1x16384xf32, #tpu.memory_space<vmem>> -> memref<16384xf32, #tpu.memory_space<vmem>>
    %dma_start3A_387 = tpu.memref_slice %arg3[%add3A_369] : memref<16777216xf32, #tpu.memory_space<hbm>> -> memref<16384xf32, #tpu.memory_space<hbm>>
    tpu.enqueue_dma source(%dma_start3A_387 : memref<16384xf32, #tpu.memory_space<hbm>>) target(%dma_start3A_386 : memref<16384xf32, #tpu.memory_space<vmem>>) target_semaphore(%arg11 : memref<!tpu.dma_semaphore, #tpu.memory_space<semaphore_mem>>)
    %dma_wait3A_388 = arith.constant 0 : i32
    %dma_wait3A_389 = arith.constant 0 : i32
    %dma_wait3A_390 = tpu.memref_slice %arg5[%dma_wait3A_388, %dma_wait3A_389] : memref<2x16384xf32, #tpu.memory_space<vmem>> -> memref<1x16384xf32, #tpu.memory_space<vmem>>
    %dma_wait3A_391 = tpu.memref_squeeze %dma_wait3A_390 : memref<1x16384xf32, #tpu.memory_space<vmem>> -> memref<16384xf32, #tpu.memory_space<vmem>>
    %dma_wait3A_392 = tpu.memref_slice %arg2[%add3A_308] : memref<16777216xf32, #tpu.memory_space<hbm>> -> memref<16384xf32, #tpu.memory_space<hbm>>
    %dma_wait3A_393 = arith.constant 0 : i32
    %dma_wait3A_394 = tpu.memref_slice %arg5[%dma_wait3A_388, %dma_wait3A_393] : memref<2x16384xf32, #tpu.memory_space<vmem>> -> memref<1x16384xf32, #tpu.memory_space<vmem>>
    %dma_wait3A_395 = tpu.memref_squeeze %dma_wait3A_394 : memref<1x16384xf32, #tpu.memory_space<vmem>> -> memref<16384xf32, #tpu.memory_space<vmem>>
    %dma_wait3A_396 = tpu.memref_slice %arg2[%add3A_308] : memref<16777216xf32, #tpu.memory_space<hbm>> -> memref<16384xf32, #tpu.memory_space<hbm>>
    tpu.wait_dma2 semaphore(%arg8 : memref<!tpu.dma_semaphore, #tpu.memory_space<semaphore_mem>>) src(%dma_wait3A_396 : memref<16384xf32, #tpu.memory_space<hbm>>) dst(%dma_wait3A_395 : memref<16384xf32, #tpu.memory_space<vmem>>)
    %dma_wait3A_397 = arith.constant 0 : i32
    %dma_wait3A_398 = arith.constant 0 : i32
    %dma_wait3A_399 = tpu.memref_slice %arg6[%dma_wait3A_397, %dma_wait3A_398] : memref<2x16384xf32, #tpu.memory_space<vmem>> -> memref<1x16384xf32, #tpu.memory_space<vmem>>
    %dma_wait3A_400 = tpu.memref_squeeze %dma_wait3A_399 : memref<1x16384xf32, #tpu.memory_space<vmem>> -> memref<16384xf32, #tpu.memory_space<vmem>>
    %dma_wait3A_401 = tpu.memref_slice %arg3[%add3A_308] : memref<16777216xf32, #tpu.memory_space<hbm>> -> memref<16384xf32, #tpu.memory_space<hbm>>
    %dma_wait3A_402 = arith.constant 0 : i32
    %dma_wait3A_403 = tpu.memref_slice %arg6[%dma_wait3A_397, %dma_wait3A_402] : memref<2x16384xf32, #tpu.memory_space<vmem>> -> memref<1x16384xf32, #tpu.memory_space<vmem>>
    %dma_wait3A_404 = tpu.memref_squeeze %dma_wait3A_403 : memref<1x16384xf32, #tpu.memory_space<vmem>> -> memref<16384xf32, #tpu.memory_space<vmem>>
    %dma_wait3A_405 = tpu.memref_slice %arg3[%add3A_308] : memref<16777216xf32, #tpu.memory_space<hbm>> -> memref<16384xf32, #tpu.memory_space<hbm>>
    tpu.wait_dma2 semaphore(%arg10 : memref<!tpu.dma_semaphore, #tpu.memory_space<semaphore_mem>>) src(%dma_wait3A_405 : memref<16384xf32, #tpu.memory_space<hbm>>) dst(%dma_wait3A_404 : memref<16384xf32, #tpu.memory_space<vmem>>)
    %dma_wait3A_406 = arith.constant 0 : i32
    %dma_wait3A_407 = arith.constant 0 : i32
    %dma_wait3A_408 = tpu.memref_slice %arg7[%dma_wait3A_406, %dma_wait3A_407] : memref<2x16384xf32, #tpu.memory_space<vmem>> -> memref<1x16384xf32, #tpu.memory_space<vmem>>
    %dma_wait3A_409 = tpu.memref_squeeze %dma_wait3A_408 : memref<1x16384xf32, #tpu.memory_space<vmem>> -> memref<16384xf32, #tpu.memory_space<vmem>>
    %dma_wait3A_410 = tpu.memref_slice %arg4[%add3A_297] : memref<5242880xf32, #tpu.memory_space<hbm>> -> memref<16384xf32, #tpu.memory_space<hbm>>
    %dma_wait3A_411 = tpu.memref_slice %arg4[%add3A_297] : memref<5242880xf32, #tpu.memory_space<hbm>> -> memref<16384xf32, #tpu.memory_space<hbm>>
    %dma_wait3A_412 = arith.constant 0 : i32
    %dma_wait3A_413 = tpu.memref_slice %arg7[%dma_wait3A_406, %dma_wait3A_412] : memref<2x16384xf32, #tpu.memory_space<vmem>> -> memref<1x16384xf32, #tpu.memory_space<vmem>>
    %dma_wait3A_414 = tpu.memref_squeeze %dma_wait3A_413 : memref<1x16384xf32, #tpu.memory_space<vmem>> -> memref<16384xf32, #tpu.memory_space<vmem>>
    tpu.wait_dma2 semaphore(%arg12 : memref<!tpu.dma_semaphore, #tpu.memory_space<semaphore_mem>>) src(%dma_wait3A_414 : memref<16384xf32, #tpu.memory_space<vmem>>) dst(%dma_wait3A_411 : memref<16384xf32, #tpu.memory_space<hbm>>)
    %parallel_loop3A_415 = arith.constant 0 : i32
    %parallel_loop3A_416 = arith.constant 16384 : i32
    %parallel_loop3A_417 = arith.constant 16 : i32
    scf.for %parallel_loop3A_610 = %parallel_loop3A_415 to %parallel_loop3A_416 step %parallel_loop3A_417  : i32 {
      %parallel_loop3A_611 = arith.constant 0 : i32
      %parallel_loop3A_612 = arith.index_cast %parallel_loop3A_611 : i32 to index
      %parallel_loop3A_613 = arith.index_cast %parallel_loop3A_610 : i32 to index
      %parallel_loop3A_614 = tpu.vector_load %arg5[%parallel_loop3A_612, %parallel_loop3A_613] {strides = array<i32>} : memref<2x16384xf32, #tpu.memory_space<vmem>>, vector<1x16xf32>,
      %parallel_loop3A_615 = vector.shape_cast %parallel_loop3A_614 : vector<1x16xf32> to vector<16xf32>
      %parallel_loop3A_616 = arith.constant 0 : i32
      %parallel_loop3A_617 = arith.index_cast %parallel_loop3A_616 : i32 to index
      %parallel_loop3A_618 = arith.index_cast %parallel_loop3A_610 : i32 to index
      %parallel_loop3A_619 = tpu.vector_load %arg6[%parallel_loop3A_617, %parallel_loop3A_618] {strides = array<i32>} : memref<2x16384xf32, #tpu.memory_space<vmem>>, vector<1x16xf32>,
      %parallel_loop3A_620 = vector.shape_cast %parallel_loop3A_619 : vector<1x16xf32> to vector<16xf32>
      %parallel_loop3A_621 = arith.constant 0.000000e+00 : f32
      %parallel_loop3A_622 = vector.broadcast %parallel_loop3A_621 : f32 to vector<16xf32>
      %parallel_loop3A_623 = arith.cmpf oeq, %parallel_loop3A_620, %parallel_loop3A_622 : vector<16xf32>
      %parallel_loop3A_624 = arith.divf %parallel_loop3A_615, %parallel_loop3A_620 : vector<16xf32>
      %parallel_loop3A_625 = arith.constant 0.000000e+00 : f32
      %parallel_loop3A_626 = vector.broadcast %parallel_loop3A_625 : f32 to vector<16xf32>
      %parallel_loop3A_627 = arith.select %parallel_loop3A_623, %parallel_loop3A_626, %parallel_loop3A_624 : vector<16xi1>, vector<16xf32>
      %parallel_loop3A_628 = arith.constant 0 : i32
      %parallel_loop3A_629 = arith.index_cast %parallel_loop3A_628 : i32 to index
      %parallel_loop3A_630 = arith.index_cast %parallel_loop3A_610 : i32 to index
      %parallel_loop3A_631 = tpu.vector_load %arg7[%parallel_loop3A_629, %parallel_loop3A_630] {strides = array<i32>} : memref<2x16384xf32, #tpu.memory_space<vmem>>, vector<1x16xf32>,
      %parallel_loop3A_632 = vector.shape_cast %parallel_loop3A_631 : vector<1x16xf32> to vector<16xf32>
      %parallel_loop3A_633 = vector.shape_cast %parallel_loop3A_627 : vector<16xf32> to vector<1x16xf32>
      tpu.vector_store %arg7[%parallel_loop3A_629, %parallel_loop3A_630], %parallel_loop3A_633 {strides = array<i32>} : memref<2x16384xf32, #tpu.memory_space<vmem>>, vector<1x16xf32>,
    } {sc.loop_unroll_factor = 8 : i64, sc.parallel_access}
    %add3A_418 = arith.constant 98304 : i32
    %add3A_419 = arith.addi %mul3A_2, %add3A_418 : i32
    %dma_start3A_420 = arith.constant 0 : i32
    %dma_start3A_421 = arith.constant 0 : i32
    %dma_start3A_422 = tpu.memref_slice %arg7[%dma_start3A_420, %dma_start3A_421] : memref<2x16384xf32, #tpu.memory_space<vmem>> -> memref<1x16384xf32, #tpu.memory_space<vmem>>
    %dma_start3A_423 = tpu.memref_squeeze %dma_start3A_422 : memref<1x16384xf32, #tpu.memory_space<vmem>> -> memref<16384xf32, #tpu.memory_space<vmem>>
    %dma_start3A_424 = tpu.memref_slice %arg4[%add3A_419] : memref<5242880xf32, #tpu.memory_space<hbm>> -> memref<16384xf32, #tpu.memory_space<hbm>>
    %dma_start3A_425 = tpu.memref_slice %arg4[%add3A_419] : memref<5242880xf32, #tpu.memory_space<hbm>> -> memref<16384xf32, #tpu.memory_space<hbm>>
    %dma_start3A_426 = arith.constant 0 : i32
    %dma_start3A_427 = tpu.memref_slice %arg7[%dma_start3A_420, %dma_start3A_426] : memref<2x16384xf32, #tpu.memory_space<vmem>> -> memref<1x16384xf32, #tpu.memory_space<vmem>>
    %dma_start3A_428 = tpu.memref_squeeze %dma_start3A_427 : memref<1x16384xf32, #tpu.memory_space<vmem>> -> memref<16384xf32, #tpu.memory_space<vmem>>
    tpu.enqueue_dma source(%dma_start3A_428 : memref<16384xf32, #tpu.memory_space<vmem>>) target(%dma_start3A_425 : memref<16384xf32, #tpu.memory_space<hbm>>) target_semaphore(%arg12 : memref<!tpu.dma_semaphore, #tpu.memory_space<semaphore_mem>>)
    %add3A_429 = arith.constant 131072 : i32
    %add3A_430 = arith.addi %mul3A_2, %add3A_429 : i32
    %dma_start3A_431 = arith.constant 0 : i32
    %dma_start3A_432 = arith.constant 0 : i32
    %dma_start3A_433 = tpu.memref_slice %arg5[%dma_start3A_431, %dma_start3A_432] : memref<2x16384xf32, #tpu.memory_space<vmem>> -> memref<1x16384xf32, #tpu.memory_space<vmem>>
    %dma_start3A_434 = tpu.memref_squeeze %dma_start3A_433 : memref<1x16384xf32, #tpu.memory_space<vmem>> -> memref<16384xf32, #tpu.memory_space<vmem>>
    %dma_start3A_435 = tpu.memref_slice %arg2[%add3A_430] : memref<16777216xf32, #tpu.memory_space<hbm>> -> memref<16384xf32, #tpu.memory_space<hbm>>
    %dma_start3A_436 = arith.constant 0 : i32
    %dma_start3A_437 = tpu.memref_slice %arg5[%dma_start3A_431, %dma_start3A_436] : memref<2x16384xf32, #tpu.memory_space<vmem>> -> memref<1x16384xf32, #tpu.memory_space<vmem>>
    %dma_start3A_438 = tpu.memref_squeeze %dma_start3A_437 : memref<1x16384xf32, #tpu.memory_space<vmem>> -> memref<16384xf32, #tpu.memory_space<vmem>>
    %dma_start3A_439 = tpu.memref_slice %arg2[%add3A_430] : memref<16777216xf32, #tpu.memory_space<hbm>> -> memref<16384xf32, #tpu.memory_space<hbm>>
    tpu.enqueue_dma source(%dma_start3A_439 : memref<16384xf32, #tpu.memory_space<hbm>>) target(%dma_start3A_438 : memref<16384xf32, #tpu.memory_space<vmem>>) target_semaphore(%arg8 : memref<!tpu.dma_semaphore, #tpu.memory_space<semaphore_mem>>)
    %dma_start3A_440 = arith.constant 0 : i32
    %dma_start3A_441 = arith.constant 0 : i32
    %dma_start3A_442 = tpu.memref_slice %arg6[%dma_start3A_440, %dma_start3A_441] : memref<2x16384xf32, #tpu.memory_space<vmem>> -> memref<1x16384xf32, #tpu.memory_space<vmem>>
    %dma_start3A_443 = tpu.memref_squeeze %dma_start3A_442 : memref<1x16384xf32, #tpu.memory_space<vmem>> -> memref<16384xf32, #tpu.memory_space<vmem>>
    %dma_start3A_444 = tpu.memref_slice %arg3[%add3A_430] : memref<16777216xf32, #tpu.memory_space<hbm>> -> memref<16384xf32, #tpu.memory_space<hbm>>
    %dma_start3A_445 = arith.constant 0 : i32
    %dma_start3A_446 = tpu.memref_slice %arg6[%dma_start3A_440, %dma_start3A_445] : memref<2x16384xf32, #tpu.memory_space<vmem>> -> memref<1x16384xf32, #tpu.memory_space<vmem>>
    %dma_start3A_447 = tpu.memref_squeeze %dma_start3A_446 : memref<1x16384xf32, #tpu.memory_space<vmem>> -> memref<16384xf32, #tpu.memory_space<vmem>>
    %dma_start3A_448 = tpu.memref_slice %arg3[%add3A_430] : memref<16777216xf32, #tpu.memory_space<hbm>> -> memref<16384xf32, #tpu.memory_space<hbm>>
    tpu.enqueue_dma source(%dma_start3A_448 : memref<16384xf32, #tpu.memory_space<hbm>>) target(%dma_start3A_447 : memref<16384xf32, #tpu.memory_space<vmem>>) target_semaphore(%arg10 : memref<!tpu.dma_semaphore, #tpu.memory_space<semaphore_mem>>)
    %dma_wait3A_449 = arith.constant 1 : i32
    %dma_wait3A_450 = arith.constant 0 : i32
    %dma_wait3A_451 = tpu.memref_slice %arg5[%dma_wait3A_449, %dma_wait3A_450] : memref<2x16384xf32, #tpu.memory_space<vmem>> -> memref<1x16384xf32, #tpu.memory_space<vmem>>
    %dma_wait3A_452 = tpu.memref_squeeze %dma_wait3A_451 : memref<1x16384xf32, #tpu.memory_space<vmem>> -> memref<16384xf32, #tpu.memory_space<vmem>>
    %dma_wait3A_453 = tpu.memref_slice %arg2[%add3A_369] : memref<16777216xf32, #tpu.memory_space<hbm>> -> memref<16384xf32, #tpu.memory_space<hbm>>
    %dma_wait3A_454 = arith.constant 0 : i32
    %dma_wait3A_455 = tpu.memref_slice %arg5[%dma_wait3A_449, %dma_wait3A_454] : memref<2x16384xf32, #tpu.memory_space<vmem>> -> memref<1x16384xf32, #tpu.memory_space<vmem>>
    %dma_wait3A_456 = tpu.memref_squeeze %dma_wait3A_455 : memref<1x16384xf32, #tpu.memory_space<vmem>> -> memref<16384xf32, #tpu.memory_space<vmem>>
    %dma_wait3A_457 = tpu.memref_slice %arg2[%add3A_369] : memref<16777216xf32, #tpu.memory_space<hbm>> -> memref<16384xf32, #tpu.memory_space<hbm>>
    tpu.wait_dma2 semaphore(%arg9 : memref<!tpu.dma_semaphore, #tpu.memory_space<semaphore_mem>>) src(%dma_wait3A_457 : memref<16384xf32, #tpu.memory_space<hbm>>) dst(%dma_wait3A_456 : memref<16384xf32, #tpu.memory_space<vmem>>)
    %dma_wait3A_458 = arith.constant 1 : i32
    %dma_wait3A_459 = arith.constant 0 : i32
    %dma_wait3A_460 = tpu.memref_slice %arg6[%dma_wait3A_458, %dma_wait3A_459] : memref<2x16384xf32, #tpu.memory_space<vmem>> -> memref<1x16384xf32, #tpu.memory_space<vmem>>
    %dma_wait3A_461 = tpu.memref_squeeze %dma_wait3A_460 : memref<1x16384xf32, #tpu.memory_space<vmem>> -> memref<16384xf32, #tpu.memory_space<vmem>>
    %dma_wait3A_462 = tpu.memref_slice %arg3[%add3A_369] : memref<16777216xf32, #tpu.memory_space<hbm>> -> memref<16384xf32, #tpu.memory_space<hbm>>
    %dma_wait3A_463 = arith.constant 0 : i32
    %dma_wait3A_464 = tpu.memref_slice %arg6[%dma_wait3A_458, %dma_wait3A_463] : memref<2x16384xf32, #tpu.memory_space<vmem>> -> memref<1x16384xf32, #tpu.memory_space<vmem>>
    %dma_wait3A_465 = tpu.memref_squeeze %dma_wait3A_464 : memref<1x16384xf32, #tpu.memory_space<vmem>> -> memref<16384xf32, #tpu.memory_space<vmem>>
    %dma_wait3A_466 = tpu.memref_slice %arg3[%add3A_369] : memref<16777216xf32, #tpu.memory_space<hbm>> -> memref<16384xf32, #tpu.memory_space<hbm>>
    tpu.wait_dma2 semaphore(%arg11 : memref<!tpu.dma_semaphore, #tpu.memory_space<semaphore_mem>>) src(%dma_wait3A_466 : memref<16384xf32, #tpu.memory_space<hbm>>) dst(%dma_wait3A_465 : memref<16384xf32, #tpu.memory_space<vmem>>)
    %dma_wait3A_467 = arith.constant 1 : i32
    %dma_wait3A_468 = arith.constant 0 : i32
    %dma_wait3A_469 = tpu.memref_slice %arg7[%dma_wait3A_467, %dma_wait3A_468] : memref<2x16384xf32, #tpu.memory_space<vmem>> -> memref<1x16384xf32, #tpu.memory_space<vmem>>
    %dma_wait3A_470 = tpu.memref_squeeze %dma_wait3A_469 : memref<1x16384xf32, #tpu.memory_space<vmem>> -> memref<16384xf32, #tpu.memory_space<vmem>>
    %dma_wait3A_471 = tpu.memref_slice %arg4[%add3A_358] : memref<5242880xf32, #tpu.memory_space<hbm>> -> memref<16384xf32, #tpu.memory_space<hbm>>
    %dma_wait3A_472 = tpu.memref_slice %arg4[%add3A_358] : memref<5242880xf32, #tpu.memory_space<hbm>> -> memref<16384xf32, #tpu.memory_space<hbm>>
    %dma_wait3A_473 = arith.constant 0 : i32
    %dma_wait3A_474 = tpu.memref_slice %arg7[%dma_wait3A_467, %dma_wait3A_473] : memref<2x16384xf32, #tpu.memory_space<vmem>> -> memref<1x16384xf32, #tpu.memory_space<vmem>>
    %dma_wait3A_475 = tpu.memref_squeeze %dma_wait3A_474 : memref<1x16384xf32, #tpu.memory_space<vmem>> -> memref<16384xf32, #tpu.memory_space<vmem>>
    tpu.wait_dma2 semaphore(%arg13 : memref<!tpu.dma_semaphore, #tpu.memory_space<semaphore_mem>>) src(%dma_wait3A_475 : memref<16384xf32, #tpu.memory_space<vmem>>) dst(%dma_wait3A_472 : memref<16384xf32, #tpu.memory_space<hbm>>)
    %parallel_loop3A_476 = arith.constant 0 : i32
    %parallel_loop3A_477 = arith.constant 16384 : i32
    %parallel_loop3A_478 = arith.constant 16 : i32
    scf.for %parallel_loop3A_610 = %parallel_loop3A_476 to %parallel_loop3A_477 step %parallel_loop3A_478  : i32 {
      %parallel_loop3A_611 = arith.constant 1 : i32
      %parallel_loop3A_612 = arith.index_cast %parallel_loop3A_611 : i32 to index
      %parallel_loop3A_613 = arith.index_cast %parallel_loop3A_610 : i32 to index
      %parallel_loop3A_614 = tpu.vector_load %arg5[%parallel_loop3A_612, %parallel_loop3A_613] {strides = array<i32>} : memref<2x16384xf32, #tpu.memory_space<vmem>>, vector<1x16xf32>,
      %parallel_loop3A_615 = vector.shape_cast %parallel_loop3A_614 : vector<1x16xf32> to vector<16xf32>
      %parallel_loop3A_616 = arith.constant 1 : i32
      %parallel_loop3A_617 = arith.index_cast %parallel_loop3A_616 : i32 to index
      %parallel_loop3A_618 = arith.index_cast %parallel_loop3A_610 : i32 to index
      %parallel_loop3A_619 = tpu.vector_load %arg6[%parallel_loop3A_617, %parallel_loop3A_618] {strides = array<i32>} : memref<2x16384xf32, #tpu.memory_space<vmem>>, vector<1x16xf32>,
      %parallel_loop3A_620 = vector.shape_cast %parallel_loop3A_619 : vector<1x16xf32> to vector<16xf32>
      %parallel_loop3A_621 = arith.constant 0.000000e+00 : f32
      %parallel_loop3A_622 = vector.broadcast %parallel_loop3A_621 : f32 to vector<16xf32>
      %parallel_loop3A_623 = arith.cmpf oeq, %parallel_loop3A_620, %parallel_loop3A_622 : vector<16xf32>
      %parallel_loop3A_624 = arith.divf %parallel_loop3A_615, %parallel_loop3A_620 : vector<16xf32>
      %parallel_loop3A_625 = arith.constant 0.000000e+00 : f32
      %parallel_loop3A_626 = vector.broadcast %parallel_loop3A_625 : f32 to vector<16xf32>
      %parallel_loop3A_627 = arith.select %parallel_loop3A_623, %parallel_loop3A_626, %parallel_loop3A_624 : vector<16xi1>, vector<16xf32>
      %parallel_loop3A_628 = arith.constant 1 : i32
      %parallel_loop3A_629 = arith.index_cast %parallel_loop3A_628 : i32 to index
      %parallel_loop3A_630 = arith.index_cast %parallel_loop3A_610 : i32 to index
      %parallel_loop3A_631 = tpu.vector_load %arg7[%parallel_loop3A_629, %parallel_loop3A_630] {strides = array<i32>} : memref<2x16384xf32, #tpu.memory_space<vmem>>, vector<1x16xf32>,
      %parallel_loop3A_632 = vector.shape_cast %parallel_loop3A_631 : vector<1x16xf32> to vector<16xf32>
      %parallel_loop3A_633 = vector.shape_cast %parallel_loop3A_627 : vector<16xf32> to vector<1x16xf32>
      tpu.vector_store %arg7[%parallel_loop3A_629, %parallel_loop3A_630], %parallel_loop3A_633 {strides = array<i32>} : memref<2x16384xf32, #tpu.memory_space<vmem>>, vector<1x16xf32>,
    } {sc.loop_unroll_factor = 8 : i64, sc.parallel_access}
    %add3A_479 = arith.constant 114688 : i32
    %add3A_480 = arith.addi %mul3A_2, %add3A_479 : i32
    %dma_start3A_481 = arith.constant 1 : i32
    %dma_start3A_482 = arith.constant 0 : i32
    %dma_start3A_483 = tpu.memref_slice %arg7[%dma_start3A_481, %dma_start3A_482] : memref<2x16384xf32, #tpu.memory_space<vmem>> -> memref<1x16384xf32, #tpu.memory_space<vmem>>
    %dma_start3A_484 = tpu.memref_squeeze %dma_start3A_483 : memref<1x16384xf32, #tpu.memory_space<vmem>> -> memref<16384xf32, #tpu.memory_space<vmem>>
    %dma_start3A_485 = tpu.memref_slice %arg4[%add3A_480] : memref<5242880xf32, #tpu.memory_space<hbm>> -> memref<16384xf32, #tpu.memory_space<hbm>>
    %dma_start3A_486 = tpu.memref_slice %arg4[%add3A_480] : memref<5242880xf32, #tpu.memory_space<hbm>> -> memref<16384xf32, #tpu.memory_space<hbm>>
    %dma_start3A_487 = arith.constant 0 : i32
    %dma_start3A_488 = tpu.memref_slice %arg7[%dma_start3A_481, %dma_start3A_487] : memref<2x16384xf32, #tpu.memory_space<vmem>> -> memref<1x16384xf32, #tpu.memory_space<vmem>>
    %dma_start3A_489 = tpu.memref_squeeze %dma_start3A_488 : memref<1x16384xf32, #tpu.memory_space<vmem>> -> memref<16384xf32, #tpu.memory_space<vmem>>
    tpu.enqueue_dma source(%dma_start3A_489 : memref<16384xf32, #tpu.memory_space<vmem>>) target(%dma_start3A_486 : memref<16384xf32, #tpu.memory_space<hbm>>) target_semaphore(%arg13 : memref<!tpu.dma_semaphore, #tpu.memory_space<semaphore_mem>>)
    %add3A_490 = arith.constant 147456 : i32
    %add3A_491 = arith.addi %mul3A_2, %add3A_490 : i32
    %dma_start3A_492 = arith.constant 1 : i32
    %dma_start3A_493 = arith.constant 0 : i32
    %dma_start3A_494 = tpu.memref_slice %arg5[%dma_start3A_492, %dma_start3A_493] : memref<2x16384xf32, #tpu.memory_space<vmem>> -> memref<1x16384xf32, #tpu.memory_space<vmem>>
    %dma_start3A_495 = tpu.memref_squeeze %dma_start3A_494 : memref<1x16384xf32, #tpu.memory_space<vmem>> -> memref<16384xf32, #tpu.memory_space<vmem>>
    %dma_start3A_496 = tpu.memref_slice %arg2[%add3A_491] : memref<16777216xf32, #tpu.memory_space<hbm>> -> memref<16384xf32, #tpu.memory_space<hbm>>
    %dma_start3A_497 = arith.constant 0 : i32
    %dma_start3A_498 = tpu.memref_slice %arg5[%dma_start3A_492, %dma_start3A_497] : memref<2x16384xf32, #tpu.memory_space<vmem>> -> memref<1x16384xf32, #tpu.memory_space<vmem>>
    %dma_start3A_499 = tpu.memref_squeeze %dma_start3A_498 : memref<1x16384xf32, #tpu.memory_space<vmem>> -> memref<16384xf32, #tpu.memory_space<vmem>>
    %dma_start3A_500 = tpu.memref_slice %arg2[%add3A_491] : memref<16777216xf32, #tpu.memory_space<hbm>> -> memref<16384xf32, #tpu.memory_space<hbm>>
    tpu.enqueue_dma source(%dma_start3A_500 : memref<16384xf32, #tpu.memory_space<hbm>>) target(%dma_start3A_499 : memref<16384xf32, #tpu.memory_space<vmem>>) target_semaphore(%arg9 : memref<!tpu.dma_semaphore, #tpu.memory_space<semaphore_mem>>)
    %dma_start3A_501 = arith.constant 1 : i32
    %dma_start3A_502 = arith.constant 0 : i32
    %dma_start3A_503 = tpu.memref_slice %arg6[%dma_start3A_501, %dma_start3A_502] : memref<2x16384xf32, #tpu.memory_space<vmem>> -> memref<1x16384xf32, #tpu.memory_space<vmem>>
    %dma_start3A_504 = tpu.memref_squeeze %dma_start3A_503 : memref<1x16384xf32, #tpu.memory_space<vmem>> -> memref<16384xf32, #tpu.memory_space<vmem>>
    %dma_start3A_505 = tpu.memref_slice %arg3[%add3A_491] : memref<16777216xf32, #tpu.memory_space<hbm>> -> memref<16384xf32, #tpu.memory_space<hbm>>
    %dma_start3A_506 = arith.constant 0 : i32
    %dma_start3A_507 = tpu.memref_slice %arg6[%dma_start3A_501, %dma_start3A_506] : memref<2x16384xf32, #tpu.memory_space<vmem>> -> memref<1x16384xf32, #tpu.memory_space<vmem>>
    %dma_start3A_508 = tpu.memref_squeeze %dma_start3A_507 : memref<1x16384xf32, #tpu.memory_space<vmem>> -> memref<16384xf32, #tpu.memory_space<vmem>>
    %dma_start3A_509 = tpu.memref_slice %arg3[%add3A_491] : memref<16777216xf32, #tpu.memory_space<hbm>> -> memref<16384xf32, #tpu.memory_space<hbm>>
    tpu.enqueue_dma source(%dma_start3A_509 : memref<16384xf32, #tpu.memory_space<hbm>>) target(%dma_start3A_508 : memref<16384xf32, #tpu.memory_space<vmem>>) target_semaphore(%arg11 : memref<!tpu.dma_semaphore, #tpu.memory_space<semaphore_mem>>)
    %dma_wait3A_510 = arith.constant 0 : i32
    %dma_wait3A_511 = arith.constant 0 : i32
    %dma_wait3A_512 = tpu.memref_slice %arg5[%dma_wait3A_510, %dma_wait3A_511] : memref<2x16384xf32, #tpu.memory_space<vmem>> -> memref<1x16384xf32, #tpu.memory_space<vmem>>
    %dma_wait3A_513 = tpu.memref_squeeze %dma_wait3A_512 : memref<1x16384xf32, #tpu.memory_space<vmem>> -> memref<16384xf32, #tpu.memory_space<vmem>>
    %dma_wait3A_514 = tpu.memref_slice %arg2[%add3A_430] : memref<16777216xf32, #tpu.memory_space<hbm>> -> memref<16384xf32, #tpu.memory_space<hbm>>
    %dma_wait3A_515 = arith.constant 0 : i32
    %dma_wait3A_516 = tpu.memref_slice %arg5[%dma_wait3A_510, %dma_wait3A_515] : memref<2x16384xf32, #tpu.memory_space<vmem>> -> memref<1x16384xf32, #tpu.memory_space<vmem>>
    %dma_wait3A_517 = tpu.memref_squeeze %dma_wait3A_516 : memref<1x16384xf32, #tpu.memory_space<vmem>> -> memref<16384xf32, #tpu.memory_space<vmem>>
    %dma_wait3A_518 = tpu.memref_slice %arg2[%add3A_430] : memref<16777216xf32, #tpu.memory_space<hbm>> -> memref<16384xf32, #tpu.memory_space<hbm>>
    tpu.wait_dma2 semaphore(%arg8 : memref<!tpu.dma_semaphore, #tpu.memory_space<semaphore_mem>>) src(%dma_wait3A_518 : memref<16384xf32, #tpu.memory_space<hbm>>) dst(%dma_wait3A_517 : memref<16384xf32, #tpu.memory_space<vmem>>)
    %dma_wait3A_519 = arith.constant 0 : i32
    %dma_wait3A_520 = arith.constant 0 : i32
    %dma_wait3A_521 = tpu.memref_slice %arg6[%dma_wait3A_519, %dma_wait3A_520] : memref<2x16384xf32, #tpu.memory_space<vmem>> -> memref<1x16384xf32, #tpu.memory_space<vmem>>
    %dma_wait3A_522 = tpu.memref_squeeze %dma_wait3A_521 : memref<1x16384xf32, #tpu.memory_space<vmem>> -> memref<16384xf32, #tpu.memory_space<vmem>>
    %dma_wait3A_523 = tpu.memref_slice %arg3[%add3A_430] : memref<16777216xf32, #tpu.memory_space<hbm>> -> memref<16384xf32, #tpu.memory_space<hbm>>
    %dma_wait3A_524 = arith.constant 0 : i32
    %dma_wait3A_525 = tpu.memref_slice %arg6[%dma_wait3A_519, %dma_wait3A_524] : memref<2x16384xf32, #tpu.memory_space<vmem>> -> memref<1x16384xf32, #tpu.memory_space<vmem>>
    %dma_wait3A_526 = tpu.memref_squeeze %dma_wait3A_525 : memref<1x16384xf32, #tpu.memory_space<vmem>> -> memref<16384xf32, #tpu.memory_space<vmem>>
    %dma_wait3A_527 = tpu.memref_slice %arg3[%add3A_430] : memref<16777216xf32, #tpu.memory_space<hbm>> -> memref<16384xf32, #tpu.memory_space<hbm>>
    tpu.wait_dma2 semaphore(%arg10 : memref<!tpu.dma_semaphore, #tpu.memory_space<semaphore_mem>>) src(%dma_wait3A_527 : memref<16384xf32, #tpu.memory_space<hbm>>) dst(%dma_wait3A_526 : memref<16384xf32, #tpu.memory_space<vmem>>)
    %dma_wait3A_528 = arith.constant 0 : i32
    %dma_wait3A_529 = arith.constant 0 : i32
    %dma_wait3A_530 = tpu.memref_slice %arg7[%dma_wait3A_528, %dma_wait3A_529] : memref<2x16384xf32, #tpu.memory_space<vmem>> -> memref<1x16384xf32, #tpu.memory_space<vmem>>
    %dma_wait3A_531 = tpu.memref_squeeze %dma_wait3A_530 : memref<1x16384xf32, #tpu.memory_space<vmem>> -> memref<16384xf32, #tpu.memory_space<vmem>>
    %dma_wait3A_532 = tpu.memref_slice %arg4[%add3A_419] : memref<5242880xf32, #tpu.memory_space<hbm>> -> memref<16384xf32, #tpu.memory_space<hbm>>
    %dma_wait3A_533 = tpu.memref_slice %arg4[%add3A_419] : memref<5242880xf32, #tpu.memory_space<hbm>> -> memref<16384xf32, #tpu.memory_space<hbm>>
    %dma_wait3A_534 = arith.constant 0 : i32
    %dma_wait3A_535 = tpu.memref_slice %arg7[%dma_wait3A_528, %dma_wait3A_534] : memref<2x16384xf32, #tpu.memory_space<vmem>> -> memref<1x16384xf32, #tpu.memory_space<vmem>>
    %dma_wait3A_536 = tpu.memref_squeeze %dma_wait3A_535 : memref<1x16384xf32, #tpu.memory_space<vmem>> -> memref<16384xf32, #tpu.memory_space<vmem>>
    tpu.wait_dma2 semaphore(%arg12 : memref<!tpu.dma_semaphore, #tpu.memory_space<semaphore_mem>>) src(%dma_wait3A_536 : memref<16384xf32, #tpu.memory_space<vmem>>) dst(%dma_wait3A_533 : memref<16384xf32, #tpu.memory_space<hbm>>)
    %parallel_loop3A_537 = arith.constant 0 : i32
    %parallel_loop3A_538 = arith.constant 16384 : i32
    %parallel_loop3A_539 = arith.constant 16 : i32
    scf.for %parallel_loop3A_610 = %parallel_loop3A_537 to %parallel_loop3A_538 step %parallel_loop3A_539  : i32 {
      %parallel_loop3A_611 = arith.constant 0 : i32
      %parallel_loop3A_612 = arith.index_cast %parallel_loop3A_611 : i32 to index
      %parallel_loop3A_613 = arith.index_cast %parallel_loop3A_610 : i32 to index
      %parallel_loop3A_614 = tpu.vector_load %arg5[%parallel_loop3A_612, %parallel_loop3A_613] {strides = array<i32>} : memref<2x16384xf32, #tpu.memory_space<vmem>>, vector<1x16xf32>,
      %parallel_loop3A_615 = vector.shape_cast %parallel_loop3A_614 : vector<1x16xf32> to vector<16xf32>
      %parallel_loop3A_616 = arith.constant 0 : i32
      %parallel_loop3A_617 = arith.index_cast %parallel_loop3A_616 : i32 to index
      %parallel_loop3A_618 = arith.index_cast %parallel_loop3A_610 : i32 to index
      %parallel_loop3A_619 = tpu.vector_load %arg6[%parallel_loop3A_617, %parallel_loop3A_618] {strides = array<i32>} : memref<2x16384xf32, #tpu.memory_space<vmem>>, vector<1x16xf32>,
      %parallel_loop3A_620 = vector.shape_cast %parallel_loop3A_619 : vector<1x16xf32> to vector<16xf32>
      %parallel_loop3A_621 = arith.constant 0.000000e+00 : f32
      %parallel_loop3A_622 = vector.broadcast %parallel_loop3A_621 : f32 to vector<16xf32>
      %parallel_loop3A_623 = arith.cmpf oeq, %parallel_loop3A_620, %parallel_loop3A_622 : vector<16xf32>
      %parallel_loop3A_624 = arith.divf %parallel_loop3A_615, %parallel_loop3A_620 : vector<16xf32>
      %parallel_loop3A_625 = arith.constant 0.000000e+00 : f32
      %parallel_loop3A_626 = vector.broadcast %parallel_loop3A_625 : f32 to vector<16xf32>
      %parallel_loop3A_627 = arith.select %parallel_loop3A_623, %parallel_loop3A_626, %parallel_loop3A_624 : vector<16xi1>, vector<16xf32>
      %parallel_loop3A_628 = arith.constant 0 : i32
      %parallel_loop3A_629 = arith.index_cast %parallel_loop3A_628 : i32 to index
      %parallel_loop3A_630 = arith.index_cast %parallel_loop3A_610 : i32 to index
      %parallel_loop3A_631 = tpu.vector_load %arg7[%parallel_loop3A_629, %parallel_loop3A_630] {strides = array<i32>} : memref<2x16384xf32, #tpu.memory_space<vmem>>, vector<1x16xf32>,
      %parallel_loop3A_632 = vector.shape_cast %parallel_loop3A_631 : vector<1x16xf32> to vector<16xf32>
      %parallel_loop3A_633 = vector.shape_cast %parallel_loop3A_627 : vector<16xf32> to vector<1x16xf32>
      tpu.vector_store %arg7[%parallel_loop3A_629, %parallel_loop3A_630], %parallel_loop3A_633 {strides = array<i32>} : memref<2x16384xf32, #tpu.memory_space<vmem>>, vector<1x16xf32>,
    } {sc.loop_unroll_factor = 8 : i64, sc.parallel_access}
    %add3A_540 = arith.constant 131072 : i32
    %add3A_541 = arith.addi %mul3A_2, %add3A_540 : i32
    %dma_start3A_542 = arith.constant 0 : i32
    %dma_start3A_543 = arith.constant 0 : i32
    %dma_start3A_544 = tpu.memref_slice %arg7[%dma_start3A_542, %dma_start3A_543] : memref<2x16384xf32, #tpu.memory_space<vmem>> -> memref<1x16384xf32, #tpu.memory_space<vmem>>
    %dma_start3A_545 = tpu.memref_squeeze %dma_start3A_544 : memref<1x16384xf32, #tpu.memory_space<vmem>> -> memref<16384xf32, #tpu.memory_space<vmem>>
    %dma_start3A_546 = tpu.memref_slice %arg4[%add3A_541] : memref<5242880xf32, #tpu.memory_space<hbm>> -> memref<16384xf32, #tpu.memory_space<hbm>>
    %dma_start3A_547 = tpu.memref_slice %arg4[%add3A_541] : memref<5242880xf32, #tpu.memory_space<hbm>> -> memref<16384xf32, #tpu.memory_space<hbm>>
    %dma_start3A_548 = arith.constant 0 : i32
    %dma_start3A_549 = tpu.memref_slice %arg7[%dma_start3A_542, %dma_start3A_548] : memref<2x16384xf32, #tpu.memory_space<vmem>> -> memref<1x16384xf32, #tpu.memory_space<vmem>>
    %dma_start3A_550 = tpu.memref_squeeze %dma_start3A_549 : memref<1x16384xf32, #tpu.memory_space<vmem>> -> memref<16384xf32, #tpu.memory_space<vmem>>
    tpu.enqueue_dma source(%dma_start3A_550 : memref<16384xf32, #tpu.memory_space<vmem>>) target(%dma_start3A_547 : memref<16384xf32, #tpu.memory_space<hbm>>) target_semaphore(%arg12 : memref<!tpu.dma_semaphore, #tpu.memory_space<semaphore_mem>>)
    %dma_wait3A_551 = arith.constant 1 : i32
    %dma_wait3A_552 = arith.constant 0 : i32
    %dma_wait3A_553 = tpu.memref_slice %arg5[%dma_wait3A_551, %dma_wait3A_552] : memref<2x16384xf32, #tpu.memory_space<vmem>> -> memref<1x16384xf32, #tpu.memory_space<vmem>>
    %dma_wait3A_554 = tpu.memref_squeeze %dma_wait3A_553 : memref<1x16384xf32, #tpu.memory_space<vmem>> -> memref<16384xf32, #tpu.memory_space<vmem>>
    %dma_wait3A_555 = tpu.memref_slice %arg2[%add3A_491] : memref<16777216xf32, #tpu.memory_space<hbm>> -> memref<16384xf32, #tpu.memory_space<hbm>>
    %dma_wait3A_556 = arith.constant 0 : i32
    %dma_wait3A_557 = tpu.memref_slice %arg5[%dma_wait3A_551, %dma_wait3A_556] : memref<2x16384xf32, #tpu.memory_space<vmem>> -> memref<1x16384xf32, #tpu.memory_space<vmem>>
    %dma_wait3A_558 = tpu.memref_squeeze %dma_wait3A_557 : memref<1x16384xf32, #tpu.memory_space<vmem>> -> memref<16384xf32, #tpu.memory_space<vmem>>
    %dma_wait3A_559 = tpu.memref_slice %arg2[%add3A_491] : memref<16777216xf32, #tpu.memory_space<hbm>> -> memref<16384xf32, #tpu.memory_space<hbm>>
    tpu.wait_dma2 semaphore(%arg9 : memref<!tpu.dma_semaphore, #tpu.memory_space<semaphore_mem>>) src(%dma_wait3A_559 : memref<16384xf32, #tpu.memory_space<hbm>>) dst(%dma_wait3A_558 : memref<16384xf32, #tpu.memory_space<vmem>>)
    %dma_wait3A_560 = arith.constant 1 : i32
    %dma_wait3A_561 = arith.constant 0 : i32
    %dma_wait3A_562 = tpu.memref_slice %arg6[%dma_wait3A_560, %dma_wait3A_561] : memref<2x16384xf32, #tpu.memory_space<vmem>> -> memref<1x16384xf32, #tpu.memory_space<vmem>>
    %dma_wait3A_563 = tpu.memref_squeeze %dma_wait3A_562 : memref<1x16384xf32, #tpu.memory_space<vmem>> -> memref<16384xf32, #tpu.memory_space<vmem>>
    %dma_wait3A_564 = tpu.memref_slice %arg3[%add3A_491] : memref<16777216xf32, #tpu.memory_space<hbm>> -> memref<16384xf32, #tpu.memory_space<hbm>>
    %dma_wait3A_565 = arith.constant 0 : i32
    %dma_wait3A_566 = tpu.memref_slice %arg6[%dma_wait3A_560, %dma_wait3A_565] : memref<2x16384xf32, #tpu.memory_space<vmem>> -> memref<1x16384xf32, #tpu.memory_space<vmem>>
    %dma_wait3A_567 = tpu.memref_squeeze %dma_wait3A_566 : memref<1x16384xf32, #tpu.memory_space<vmem>> -> memref<16384xf32, #tpu.memory_space<vmem>>
    %dma_wait3A_568 = tpu.memref_slice %arg3[%add3A_491] : memref<16777216xf32, #tpu.memory_space<hbm>> -> memref<16384xf32, #tpu.memory_space<hbm>>
    tpu.wait_dma2 semaphore(%arg11 : memref<!tpu.dma_semaphore, #tpu.memory_space<semaphore_mem>>) src(%dma_wait3A_568 : memref<16384xf32, #tpu.memory_space<hbm>>) dst(%dma_wait3A_567 : memref<16384xf32, #tpu.memory_space<vmem>>)
    %dma_wait3A_569 = arith.constant 1 : i32
    %dma_wait3A_570 = arith.constant 0 : i32
    %dma_wait3A_571 = tpu.memref_slice %arg7[%dma_wait3A_569, %dma_wait3A_570] : memref<2x16384xf32, #tpu.memory_space<vmem>> -> memref<1x16384xf32, #tpu.memory_space<vmem>>
    %dma_wait3A_572 = tpu.memref_squeeze %dma_wait3A_571 : memref<1x16384xf32, #tpu.memory_space<vmem>> -> memref<16384xf32, #tpu.memory_space<vmem>>
    %dma_wait3A_573 = tpu.memref_slice %arg4[%add3A_480] : memref<5242880xf32, #tpu.memory_space<hbm>> -> memref<16384xf32, #tpu.memory_space<hbm>>
    %dma_wait3A_574 = tpu.memref_slice %arg4[%add3A_480] : memref<5242880xf32, #tpu.memory_space<hbm>> -> memref<16384xf32, #tpu.memory_space<hbm>>
    %dma_wait3A_575 = arith.constant 0 : i32
    %dma_wait3A_576 = tpu.memref_slice %arg7[%dma_wait3A_569, %dma_wait3A_575] : memref<2x16384xf32, #tpu.memory_space<vmem>> -> memref<1x16384xf32, #tpu.memory_space<vmem>>
    %dma_wait3A_577 = tpu.memref_squeeze %dma_wait3A_576 : memref<1x16384xf32, #tpu.memory_space<vmem>> -> memref<16384xf32, #tpu.memory_space<vmem>>
    tpu.wait_dma2 semaphore(%arg13 : memref<!tpu.dma_semaphore, #tpu.memory_space<semaphore_mem>>) src(%dma_wait3A_577 : memref<16384xf32, #tpu.memory_space<vmem>>) dst(%dma_wait3A_574 : memref<16384xf32, #tpu.memory_space<hbm>>)
    %parallel_loop3A_578 = arith.constant 0 : i32
    %parallel_loop3A_579 = arith.constant 16384 : i32
    %parallel_loop3A_580 = arith.constant 16 : i32
    scf.for %parallel_loop3A_610 = %parallel_loop3A_578 to %parallel_loop3A_579 step %parallel_loop3A_580  : i32 {
      %parallel_loop3A_611 = arith.constant 1 : i32
      %parallel_loop3A_612 = arith.index_cast %parallel_loop3A_611 : i32 to index
      %parallel_loop3A_613 = arith.index_cast %parallel_loop3A_610 : i32 to index
      %parallel_loop3A_614 = tpu.vector_load %arg5[%parallel_loop3A_612, %parallel_loop3A_613] {strides = array<i32>} : memref<2x16384xf32, #tpu.memory_space<vmem>>, vector<1x16xf32>,
      %parallel_loop3A_615 = vector.shape_cast %parallel_loop3A_614 : vector<1x16xf32> to vector<16xf32>
      %parallel_loop3A_616 = arith.constant 1 : i32
      %parallel_loop3A_617 = arith.index_cast %parallel_loop3A_616 : i32 to index
      %parallel_loop3A_618 = arith.index_cast %parallel_loop3A_610 : i32 to index
      %parallel_loop3A_619 = tpu.vector_load %arg6[%parallel_loop3A_617, %parallel_loop3A_618] {strides = array<i32>} : memref<2x16384xf32, #tpu.memory_space<vmem>>, vector<1x16xf32>,
      %parallel_loop3A_620 = vector.shape_cast %parallel_loop3A_619 : vector<1x16xf32> to vector<16xf32>
      %parallel_loop3A_621 = arith.constant 0.000000e+00 : f32
      %parallel_loop3A_622 = vector.broadcast %parallel_loop3A_621 : f32 to vector<16xf32>
      %parallel_loop3A_623 = arith.cmpf oeq, %parallel_loop3A_620, %parallel_loop3A_622 : vector<16xf32>
      %parallel_loop3A_624 = arith.divf %parallel_loop3A_615, %parallel_loop3A_620 : vector<16xf32>
      %parallel_loop3A_625 = arith.constant 0.000000e+00 : f32
      %parallel_loop3A_626 = vector.broadcast %parallel_loop3A_625 : f32 to vector<16xf32>
      %parallel_loop3A_627 = arith.select %parallel_loop3A_623, %parallel_loop3A_626, %parallel_loop3A_624 : vector<16xi1>, vector<16xf32>
      %parallel_loop3A_628 = arith.constant 1 : i32
      %parallel_loop3A_629 = arith.index_cast %parallel_loop3A_628 : i32 to index
      %parallel_loop3A_630 = arith.index_cast %parallel_loop3A_610 : i32 to index
      %parallel_loop3A_631 = tpu.vector_load %arg7[%parallel_loop3A_629, %parallel_loop3A_630] {strides = array<i32>} : memref<2x16384xf32, #tpu.memory_space<vmem>>, vector<1x16xf32>,
      %parallel_loop3A_632 = vector.shape_cast %parallel_loop3A_631 : vector<1x16xf32> to vector<16xf32>
      %parallel_loop3A_633 = vector.shape_cast %parallel_loop3A_627 : vector<16xf32> to vector<1x16xf32>
      tpu.vector_store %arg7[%parallel_loop3A_629, %parallel_loop3A_630], %parallel_loop3A_633 {strides = array<i32>} : memref<2x16384xf32, #tpu.memory_space<vmem>>, vector<1x16xf32>,
    } {sc.loop_unroll_factor = 8 : i64, sc.parallel_access}
    %add3A_581 = arith.constant 147456 : i32
    %add3A_582 = arith.addi %mul3A_2, %add3A_581 : i32
    %dma_start3A_583 = arith.constant 1 : i32
    %dma_start3A_584 = arith.constant 0 : i32
    %dma_start3A_585 = tpu.memref_slice %arg7[%dma_start3A_583, %dma_start3A_584] : memref<2x16384xf32, #tpu.memory_space<vmem>> -> memref<1x16384xf32, #tpu.memory_space<vmem>>
    %dma_start3A_586 = tpu.memref_squeeze %dma_start3A_585 : memref<1x16384xf32, #tpu.memory_space<vmem>> -> memref<16384xf32, #tpu.memory_space<vmem>>
    %dma_start3A_587 = tpu.memref_slice %arg4[%add3A_582] : memref<5242880xf32, #tpu.memory_space<hbm>> -> memref<16384xf32, #tpu.memory_space<hbm>>
    %dma_start3A_588 = tpu.memref_slice %arg4[%add3A_582] : memref<5242880xf32, #tpu.memory_space<hbm>> -> memref<16384xf32, #tpu.memory_space<hbm>>
    %dma_start3A_589 = arith.constant 0 : i32
    %dma_start3A_590 = tpu.memref_slice %arg7[%dma_start3A_583, %dma_start3A_589] : memref<2x16384xf32, #tpu.memory_space<vmem>> -> memref<1x16384xf32, #tpu.memory_space<vmem>>
    %dma_start3A_591 = tpu.memref_squeeze %dma_start3A_590 : memref<1x16384xf32, #tpu.memory_space<vmem>> -> memref<16384xf32, #tpu.memory_space<vmem>>
    tpu.enqueue_dma source(%dma_start3A_591 : memref<16384xf32, #tpu.memory_space<vmem>>) target(%dma_start3A_588 : memref<16384xf32, #tpu.memory_space<hbm>>) target_semaphore(%arg13 : memref<!tpu.dma_semaphore, #tpu.memory_space<semaphore_mem>>)
    %dma_wait3A_592 = arith.constant 0 : i32
    %dma_wait3A_593 = arith.constant 0 : i32
    %dma_wait3A_594 = tpu.memref_slice %arg7[%dma_wait3A_592, %dma_wait3A_593] : memref<2x16384xf32, #tpu.memory_space<vmem>> -> memref<1x16384xf32, #tpu.memory_space<vmem>>
    %dma_wait3A_595 = tpu.memref_squeeze %dma_wait3A_594 : memref<1x16384xf32, #tpu.memory_space<vmem>> -> memref<16384xf32, #tpu.memory_space<vmem>>
    %dma_wait3A_596 = tpu.memref_slice %arg4[%add3A_541] : memref<5242880xf32, #tpu.memory_space<hbm>> -> memref<16384xf32, #tpu.memory_space<hbm>>
    %dma_wait3A_597 = tpu.memref_slice %arg4[%add3A_541] : memref<5242880xf32, #tpu.memory_space<hbm>> -> memref<16384xf32, #tpu.memory_space<hbm>>
    %dma_wait3A_598 = arith.constant 0 : i32
    %dma_wait3A_599 = tpu.memref_slice %arg7[%dma_wait3A_592, %dma_wait3A_598] : memref<2x16384xf32, #tpu.memory_space<vmem>> -> memref<1x16384xf32, #tpu.memory_space<vmem>>
    %dma_wait3A_600 = tpu.memref_squeeze %dma_wait3A_599 : memref<1x16384xf32, #tpu.memory_space<vmem>> -> memref<16384xf32, #tpu.memory_space<vmem>>
    tpu.wait_dma2 semaphore(%arg12 : memref<!tpu.dma_semaphore, #tpu.memory_space<semaphore_mem>>) src(%dma_wait3A_600 : memref<16384xf32, #tpu.memory_space<vmem>>) dst(%dma_wait3A_597 : memref<16384xf32, #tpu.memory_space<hbm>>)
    %dma_wait3A_601 = arith.constant 1 : i32
    %dma_wait3A_602 = arith.constant 0 : i32
    %dma_wait3A_603 = tpu.memref_slice %arg7[%dma_wait3A_601, %dma_wait3A_602] : memref<2x16384xf32, #tpu.memory_space<vmem>> -> memref<1x16384xf32, #tpu.memory_space<vmem>>
    %dma_wait3A_604 = tpu.memref_squeeze %dma_wait3A_603 : memref<1x16384xf32, #tpu.memory_space<vmem>> -> memref<16384xf32, #tpu.memory_space<vmem>>
    %dma_wait3A_605 = tpu.memref_slice %arg4[%add3A_582] : memref<5242880xf32, #tpu.memory_space<hbm>> -> memref<16384xf32, #tpu.memory_space<hbm>>
    %dma_wait3A_606 = tpu.memref_slice %arg4[%add3A_582] : memref<5242880xf32, #tpu.memory_space<hbm>> -> memref<16384xf32, #tpu.memory_space<hbm>>
    %dma_wait3A_607 = arith.constant 0 : i32
    %dma_wait3A_608 = tpu.memref_slice %arg7[%dma_wait3A_601, %dma_wait3A_607] : memref<2x16384xf32, #tpu.memory_space<vmem>> -> memref<1x16384xf32, #tpu.memory_space<vmem>>
    %dma_wait3A_609 = tpu.memref_squeeze %dma_wait3A_608 : memref<1x16384xf32, #tpu.memory_space<vmem>> -> memref<16384xf32, #tpu.memory_space<vmem>>
    tpu.wait_dma2 semaphore(%arg13 : memref<!tpu.dma_semaphore, #tpu.memory_space<semaphore_mem>>) src(%dma_wait3A_609 : memref<16384xf32, #tpu.memory_space<vmem>>) dst(%dma_wait3A_606 : memref<16384xf32, #tpu.memory_space<hbm>>)
    return
  }
}

module attributes {stable_mosaic.version = 14 : i64} {
  func.func @_tc_div_body(%arg0: i32, %arg1: memref<8192x128xf32, #tpu.memory_space<vmem>>, %arg2: memref<8192x128xf32, #tpu.memory_space<vmem>>, %arg3: memref<8192x128xf32, #tpu.memory_space<vmem>>) attributes {dimension_semantics = [#tpu.dimension_semantics<arbitrary>], iteration_bounds = array<i64: 11>, scalar_prefetch = 0 : i64, scratch_operands = 0 : i64, tpu.core_type = #tpu.core_type<tc>, window_params = [{transform_indices = @transform_0, window_bounds = array<i64: 8192, 128>}, {transform_indices = @transform_1, window_bounds = array<i64: 8192, 128>}, {transform_indices = @transform_2, window_bounds = array<i64: 8192, 128>}]} {
    %get3A = arith.constant 0 : index
    %get3A_0 = arith.constant 0 : index
    %get3A_1 = vector.load %arg1[%get3A, %get3A_0] : memref<8192x128xf32, #tpu.memory_space<vmem>>, vector<8192x128xf32>
    %get3A_2 = arith.constant 0 : index
    %get3A_3 = arith.constant 0 : index
    %get3A_4 = vector.load %arg2[%get3A_2, %get3A_3] : memref<8192x128xf32, #tpu.memory_space<vmem>>, vector<8192x128xf32>
    %eq3A = arith.constant 0.000000e+00 : f32
    %eq3A_5 = vector.broadcast %eq3A : f32 to vector<8192x128xf32>
    %eq3A_6 = arith.cmpf oeq, %get3A_4, %eq3A_5 : vector<8192x128xf32>
    %div3A = arith.divf %get3A_1, %get3A_4 : vector<8192x128xf32>
    %jit3A = arith.constant 0.000000e+00 : f32
    %broadcast_in_dim3A = vector.broadcast %jit3A : f32 to vector<8192x128xf32>
    %select_n3A = arith.select %eq3A_6, %broadcast_in_dim3A, %div3A : vector<8192x128xi1>, vector<8192x128xf32>
    %swap3A = arith.constant 0 : index
    %swap3A_7 = arith.constant 0 : index
    %swap3A_8 = vector.load %arg3[%swap3A, %swap3A_7] : memref<8192x128xf32, #tpu.memory_space<vmem>>, vector<8192x128xf32>
    tpu.vector_store %arg3[%swap3A, %swap3A_7], %select_n3A {strides = array<i32>} : memref<8192x128xf32, #tpu.memory_space<vmem>>, vector<8192x128xf32>,
    return
  }
  func.func @transform_0(%arg0: i32) -> (i32, i32) {
    %add3A = arith.constant 5 : i32
    %add3A_0 = arith.addi %add3A, %arg0 : i32
    %c0_i32 = arith.constant 0 : i32
    %c0_i32_1 = arith.constant 0 : i32
    return %add3A_0, %c0_i32 : i32, i32
  }
  func.func @transform_1(%arg0: i32) -> (i32, i32) {
    %add3A = arith.constant 5 : i32
    %add3A_0 = arith.addi %add3A, %arg0 : i32
    %c0_i32 = arith.constant 0 : i32
    %c0_i32_1 = arith.constant 0 : i32
    return %add3A_0, %c0_i32 : i32, i32
  }
  func.func @transform_2(%arg0: i32) -> (i32, i32) {
    %add3A = arith.constant 5 : i32
    %add3A_0 = arith.addi %add3A, %arg0 : i32
    %c0_i32 = arith.constant 0 : i32
    %c0_i32_1 = arith.constant 0 : i32
    return %add3A_0, %c0_i32 : i32, i32
  }
}

module attributes {stable_mosaic.version = 14 : i64} {
  func.func @_tc_merge_body(%arg0: i32, %arg1: memref<8192x128xf32, #tpu.memory_space<vmem>>, %arg2: memref<8192x128xf32, #tpu.memory_space<vmem>>, %arg3: memref<8192x128xf32, #tpu.memory_space<vmem>>) attributes {dimension_semantics = [#tpu.dimension_semantics<arbitrary>], iteration_bounds = array<i64: 5>, scalar_prefetch = 0 : i64, scratch_operands = 0 : i64, tpu.core_type = #tpu.core_type<tc>, window_params = [{transform_indices = @transform_0, window_bounds = array<i64: 8192, 128>}, {transform_indices = @transform_1, window_bounds = array<i64: 8192, 128>}, {transform_indices = @transform_2, window_bounds = array<i64: 8192, 128>}]} {
    %get3A = arith.constant 0 : index
    %get3A_0 = arith.constant 0 : index
    %get3A_1 = vector.load %arg1[%get3A, %get3A_0] : memref<8192x128xf32, #tpu.memory_space<vmem>>, vector<8192x128xf32>
    %swap3A = arith.constant 0 : index
    %swap3A_2 = arith.constant 0 : index
    %swap3A_3 = vector.load %arg3[%swap3A, %swap3A_2] : memref<8192x128xf32, #tpu.memory_space<vmem>>, vector<8192x128xf32>
    tpu.vector_store %arg3[%swap3A, %swap3A_2], %get3A_1 {strides = array<i32>} : memref<8192x128xf32, #tpu.memory_space<vmem>>, vector<8192x128xf32>,
    return
  }
  func.func @transform_0(%arg0: i32) -> (i32, i32) {
    %c0_i32 = arith.constant 0 : i32
    %c0_i32_0 = arith.constant 0 : i32
    return %arg0, %c0_i32 : i32, i32
  }
  func.func @transform_1(%arg0: i32) -> (i32, i32) {
    %c0_i32 = arith.constant 0 : i32
    %c0_i32_0 = arith.constant 0 : i32
    return %arg0, %c0_i32 : i32, i32
  }
  func.func @transform_2(%arg0: i32) -> (i32, i32) {
    %c0_i32 = arith.constant 0 : i32
    %c0_i32_0 = arith.constant 0 : i32
    return %arg0, %c0_i32 : i32, i32
  }
}

</mosaic_0001>

<sc_bundles>
// kernel: kernel.5.cloned.1.call-start
scs
__scs_entry_jumppad:
0x0: {  	(pc) =	sbr.rel $0x88, $3  }
0x1: {  	(tag) =	ssettag $0x0;
	lr =	simm.s32 $0x1  }
0x2: {  	[smem:$0x3F9F] =	sst lr;
	_ =	strace $0xD0000000  }
0x3: {  	_ = 	snop  }
0x4: {  	_ = 	snop  }
0x5: {  	_ = 	snop  }
0x6: {  	_ = 	snop  }
0x7: {  	_ = 	snop  }
__scs_overlays_trampoline_lowered:
0x8: {  	[smem:$0x3FAE] =	sst s0  }
0x9: {  	[smem:$0x3FAF] =	sst s1  }
0xa: {  	[smem:$0x3FB0] =	sst s2  }
0xb: {  	[smem:$0x3FB1] =	sst s3  }
0xc: {  	[smem:$0x3FB2] =	sst s4  }
0xd: {  	[smem:$0x3FB3] =	sst s5  }
0xe: {  	[smem:$0x3FB4] =	sst s6  }
0xf: {  	[smem:$0x3FB5] =	sst s7  }
0x10: {  	[smem:$0x3FB6] =	sst s8  }
0x11: {  	[smem:$0x3FB7] =	sst s9;
	s0 =	simm.s32 @!p0 $0x0  }
0x12: {  	s1 =	sld [smem:$0x3F9D];
	s0 =	simm.s32 @p0 $0x1  }
0x13: {  	[smem:$0x3FB8] =	sst s0;
	s0 =	simm.s32 @!p1 $0x0  }
0x14: {  	s2 =	sld [smem:$0x3F9C];
	s0 =	simm.s32 @p1 $0x1  }
0x15: {  	[smem:$0x3FB9] =	sst s0;
	s0 =	simm.s32 @!p2 $0x0  }
0x16: {  	s3 =	sld [smem:$0x3FDB];
	s0 =	simm.s32 @p2 $0x1  }
0x17: {  	s4 =	simm.s32 $0x1BF5;
	[smem:$0x3FBB] =	sst s0  }
0x18: {  	s0 =	sld [smem:$0x3F9E];
	_ =	swait.ge [sflag:s4], $0x0  }
0x19: {  	s7 =	sld [smem:$0x3F9F]  }
0x1a: {  	s8 =	sadd.s32 $0xFFFFE003, lr  }
0x1b: {  	s9 =	sadd.s32 $0xFFFFFEF7, lr;
	s5 =	simm.s32 $0xFFFFFFFF;
	p2 =	slt.u32 s8, $0xFFFFF086  }
0x1c: {  	p1 =	slt.u32 s9, $0xF7A;
	s5 =	simm.s32 @!p2 $0x0  }
0x1d: {  	s5 =	simm.s32 @p1 $0x1;
	p0 =	seq.s32 s7, s2  }
0x1e: {  	s7 =	smul.u32 @!p0 $0xF7A, s2;
	p2 =	seq.s32 @!p0 s5, $0x0  }
0x1f: {  	s9 =	smul.u32 $0xF7A, s1;
	s8 =	simm.s32 @!p0 $0x1BF5;
	p2 =	por !p2, p0  }
0x20: {  	[sflag:s8] =	ssyncset.s32 @!p0 $0xFFFFF086;
	s6 =	sadd.s32 @!p0 s3, s7;
	s7 =	simm.s32 @!p0 $0x108  }
0x21: {  	s3 =	sadd.s32 s3, s9;
	s6 =	sadd.s32 @!p0 $0x88, s6;
	s7 =	simm.s32 @p2 $0x1082  }
0x22: {  	[simem:s7], [sflag:s8] =	dma.local @!p0 [hbm:s6], $0xF7A  }
0x23: {  	s9 =	sor.u32 $0xD0000000, s2;
	s6 =	simm.s32 $0x108;
	_ =	swait.ge @!p0 [sflag:s8], $0x0  }
0x24: {  	s3 =	sadd.s32 $0x88, s3;
	s6 =	simm.s32 @!p1 $0x1082;
	[sflag:s4] =	ssyncset.s32 $0xFFFFF086  }
0x25: {  	[simem:s6], [sflag:s4] =	dma.local [hbm:s3], $0xF7A  }
0x26: {  	[smem:$0x3F9F] =	sst s1;
	(tag) =	ssettag s2;
	_ =	strace s9  }
0x27: {  	s1 =	sld [smem:$0x3FAF]  }
0x28: {  	s2 =	sld [smem:$0x3FB0]  }
0x29: {  	s4 =	sld [smem:$0x3FB2]  }
0x2a: {  	p0 =	seq.s32 s5, $0x0;
	s5 =	sld [smem:$0x3FB3]  }
0x2b: {  	s6 =	sld [smem:$0x3FB4]  }
0x2c: {  	s7 =	sld [smem:$0x3FB5]  }
0x2d: {  	s3 =	simm.s32 $0x108;
	s8 =	sld [smem:$0x3FB6]  }
0x2e: {  	s3 =	simm.s32 @!p0 $0x1082;
	s9 =	sld [smem:$0x3FB7]  }
0x2f: {  	lr =	sadd.s32 s0, s3;
	s0 =	sld [smem:$0x3FAE]  }
0x30: {  	s3 =	sld [smem:$0x3FB1]  }
0x31: {  	[smem:$0x3FBA] =	sst s10  }
0x32: {  	s10 =	sld [smem:$0x3FB8];
	_ =	sdelay $0x3  }
0x33: {  	p0 =	seq.s32 s10, $0x1;
	s10 =	sld [smem:$0x3FBA];
	_ =	sdelay $0x3  }
0x34: {  	[smem:$0x3FBA] =	sst s10  }
0x35: {  	s10 =	sld [smem:$0x3FB9];
	_ =	sdelay $0x3  }
0x36: {  	p1 =	seq.s32 s10, $0x1;
	s10 =	sld [smem:$0x3FBA];
	_ =	sdelay $0x3  }
0x37: {  	[smem:$0x3FBA] =	sst s10  }
0x38: {  	s10 =	sld [smem:$0x3FBB]  }
0x39: {  	_ = 	snop;
	(pc) =	sbr.ind lr, $3  }
0x3a: {  	_ = 	snop  }
0x3b: {  	_ = 	snop  }
0x3c: {  	p2 =	seq.s32 s10, $0x1;
	s10 =	sld [smem:$0x3FBA]  }
0x3d: {  	_ =	shalt  }
0x3e: {  	_ =	shalt  }
0x3f: {  	_ =	shalt  }
0x40: {  	_ =	shalt  }
0x41: {  	_ =	shalt  }
0x42: {  	_ =	shalt  }
0x43: {  	_ =	shalt  }
0x44: {  	_ =	shalt  }
0x45: {  	_ =	shalt  }
0x46: {  	_ =	shalt  }
0x47: {  	_ =	shalt  }
0x48: {  	_ =	shalt  }
0x49: {  	_ =	shalt  }
0x4a: {  	_ =	shalt  }
0x4b: {  	_ =	shalt  }
0x4c: {  	_ =	shalt  }
0x4d: {  	_ =	shalt  }
0x4e: {  	_ =	shalt  }
0x4f: {  	_ =	shalt  }
0x50: {  	_ =	shalt  }
0x51: {  	_ =	shalt  }
0x52: {  	_ =	shalt  }
0x53: {  	_ =	shalt  }
0x54: {  	_ =	shalt  }
0x55: {  	_ =	shalt  }
0x56: {  	_ =	shalt  }
0x57: {  	_ =	shalt  }
0x58: {  	_ =	shalt  }
0x59: {  	_ =	shalt  }
0x5a: {  	_ =	shalt  }
0x5b: {  	_ =	shalt  }
0x5c: {  	_ =	shalt  }
0x5d: {  	_ =	shalt  }
0x5e: {  	_ =	shalt  }
0x5f: {  	_ =	shalt  }
0x60: {  	_ =	shalt  }
0x61: {  	_ =	shalt  }
0x62: {  	_ =	shalt  }
0x63: {  	_ =	shalt  }
0x64: {  	_ =	shalt  }
0x65: {  	_ =	shalt  }
0x66: {  	_ =	shalt  }
0x67: {  	_ =	shalt  }
0x68: {  	_ =	shalt  }
0x69: {  	_ =	shalt  }
0x6a: {  	_ =	shalt  }
0x6b: {  	_ =	shalt  }
0x6c: {  	_ =	shalt  }
0x6d: {  	_ =	shalt  }
0x6e: {  	_ =	shalt  }
0x6f: {  	_ =	shalt  }
0x70: {  	_ =	shalt  }
0x71: {  	_ =	shalt  }
0x72: {  	_ =	shalt  }
0x73: {  	_ =	shalt  }
0x74: {  	_ =	shalt  }
0x75: {  	_ =	shalt  }
0x76: {  	_ =	shalt  }
0x77: {  	_ =	shalt  }
0x78: {  	_ =	shalt  }
0x79: {  	_ =	shalt  }
0x7a: {  	_ =	shalt  }
0x7b: {  	_ =	shalt  }
0x7c: {  	_ =	shalt  }
0x7d: {  	_ =	shalt  }
0x7e: {  	_ =	shalt  }
0x7f: {  	_ =	shalt  }
0x80: {  	_ =	shalt  }
0x81: {  	_ =	shalt  }
0x82: {  	_ =	shalt  }
0x83: {  	_ =	shalt  }
0x84: {  	_ =	shalt  }
0x85: {  	_ =	shalt  }
0x86: {  	_ =	shalt  }
0x87: {  	_ =	shalt  }
.Lfunc_end0:
.L_simem_size_0:
called_computation_lowered:
.L_overlay_start_0:
0x88: {  	s2 =	sld [smem:$0x3FD9]  }
0x89: {  	s3 =	sld [smem:$0x3FFE];
	_ =	sdelay $0x1  }
0x8a: {  	s1 =	srdreg.scid  }
0x8b: {  	s0 =	sand.u32 $0x1, s1  }
0x8c: {  	s17 =	sshll.u32 s0, $0xA;
	s2 =	sadd.s32 s3, s2  }
0x8d: {  	s2 =	sadd.s32 s2, s17  }
0x8e: {  	[smem:$0x3FC6] =	sst s2  }
0x8f: {  	_ = 	snop  }
0x90: {  	s2 =	sld [smem:$0x3FC9]  }
0x91: {  	s18 =	sld [smem:$0x3FC8];
	(tm) =	ssettm $0x1  }
0x92: {  	s4 =	sld [smem:$0x3FFB];
	_ =	sdelay $0x3  }
0x93: {  	_ =	strace s4  }
0x94: {  	s4 =	sld [smem:$0x3FFC];
	_ =	sdelay $0x3  }
0x95: {  	_ =	strace s4  }
0x96: {  	s4 =	sld [smem:$0x3FFD];
	_ =	sdelay $0x3  }
0x97: {  	_ =	strace s4  }
0x98: {  	_ =	strace $0x8FFFFFFF  }
0x99: {  	s19 =	sld [smem:$0x3FDB];
	_ =	sdelay $0x1  }
0x9a: {  	s5 =	simm.s32 $_scs_section_size  }
0x9b: {  	s6 =	simm.s32 $_size__tile_overlayer_lowered;
	s7 =	simm.s32 $_tile_overlayer_lowered  }
0x9c: {  	s22 =	simm.s32 $0x1BFF;
	s21 =	sshll.u32 s7, $0x1;
	s4 =	sadd.s32 s5, s19  }
0x9d: {  	s8 =	simm.s32 $0x0;
	s20 =	sshll.u32 s6, $0x1;
	s6 =	sadd.s32 s21, s4  }
0x9e: {  	[timem:s8], [sflag:s22] =	dma.local [hbm:s6], s20  }
0x9f: {  	_ =	swait.ge [sflag:s22], s20  }
0xa0: {  	s5 =	ssub.s32 $0x0, s20;
	[sflag:s22] =	ssyncset.done $0x0  }
0xa1: {  	[sflag:s22] =	ssyncadd.s32 s5;
	_ =	sdelay $0x1  }
0xa2: {  	s23 =	simm.s32 $0x1B8B  }
0xa3: {  	_ =	swait.ge [sflag:s23], $0x1  }
0xa4: {  	[sflag:s23] =	ssyncset.done $0x0  }
0xa5: {  	s25 =	simm.s32 $0x1B8E;
	s24 =	sld [smem:$0x3FFE];
	[sflag:s23] =	ssyncadd.s32 $0xFFFFFFFF  }
0xa6: {  	s26 =	simm.s32 $execute0_lowered;
	[smem:$0x3FD2] =	sst s25  }
0xa7: {  	s6 =	sshll.u32 s26, $0x1;
	_ =	strace $0x80000046;
	[dreg:$0x1] =	wrdreg $0xFFFFFFFF  }
0xa8: {  	s28 =	simm.s32 $_size_execute0_lowered;
	s4 =	sadd.s32 s4, s6;
	[dreg:$0x0] =	wrdreg $0x0  }
0xa9: {  	s6 =	sshll.u32 s28, $0x1;
	[dreg:$0x2] =	wrdreg s4  }
0xaa: {  	[dreg:$0x3] =	wrdreg s6  }
0xab: {  	[dreg:$0x4] =	wrdreg $0xC0  }
0xac: {  	_ =	task [dreg:s8], $0x5FFFF  }
0xad: {  	[dreg:$0x1] =	wrdreg $0xFFFFFFFF  }
0xae: {  	[dreg:$0x0] =	wrdreg $0x60  }
0xaf: {  	[dreg:$0x2] =	wrdreg s2  }
0xb0: {  	[dreg:$0x3] =	wrdreg s18  }
0xb1: {  	[dreg:$0x4] =	wrdreg s24  }
0xb2: {  	[dreg:$0x5] =	wrdreg $0x9  }
0xb3: {  	_ =	task.clear_ibuf [dreg:s8], $0x6FFFF;
	_ =	strace $0x90000046  }
0xb4: {  	s29 =	simm.s32 $0x9;
	_ =	strace $0x80000048  }
0xb5: {  	_ =	swait.ge [sflag:s29], $0x1  }
0xb6: {  	[sflag:s29] =	ssyncadd.s32 $0xFFFFFFFF  }
0xb7: {  	_ =	strace $0x90000048  }
0xb8: {  	_ =	sfence  }
0xb9: {  	s30 =	sld [smem:$0x0];
	_ =	sdelay $0x2  }
0xba: {  	s31 =	sshll.u32 s1, $0xD;
	s1 =	sshrl.u32 s1, $0x2  }
0xbb: {  	s3 =	sand.u32 $0x4000, s31;
	s1 =	sadd.s32 s1, s30  }
0xbc: {  	s0 =	sor.u32 s3, s0;
	s1 =	sshll.u32 s1, $0x11  }
0xbd: {  	s0 =	sor.u32 s1, s0  }
0xbe: {  	s0 =	sadd.s32 $0x8F2B, s0  }
0xbf: {  	[sflag:s0] =	ssyncadd.remote.s32 $0x1  }
0xc0: {  	_ =	sfence.sel $0xFFFF  }
0xc1: {  	[dreg:$0x0] =	wrdreg $0xFFFFFFFF;
	(pc) =	sbr.abs _section_cstart, $3  }
0xc2: {  	[dreg:$0x1] =	wrdreg $0xFFFFFFFF  }
0xc3: {  	_ =	task.clear_ibuf [dreg:s8], $0x2FFFF;
	_ =	strace $0x9FFFFFFF  }
0xc4: {  	(tm) =	ssettm $0x7FFFFFFF  }
0xc5: {  	_ =	shalt  }
tec
execute0_lowered:
.L_overlay_start_1:
0x0: {  	(tag) =	ssettag $0x1  }
0x1: {  	s0 =	srdreg.scid;
	s1 =	stileid.u32  }
0x2: {  	s0 =	sand.u32 $0x1, s0;
	s1 =	sshll.u32 s1, $0x1  }
0x3: {  	s2 =	rddreg [dreg:$0x0];
	s1 =	sor.u32 s0, s1  }
0x4: {  	s3 =	rddreg [dreg:$0x1];
	s0 =	ssub.s32 $0x2, s0;
	s4 =	smul.u32 $0x28000, s1  }
0x5: {  	s5 =	rddreg [dreg:$0x2];
	s1 =	simm.s32 $0x0;
	s6 =	sshrl.u32 s0, $0x1  }
0x6: {  	[smem:$0x7FF] =	sst s1;
	s0 =	ssub.s32 s0, s6;
	s4 =	sshrl.u32 s4, $0x3  }
0x7: {  	s5 =	sadd.s32 $0x600, s5;
	[dreg:$0xe] =	wrdreg s0;
	s22 =	sor.u32 $0x800, s4  }
0x8: {  	s9 =	sadd.s32 $0x1000, s4;
	s12 =	sadd.s32 $0x1800, s4;
	s24 =	sadd.s32 $0x2000, s4  }
0x9: {  	s18 =	sadd.s32 $0x2800, s4;
	s19 =	sadd.s32 $0x3000, s4;
	s25 =	sadd.s32 $0x3800, s4  }
0xa: {  	s26 =	sadd.s32 $0x4000, s4;
	s23 =	sadd.s32 s2, s22;
	s6 =	sadd.s32 s3, s22  }
0xb: {  	s7 =	sadd.s32 s2, s9;
	s0 =	sadd.s32 s5, s22;
	s8 =	sadd.s32 s2, s12  }
0xc: {  	s10 =	sadd.s32 s3, s12;
	s11 =	sadd.s32 s3, s24;
	s12 =	sadd.s32 s5, s12  }
0xd: {  	s13 =	sadd.s32 s2, s18;
	s14 =	sadd.s32 s3, s18;
	s15 =	sadd.s32 s5, s24  }
0xe: {  	s16 =	sadd.s32 s2, s19;
	s17 =	sadd.s32 s3, s19;
	s18 =	sadd.s32 s5, s18  }
0xf: {  	s19 =	sadd.s32 s5, s19;
	s20 =	sadd.s32 s2, s25;
	[dreg:$0x4] =	wrdreg s23  }
0x10: {  	s21 =	sadd.s32 s3, s25;
	s22 =	sadd.s32 s5, s25;
	[dreg:$0x6] =	wrdreg s7  }
0x11: {  	s25 =	sadd.s32 s5, s4;
	s28 =	sadd.s32 s2, s26;
	[dreg:$0x8] =	wrdreg s0  }
0x12: {  	s30 =	sadd.s32 s3, s26;
	s26 =	sadd.s32 s5, s26;
	[dreg:$0xa] =	wrdreg s10  }
0x13: {  	s7 =	sadd.s32 s3, s9;
	_ =	strace $0x80000047;
	[dreg:$0x5] =	wrdreg s6  }
0x14: {  	s10 =	sadd.s32 s2, s24;
	s23 =	sadd.s32 s2, s4;
	[dreg:$0x7] =	wrdreg s7  }
0x15: {  	s24 =	sadd.s32 s3, s4;
	s4 =	sadd.s32 $0x4800, s4;
	[dreg:$0x9] =	wrdreg s8  }
0x16: {  	s9 =	sadd.s32 s5, s9;
	s0 =	sadd.s32 s5, s4;
	s5 =	rddreg [dreg:$0xe]  }
0x17: {  	s29 =	sadd.s32 s2, s4;
	[dreg:$0xb] =	wrdreg s9;
	s2 =	smax.u32 s5, $0x1  }
0x18: {  	s31 =	sadd.s32 s3, s4;
	s4 =	simm.s32 $0x0;
	[dreg:$0xc] =	wrdreg s2  }
.LBB2_1:
0x19: {  	[dreg:$0xd] =	wrdreg s4;
	s2 =	simm.s32 $0x10  }
0x1a: {  	s5 =	sadd.s32 $0x0, s23;
	s3 =	simm.s32 $0x100;
	s4 =	simm.s32 $0x0  }
.LBB2_2:
0x1b: {  	[tilespmem:s4], [sflag:$0x1] =	stream.linear.gather [hbm4b:s5+s1], $0x80, $0x38;
	[tilespmem:$0x18000] =	vst v63  }
0x1c: {  	s5 =	smov.u32 s2;
	s4 =	smov.u32 s3;
	p0 =	sne.s32 s2, $0x7F0  }
.Ltmp0:
0x1d: {  	s2 =	sadd.s32 $0x10, s2;
	(pc) =	sbr.rel @p0 .LBB2_2-.Ltmp0, $2  }
0x1e: {  	_ =	sdelay $0x2  }
0x1f: {  	s3 =	sadd.s32 $0x100, s3;
	s5 =	sadd.s32 s5, s23  }
0x20: {  	[tilespmem:s4], [sflag:$0x1] =	stream.linear.gather [hbm4b:s5+s1], $0x80, $0x38;
	[tilespmem:$0x18000] =	vst v63  }
0x21: {  	s2 =	simm.s32 $0x8000  }
0x22: {  	s3 =	simm.s32 $0x10;
	s5 =	sadd.s32 $0x0, s24;
	s4 =	simm.s32 $0x8100  }
.LBB2_4:
0x23: {  	[tilespmem:s2], [sflag:$0x3] =	stream.linear.gather [hbm4b:s5+s1], $0x80, $0x38;
	[tilespmem:$0x18000] =	vst v63  }
0x24: {  	s5 =	smov.u32 s3;
	s2 =	smov.u32 s4;
	p0 =	sne.s32 s3, $0x7F0  }
.Ltmp1:
0x25: {  	s3 =	sadd.s32 $0x10, s3;
	(pc) =	sbr.rel @p0 .LBB2_4-.Ltmp1, $2  }
0x26: {  	_ =	sdelay $0x2  }
0x27: {  	s4 =	sadd.s32 $0x100, s4;
	s5 =	sadd.s32 s5, s24  }
0x28: {  	[tilespmem:s2], [sflag:$0x3] =	stream.linear.gather [hbm4b:s5+s1], $0x80, $0x38;
	[tilespmem:$0x18000] =	vst v63  }
0x29: {  	s2 =	simm.s32 $0x80;
	s6 =	rddreg [dreg:$0x4]  }
0x2a: {  	s3 =	simm.s32 $0x10;
	s4 =	simm.s32 $0x180;
	s5 =	sadd.s32 $0x0, s6  }
.LBB2_6:
0x2b: {  	[tilespmem:s2], [sflag:$0x2] =	stream.linear.gather [hbm4b:s5+s1], $0x80, $0x38;
	[tilespmem:$0x18000] =	vst v63  }
0x2c: {  	s5 =	smov.u32 s3;
	s2 =	smov.u32 s4;
	p0 =	sne.s32 s3, $0x7F0  }
.Ltmp2:
0x2d: {  	s3 =	sadd.s32 $0x10, s3;
	(pc) =	sbr.rel @p0 .LBB2_6-.Ltmp2, $2  }
0x2e: {  	_ =	sdelay $0x2  }
0x2f: {  	s4 =	sadd.s32 $0x100, s4;
	s5 =	sadd.s32 s5, s6  }
0x30: {  	[tilespmem:s2], [sflag:$0x2] =	stream.linear.gather [hbm4b:s5+s1], $0x80, $0x38;
	[tilespmem:$0x18000] =	vst v63  }
0x31: {  	s2 =	simm.s32 $0x8080;
	s6 =	rddreg [dreg:$0x5]  }
0x32: {  	s3 =	simm.s32 $0x10;
	s4 =	simm.s32 $0x8180;
	s5 =	sadd.s32 $0x0, s6  }
.LBB2_8:
0x33: {  	[tilespmem:s2], [sflag:$0x4] =	stream.linear.gather [hbm4b:s5+s1], $0x80, $0x38;
	[tilespmem:$0x18000] =	vst v63  }
0x34: {  	s5 =	smov.u32 s3;
	s2 =	smov.u32 s4;
	p0 =	sne.s32 s3, $0x7F0  }
.Ltmp3:
0x35: {  	s3 =	sadd.s32 $0x10, s3;
	(pc) =	sbr.rel @p0 .LBB2_8-.Ltmp3, $2  }
0x36: {  	_ =	sdelay $0x2  }
0x37: {  	s4 =	sadd.s32 $0x100, s4;
	s5 =	sadd.s32 s5, s6  }
0x38: {  	[tilespmem:s2], [sflag:$0x4] =	stream.linear.gather [hbm4b:s5+s1], $0x80, $0x38;
	[tilespmem:$0x18000] =	vst v63  }
0x39: {  	s6 =	simm.s32 $0x1  }
0x3a: {  	_ =	swait.ge [sflag:s6], $0x4000  }
0x3b: {  	[sflag:s6] =	ssyncset.done $0x0  }
0x3c: {  	s7 =	simm.s32 $0x3;
	[sflag:s6] =	ssyncadd.s32 $0xFFFFC000  }
0x3d: {  	_ =	swait.ge [sflag:s7], $0x4000  }
0x3e: {  	[sflag:s7] =	ssyncset.done $0x0  }
0x3f: {  	s8 =	simm.s32 $0x8040;
	[sflag:s7] =	ssyncadd.s32 $0xFFFFC000  }
0x40: {  	v1 =	vld [tilespmem:s8+$0x30]  }
0x41: {  	v2 =	vld [tilespmem:s8+$0xFFFFFFC0]  }
0x42: {  	v3 =	vld [tilespmem:s8+$0xFFFFFFD0]  }
0x43: {  	v4 =	vld [tilespmem:s8+$0xFFFFFFE0]  }
0x44: {  	v5 =	vld [tilespmem:s8+$0xFFFFFFF0]  }
0x45: {  	v6 =	vld [tilespmem:s8+$0x0];
	(erf) = vrcp.f32 v1  }
0x46: {  	v7 =	vld [tilespmem:s8+$0x10];
	(erf) = vrcp.f32 v2  }
0x47: {  	s3 =	simm.s32 $0x40;
	v8 =	vld [tilespmem:s8+$0x20];
	(erf) = vrcp.f32 v3  }
0x48: {  	v9 =	vld [tilespmem:s3+$0x30];
	(erf) = vrcp.f32 v4  }
0x49: {  	v10 =	vld [tilespmem:s3+$0xFFFFFFD0];
	(erf) = vrcp.f32 v5  }
0x4a: {  	v11 =	vld [tilespmem:s3+$0xFFFFFFE0];
	(erf) = vrcp.f32 v6  }
0x4b: {  	v12 =	vld [tilespmem:s3+$0xFFFFFFF0];
	(erf) = vrcp.f32 v7  }
0x4c: {  	s9 =	simm.s32 $0x8140;
	v13 =	vld [tilespmem:s3+$0x0]  }
0x4d: {  	v0 =	vld [tilespmem:s9+$0x30]  }
0x4e: {  	v16 =	vld [tilespmem:s9+$0xFFFFFFC0];
	v15 =	vpop (erf)  }
0x4f: {  	v60 =	vld [tilespmem:s9+$0x20];
	vm0 =	veq.f32 v2, $0.0e+00;
	v2 =	vpop (erf)  }
0x50: {  	vm1 =	veq.f32 v3, $0.0e+00;
	vm3 =	veq.f32 v4, $0.0e+00;
	v4 =	vld [tilespmem:s9+$0xFFFFFFD0];
	(erf) = vrcp.f32 v8;
	v3 =	vpop (erf)  }
0x51: {  	vm6 =	veq.f32 v5, $0.0e+00;
	vm5 =	veq.f32 v6, $0.0e+00;
	v5 =	vmul.f32 v15, v9;
	v9 =	vld [tilespmem:s9+$0xFFFFFFE0];
	v6 =	vpop (erf)  }
0x52: {  	vm4 =	veq.f32 v7, $0.0e+00;
	vm2 =	veq.f32 v8, $0.0e+00;
	v3 =	vmul.f32 v3, v10;
	v10 =	vld [tilespmem:s9+$0xFFFFFFF0];
	v7 =	vpop (erf)  }
0x53: {  	vm7 =	veq.f32 v1, $0.0e+00;
	(erf) = vrcp.f32 v0;
	v6 =	vmul.f32 v6, v11;
	v11 =	vld [tilespmem:s9+$0x0];
	v8 =	vpop (erf)  }
0x54: {  	v59 =	vld [tilespmem:s9+$0x10];
	vm8 =	veq.f32 v60, $0.0e+00;
	v1 =	vmul.f32 v8, v13;
	v8 =	vpop (erf);
	(erf) = vrcp.f32 v16  }
0x55: {  	v14 =	vld [tilespmem:s3+$0x10];
	vm2 =	vmmov vm2;
	vm0 =	vmmov vm0;
	(erf) = vrcp.f32 v4  }
0x56: {  	v61 =	vld [tilespmem:s3+$0x20];
	v7 =	vmul.f32 v7, v12;
	v3 =	vsel vm1, $0x0, v3;
	(erf) = vrcp.f32 v9  }
0x57: {  	s2 =	simm.s32 $0x10040;
	v63 =	vld [tilespmem:s3+$0xFFFFFFC0];
	s3 =	simm.s32 $0x140;
	v5 =	vsel vm7, $0x0, v5;
	v62 =	vsel vm3, $0x0, v6;
	(erf) = vrcp.f32 v10  }
0x58: {  	[tilespmem:s2+$0x30] =	vst v5;
	vm3 =	veq.f32 v4, $0.0e+00;
	v4 =	vsel vm6, $0x0, v7;
	v7 =	vld [tilespmem:s3+$0x30];
	(erf) = vrcp.f32 v11  }
0x59: {  	v5 =	vld [tilespmem:s3+$0xFFFFFFE0];
	vm1 =	veq.f32 v16, $0.0e+00;
	[tilespmem:s2+$0xFFFFFFD0] =	vst v3;
	v1 =	vsel vm5, $0x0, v1;
	v3 =	vpop (erf);
	(erf) = vrcp.f32 v59  }
0x5a: {  	vm7 =	veq.f32 v9, $0.0e+00;
	v6 =	vld [tilespmem:s3+$0xFFFFFFD0];
	v8 =	vmul.f32 v8, v14;
	[tilespmem:s2+$0xFFFFFFE0] =	vst v62;
	(erf) = vrcp.f32 v60  }
0x5b: {  	vm6 =	veq.f32 v59, $0.0e+00;
	vm5 =	veq.f32 v10, $0.0e+00;
	[tilespmem:s2+$0xFFFFFFF0] =	vst v4;
	v4 =	vld [tilespmem:s3+$0xFFFFFFF0];
	v10 =	vmul.f32 v3, v61  }
0x5c: {  	v9 =	vsel vm4, $0x0, v8;
	vm4 =	veq.f32 v11, $0.0e+00;
	[tilespmem:s2+$0x0] =	vst v1;
	v8 =	vmul.f32 v2, v63;
	v2 =	vld [tilespmem:s3+$0x10];
	v1 =	vpop (erf)  }
0x5d: {  	s4 =	simm.s32 $0x80;
	s5 =	simm.s32 $0x8240;
	[tilespmem:s2+$0x10] =	vst v9;
	v3 =	vld [tilespmem:s3+$0x0];
	v7 =	vmul.f32 v1, v7;
	v9 =	vsel vm2, $0x0, v10;
	vm2 =	vmmov vm8;
	v1 =	vpop (erf)  }
.LBB2_10:
0x5e: {  	s4 =	sadd.s32 $0x80, s4;
	vm8 =	veq.f32 v0, $0.0e+00;
	v0 =	vld [tilespmem:s5+$0x30];
	v10 =	vpop (erf);
	v8 =	vsel vm0, $0x0, v8;
	[tilespmem:s2+$0x20] =	vst v9;
	vm0 =	vmmov vm1  }
0x5f: {  	v9 =	vld [tilespmem:s5+$0xFFFFFFC0];
	p0 =	slt.u32 s4, $0x3F80;
	v13 =	vmul.f32 v10, v6;
	v11 =	vsel vm8, $0x0, v7;
	v10 =	vpop (erf);
	[tilespmem:s2+$0xFFFFFFC0] =	vst v8;
	s2 =	sadd.s32 $0x100, s2  }
0x60: {  	v8 =	vld [tilespmem:s5+$0xFFFFFFD0];
	v5 =	vmul.f32 v10, v5;
	[tilespmem:s2+$0x30] =	vst v11;
	v7 =	vpop (erf)  }
0x61: {  	v10 =	vld [tilespmem:s5+$0xFFFFFFE0];
	v13 =	vsel vm3, $0x0, v13;
	v4 =	vmul.f32 v7, v4;
	v7 =	vpop (erf)  }
0x62: {  	v11 =	vld [tilespmem:s5+$0xFFFFFFF0];
	[tilespmem:s2+$0xFFFFFFD0] =	vst v13;
	v5 =	vsel vm7, $0x0, v5;
	v3 =	vmul.f32 v7, v3;
	v6 =	vpop (erf)  }
0x63: {  	v7 =	vld [tilespmem:s5+$0x0];
	(erf) = vrcp.f32 v0;
	[tilespmem:s2+$0xFFFFFFE0] =	vst v5;
	v4 =	vsel vm5, $0x0, v4;
	v2 =	vmul.f32 v6, v2;
	v12 =	vpop (erf)  }
0x64: {  	vm1 =	veq.f32 v9, $0.0e+00;
	v5 =	vld [tilespmem:s5+$0x10];
	(erf) = vrcp.f32 v9;
	[tilespmem:s2+$0xFFFFFFF0] =	vst v4;
	v3 =	vsel vm4, $0x0, v3  }
0x65: {  	vm3 =	veq.f32 v8, $0.0e+00;
	v4 =	vld [tilespmem:s5+$0x20];
	(erf) = vrcp.f32 v8;
	[tilespmem:s2+$0x0] =	vst v3;
	v2 =	vsel vm6, $0x0, v2  }
0x66: {  	vm7 =	veq.f32 v10, $0.0e+00;
	(erf) = vrcp.f32 v10;
	[tilespmem:s2+$0x10] =	vst v2;
	v2 =	vld [tilespmem:s3+$0x20]  }
0x67: {  	vm5 =	veq.f32 v11, $0.0e+00;
	(erf) = vrcp.f32 v11;
	v8 =	vld [tilespmem:s3+$0xFFFFFFC0];
	s3 =	sadd.s32 $0x100, s3  }
0x68: {  	vm4 =	veq.f32 v7, $0.0e+00;
	v9 =	vld [tilespmem:s3+$0x30];
	(erf) = vrcp.f32 v7  }
.Ltmp4:
0x69: {  	v6 =	vld [tilespmem:s3+$0xFFFFFFD0];
	vm6 =	veq.f32 v5, $0.0e+00;
	(erf) = vrcp.f32 v5;
	(pc) =	sbr.rel @p0 .LBB2_10-.Ltmp4, $4  }
0x6a: {  	v5 =	vld [tilespmem:s3+$0xFFFFFFE0];
	vm8 =	veq.f32 v4, $0.0e+00;
	(erf) = vrcp.f32 v4  }
0x6b: {  	v4 =	vld [tilespmem:s3+$0xFFFFFFF0];
	v10 =	vmul.f32 v12, v2  }
0x6c: {  	v3 =	vld [tilespmem:s3+$0x0];
	v7 =	vpop (erf);
	v8 =	vmul.f32 v1, v8  }
0x6d: {  	s5 =	sadd.s32 $0x100, s5;
	v2 =	vld [tilespmem:s3+$0x10];
	v7 =	vmul.f32 v7, v9;
	v1 =	vpop (erf);
	v9 =	vsel vm2, $0x0, v10;
	vm2 =	vmmov vm8  }
0x6e: {  	v10 =	vpop (erf)  }
0x6f: {  	vm8 =	veq.f32 v0, $0.0e+00;
	v50 =	vsel vm0, $0x0, v8;
	[tilespmem:s2+$0x20] =	vst v9;
	v55 =	vld [tilespmem:s3+$0xFFFFFFC0];
	v6 =	vmul.f32 v10, v6;
	v51 =	vpop (erf)  }
0x70: {  	v52 =	vld [tilespmem:s3+$0x20];
	s4 =	sadd.s32 $0x100, s2;
	v7 =	vsel vm8, $0x0, v7;
	[tilespmem:s2+$0xFFFFFFC0] =	vst v50;
	v53 =	vmul.f32 v51, v5;
	v54 =	vpop (erf)  }
0x71: {  	[tilespmem:s4+$0x30] =	vst v7;
	v6 =	vsel vm3, $0x0, v6;
	v4 =	vmul.f32 v54, v4;
	v56 =	vpop (erf)  }
0x72: {  	[tilespmem:s4+$0xFFFFFFD0] =	vst v6;
	v0 =	vsel vm7, $0x0, v53;
	v3 =	vmul.f32 v56, v3;
	v57 =	vpop (erf)  }
0x73: {  	[tilespmem:s4+$0xFFFFFFE0] =	vst v0;
	v58 =	vsel vm5, $0x0, v4;
	v2 =	vmul.f32 v57, v2  }
0x74: {  	v59 =	vpop (erf);
	v1 =	vmul.f32 v1, v55;
	[tilespmem:s4+$0xFFFFFFF0] =	vst v58;
	v60 =	vsel vm4, $0x0, v3  }
0x75: {  	vm15 =	vmmov vm1;
	v61 =	vmul.f32 v59, v52;
	[tilespmem:s4+$0x0] =	vst v60;
	v62 =	vsel vm6, $0x0, v2  }
0x76: {  	v1 =	vsel vm15, $0x0, v1;
	[tilespmem:s4+$0x10] =	vst v62  }
0x77: {  	s3 =	simm.s32 $0x10;
	v63 =	vsel vm2, $0x0, v61;
	[tilespmem:s4+$0xFFFFFFC0] =	vst v1  }
0x78: {  	s5 =	sadd.s32 $0x0, s25;
	s2 =	simm.s32 $0x10000;
	[tilespmem:s4+$0x20] =	vst v63;
	s4 =	simm.s32 $0x10100  }
.LBB2_12:
0x79: {  	[hbm4b:s5+s1] =	stream.linear.scatter [tilespmem:s2], [sflag:$0x5], $0x80, $0x38;
	[tilespmem:$0x18000] =	vst v63  }
0x7a: {  	s5 =	smov.u32 s3;
	s2 =	smov.u32 s4;
	p0 =	sne.s32 s3, $0x7F0  }
.Ltmp5:
0x7b: {  	s3 =	sadd.s32 $0x10, s3;
	(pc) =	sbr.rel @p0 .LBB2_12-.Ltmp5, $2  }
0x7c: {  	_ =	sdelay $0x2  }
0x7d: {  	s4 =	sadd.s32 $0x100, s4;
	s5 =	sadd.s32 s5, s25  }
0x7e: {  	[hbm4b:s5+s1] =	stream.linear.scatter [tilespmem:s2], [sflag:$0x5], $0x80, $0x38;
	[tilespmem:$0x18000] =	vst v63  }
0x7f: {  	s2 =	simm.s32 $0x0;
	s7 =	rddreg [dreg:$0x6]  }
0x80: {  	s3 =	simm.s32 $0x10;
	s4 =	simm.s32 $0x100;
	s5 =	sadd.s32 $0x0, s7  }
.LBB2_14:
0x81: {  	[tilespmem:s2], [sflag:$0x1] =	stream.linear.gather [hbm4b:s5+s1], $0x80, $0x38;
	[tilespmem:$0x18000] =	vst v63  }
0x82: {  	s5 =	smov.u32 s3;
	s2 =	smov.u32 s4;
	p0 =	sne.s32 s3, $0x7F0  }
.Ltmp6:
0x83: {  	s3 =	sadd.s32 $0x10, s3;
	(pc) =	sbr.rel @p0 .LBB2_14-.Ltmp6, $2  }
0x84: {  	_ =	sdelay $0x2  }
0x85: {  	s4 =	sadd.s32 $0x100, s4;
	s5 =	sadd.s32 s5, s7  }
0x86: {  	[tilespmem:s2], [sflag:$0x1] =	stream.linear.gather [hbm4b:s5+s1], $0x80, $0x38;
	[tilespmem:$0x18000] =	vst v63  }
0x87: {  	s2 =	simm.s32 $0x8000;
	s7 =	rddreg [dreg:$0x7]  }
0x88: {  	s3 =	simm.s32 $0x10;
	s4 =	simm.s32 $0x8100;
	s5 =	sadd.s32 $0x0, s7  }
.LBB2_16:
0x89: {  	[tilespmem:s2], [sflag:$0x3] =	stream.linear.gather [hbm4b:s5+s1], $0x80, $0x38;
	[tilespmem:$0x18000] =	vst v63  }
0x8a: {  	s5 =	smov.u32 s3;
	s2 =	smov.u32 s4;
	p0 =	sne.s32 s3, $0x7F0  }
.Ltmp7:
0x8b: {  	s3 =	sadd.s32 $0x10, s3;
	(pc) =	sbr.rel @p0 .LBB2_16-.Ltmp7, $2  }
0x8c: {  	_ =	sdelay $0x2  }
0x8d: {  	s4 =	sadd.s32 $0x100, s4;
	s5 =	sadd.s32 s5, s7  }
0x8e: {  	[tilespmem:s2], [sflag:$0x3] =	stream.linear.gather [hbm4b:s5+s1], $0x80, $0x38;
	[tilespmem:$0x18000] =	vst v63  }
0x8f: {  	s6 =	simm.s32 $0x2  }
0x90: {  	_ =	swait.ge [sflag:s6], $0x4000  }
0x91: {  	[sflag:s6] =	ssyncset.done $0x0  }
0x92: {  	s7 =	simm.s32 $0x4;
	[sflag:s6] =	ssyncadd.s32 $0xFFFFC000  }
0x93: {  	_ =	swait.ge [sflag:s7], $0x4000  }
0x94: {  	[sflag:s7] =	ssyncset.done $0x0  }
0x95: {  	s8 =	simm.s32 $0x80F0;
	[sflag:s7] =	ssyncadd.s32 $0xFFFFC000  }
0x96: {  	v1 =	vld [tilespmem:s8+$0x0]  }
0x97: {  	v2 =	vld [tilespmem:s8+$0xFFFFFF90]  }
0x98: {  	v3 =	vld [tilespmem:s8+$0xFFFFFFA0]  }
0x99: {  	v4 =	vld [tilespmem:s8+$0xFFFFFFB0]  }
0x9a: {  	v5 =	vld [tilespmem:s8+$0xFFFFFFC0]  }
0x9b: {  	v6 =	vld [tilespmem:s8+$0xFFFFFFD0];
	(erf) = vrcp.f32 v1  }
0x9c: {  	v7 =	vld [tilespmem:s8+$0xFFFFFFE0];
	(erf) = vrcp.f32 v2  }
0x9d: {  	s3 =	simm.s32 $0xF0;
	v8 =	vld [tilespmem:s8+$0xFFFFFFF0];
	(erf) = vrcp.f32 v3  }
0x9e: {  	v9 =	vld [tilespmem:s3+$0x0];
	(erf) = vrcp.f32 v4  }
0x9f: {  	v10 =	vld [tilespmem:s3+$0xFFFFFFA0];
	(erf) = vrcp.f32 v5  }
0xa0: {  	v11 =	vld [tilespmem:s3+$0xFFFFFFB0];
	(erf) = vrcp.f32 v6  }
0xa1: {  	v12 =	vld [tilespmem:s3+$0xFFFFFFC0];
	(erf) = vrcp.f32 v7  }
0xa2: {  	s9 =	simm.s32 $0x81F0;
	v13 =	vld [tilespmem:s3+$0xFFFFFFD0]  }
0xa3: {  	v0 =	vld [tilespmem:s9+$0x0]  }
0xa4: {  	v16 =	vld [tilespmem:s9+$0xFFFFFF90];
	v15 =	vpop (erf)  }
0xa5: {  	v60 =	vld [tilespmem:s9+$0xFFFFFFF0];
	vm0 =	veq.f32 v2, $0.0e+00;
	v2 =	vpop (erf)  }
0xa6: {  	vm1 =	veq.f32 v3, $0.0e+00;
	vm3 =	veq.f32 v4, $0.0e+00;
	v4 =	vld [tilespmem:s9+$0xFFFFFFA0];
	(erf) = vrcp.f32 v8;
	v3 =	vpop (erf)  }
0xa7: {  	vm6 =	veq.f32 v5, $0.0e+00;
	vm5 =	veq.f32 v6, $0.0e+00;
	v5 =	vmul.f32 v15, v9;
	v9 =	vld [tilespmem:s9+$0xFFFFFFB0];
	v6 =	vpop (erf)  }
0xa8: {  	vm4 =	veq.f32 v7, $0.0e+00;
	vm2 =	veq.f32 v8, $0.0e+00;
	v3 =	vmul.f32 v3, v10;
	v10 =	vld [tilespmem:s9+$0xFFFFFFC0];
	v7 =	vpop (erf)  }
0xa9: {  	vm7 =	veq.f32 v1, $0.0e+00;
	(erf) = vrcp.f32 v0;
	v6 =	vmul.f32 v6, v11;
	v11 =	vld [tilespmem:s9+$0xFFFFFFD0];
	v8 =	vpop (erf)  }
0xaa: {  	v59 =	vld [tilespmem:s9+$0xFFFFFFE0];
	vm8 =	veq.f32 v60, $0.0e+00;
	v1 =	vmul.f32 v8, v13;
	v8 =	vpop (erf);
	(erf) = vrcp.f32 v16  }
0xab: {  	v14 =	vld [tilespmem:s3+$0xFFFFFFE0];
	vm2 =	vmmov vm2;
	vm0 =	vmmov vm0;
	(erf) = vrcp.f32 v4  }
0xac: {  	v61 =	vld [tilespmem:s3+$0xFFFFFFF0];
	v7 =	vmul.f32 v7, v12;
	v3 =	vsel vm1, $0x0, v3;
	(erf) = vrcp.f32 v9  }
0xad: {  	s2 =	simm.s32 $0x100F0;
	v63 =	vld [tilespmem:s3+$0xFFFFFF90];
	s3 =	simm.s32 $0x1F0;
	v5 =	vsel vm7, $0x0, v5;
	v62 =	vsel vm3, $0x0, v6;
	(erf) = vrcp.f32 v10  }
0xae: {  	[tilespmem:s2+$0x0] =	vst v5;
	vm3 =	veq.f32 v4, $0.0e+00;
	v4 =	vsel vm6, $0x0, v7;
	v7 =	vld [tilespmem:s3+$0x0];
	(erf) = vrcp.f32 v11  }
0xaf: {  	v5 =	vld [tilespmem:s3+$0xFFFFFFB0];
	vm1 =	veq.f32 v16, $0.0e+00;
	[tilespmem:s2+$0xFFFFFFA0] =	vst v3;
	v1 =	vsel vm5, $0x0, v1;
	v3 =	vpop (erf);
	(erf) = vrcp.f32 v59  }
0xb0: {  	vm7 =	veq.f32 v9, $0.0e+00;
	v6 =	vld [tilespmem:s3+$0xFFFFFFA0];
	v8 =	vmul.f32 v8, v14;
	[tilespmem:s2+$0xFFFFFFB0] =	vst v62;
	(erf) = vrcp.f32 v60  }
0xb1: {  	vm6 =	veq.f32 v59, $0.0e+00;
	vm5 =	veq.f32 v10, $0.0e+00;
	[tilespmem:s2+$0xFFFFFFC0] =	vst v4;
	v4 =	vld [tilespmem:s3+$0xFFFFFFC0];
	v10 =	vmul.f32 v3, v61  }
0xb2: {  	v9 =	vsel vm4, $0x0, v8;
	vm4 =	veq.f32 v11, $0.0e+00;
	[tilespmem:s2+$0xFFFFFFD0] =	vst v1;
	v8 =	vmul.f32 v2, v63;
	v2 =	vld [tilespmem:s3+$0xFFFFFFE0];
	v1 =	vpop (erf)  }
0xb3: {  	s4 =	simm.s32 $0x80;
	s5 =	simm.s32 $0x82F0;
	[tilespmem:s2+$0xFFFFFFE0] =	vst v9;
	v3 =	vld [tilespmem:s3+$0xFFFFFFD0];
	v7 =	vmul.f32 v1, v7;
	v9 =	vsel vm2, $0x0, v10;
	vm2 =	vmmov vm8;
	v1 =	vpop (erf)  }
.LBB2_18:
0xb4: {  	s4 =	sadd.s32 $0x80, s4;
	vm8 =	veq.f32 v0, $0.0e+00;
	v0 =	vld [tilespmem:s5+$0x0];
	v10 =	vpop (erf);
	v8 =	vsel vm0, $0x0, v8;
	[tilespmem:s2+$0xFFFFFFF0] =	vst v9;
	vm0 =	vmmov vm1  }
0xb5: {  	v9 =	vld [tilespmem:s5+$0xFFFFFF90];
	p0 =	slt.u32 s4, $0x3F80;
	v13 =	vmul.f32 v10, v6;
	v11 =	vsel vm8, $0x0, v7;
	v10 =	vpop (erf);
	[tilespmem:s2+$0xFFFFFF90] =	vst v8;
	s2 =	sadd.s32 $0x100, s2  }
0xb6: {  	v8 =	vld [tilespmem:s5+$0xFFFFFFA0];
	v5 =	vmul.f32 v10, v5;
	[tilespmem:s2+$0x0] =	vst v11;
	v7 =	vpop (erf)  }
0xb7: {  	v10 =	vld [tilespmem:s5+$0xFFFFFFB0];
	v13 =	vsel vm3, $0x0, v13;
	v4 =	vmul.f32 v7, v4;
	v7 =	vpop (erf)  }
0xb8: {  	v11 =	vld [tilespmem:s5+$0xFFFFFFC0];
	[tilespmem:s2+$0xFFFFFFA0] =	vst v13;
	v5 =	vsel vm7, $0x0, v5;
	v3 =	vmul.f32 v7, v3;
	v6 =	vpop (erf)  }
0xb9: {  	v7 =	vld [tilespmem:s5+$0xFFFFFFD0];
	(erf) = vrcp.f32 v0;
	[tilespmem:s2+$0xFFFFFFB0] =	vst v5;
	v4 =	vsel vm5, $0x0, v4;
	v2 =	vmul.f32 v6, v2;
	v12 =	vpop (erf)  }
0xba: {  	vm1 =	veq.f32 v9, $0.0e+00;
	v5 =	vld [tilespmem:s5+$0xFFFFFFE0];
	(erf) = vrcp.f32 v9;
	[tilespmem:s2+$0xFFFFFFC0] =	vst v4;
	v3 =	vsel vm4, $0x0, v3  }
0xbb: {  	vm3 =	veq.f32 v8, $0.0e+00;
	v4 =	vld [tilespmem:s5+$0xFFFFFFF0];
	(erf) = vrcp.f32 v8;
	[tilespmem:s2+$0xFFFFFFD0] =	vst v3;
	v2 =	vsel vm6, $0x0, v2  }
0xbc: {  	vm7 =	veq.f32 v10, $0.0e+00;
	(erf) = vrcp.f32 v10;
	[tilespmem:s2+$0xFFFFFFE0] =	vst v2;
	v2 =	vld [tilespmem:s3+$0xFFFFFFF0]  }
0xbd: {  	vm5 =	veq.f32 v11, $0.0e+00;
	(erf) = vrcp.f32 v11;
	v8 =	vld [tilespmem:s3+$0xFFFFFF90];
	s3 =	sadd.s32 $0x100, s3  }
0xbe: {  	vm4 =	veq.f32 v7, $0.0e+00;
	v9 =	vld [tilespmem:s3+$0x0];
	(erf) = vrcp.f32 v7  }
.Ltmp8:
0xbf: {  	v6 =	vld [tilespmem:s3+$0xFFFFFFA0];
	vm6 =	veq.f32 v5, $0.0e+00;
	(erf) = vrcp.f32 v5;
	(pc) =	sbr.rel @p0 .LBB2_18-.Ltmp8, $4  }
0xc0: {  	v5 =	vld [tilespmem:s3+$0xFFFFFFB0];
	vm8 =	veq.f32 v4, $0.0e+00;
	(erf) = vrcp.f32 v4  }
0xc1: {  	v4 =	vld [tilespmem:s3+$0xFFFFFFC0];
	v10 =	vmul.f32 v12, v2  }
0xc2: {  	v3 =	vld [tilespmem:s3+$0xFFFFFFD0];
	v7 =	vpop (erf);
	v8 =	vmul.f32 v1, v8  }
0xc3: {  	s5 =	sadd.s32 $0x100, s5;
	v2 =	vld [tilespmem:s3+$0xFFFFFFE0];
	v7 =	vmul.f32 v7, v9;
	v1 =	vpop (erf);
	v9 =	vsel vm2, $0x0, v10;
	vm2 =	vmmov vm8  }
0xc4: {  	v10 =	vpop (erf)  }
0xc5: {  	vm8 =	veq.f32 v0, $0.0e+00;
	v50 =	vsel vm0, $0x0, v8;
	[tilespmem:s2+$0xFFFFFFF0] =	vst v9;
	v55 =	vld [tilespmem:s3+$0xFFFFFF90];
	v6 =	vmul.f32 v10, v6;
	v51 =	vpop (erf)  }
0xc6: {  	v52 =	vld [tilespmem:s3+$0xFFFFFFF0];
	s4 =	sadd.s32 $0x100, s2;
	v7 =	vsel vm8, $0x0, v7;
	[tilespmem:s2+$0xFFFFFF90] =	vst v50;
	v53 =	vmul.f32 v51, v5;
	v54 =	vpop (erf)  }
0xc7: {  	[tilespmem:s4+$0x0] =	vst v7;
	v6 =	vsel vm3, $0x0, v6;
	v4 =	vmul.f32 v54, v4;
	v56 =	vpop (erf)  }
0xc8: {  	[tilespmem:s4+$0xFFFFFFA0] =	vst v6;
	v0 =	vsel vm7, $0x0, v53;
	v3 =	vmul.f32 v56, v3;
	v57 =	vpop (erf)  }
0xc9: {  	[tilespmem:s4+$0xFFFFFFB0] =	vst v0;
	v58 =	vsel vm5, $0x0, v4;
	v2 =	vmul.f32 v57, v2  }
0xca: {  	v59 =	vpop (erf);
	v1 =	vmul.f32 v1, v55;
	[tilespmem:s4+$0xFFFFFFC0] =	vst v58;
	v60 =	vsel vm4, $0x0, v3  }
0xcb: {  	vm15 =	vmmov vm1;
	v61 =	vmul.f32 v59, v52;
	[tilespmem:s4+$0xFFFFFFD0] =	vst v60;
	v62 =	vsel vm6, $0x0, v2  }
0xcc: {  	v1 =	vsel vm15, $0x0, v1;
	[tilespmem:s4+$0xFFFFFFE0] =	vst v62  }
0xcd: {  	v63 =	vsel vm2, $0x0, v61;
	[tilespmem:s4+$0xFFFFFF90] =	vst v1  }
0xce: {  	[tilespmem:s4+$0xFFFFFFF0] =	vst v63  }
0xcf: {  	s3 =	simm.s32 $0x10;
	s8 =	rddreg [dreg:$0x8]  }
0xd0: {  	s2 =	simm.s32 $0x10080;
	s4 =	simm.s32 $0x10180;
	s5 =	sadd.s32 $0x0, s8  }
.LBB2_20:
0xd1: {  	[hbm4b:s5+s1] =	stream.linear.scatter [tilespmem:s2], [sflag:$0x6], $0x80, $0x38;
	[tilespmem:$0x18000] =	vst v63  }
0xd2: {  	s5 =	smov.u32 s3;
	s2 =	smov.u32 s4;
	p0 =	sne.s32 s3, $0x7F0  }
.Ltmp9:
0xd3: {  	s3 =	sadd.s32 $0x10, s3;
	(pc) =	sbr.rel @p0 .LBB2_20-.Ltmp9, $2  }
0xd4: {  	_ =	sdelay $0x2  }
0xd5: {  	s4 =	sadd.s32 $0x100, s4;
	s5 =	sadd.s32 s5, s8  }
0xd6: {  	[hbm4b:s5+s1] =	stream.linear.scatter [tilespmem:s2], [sflag:$0x6], $0x80, $0x38;
	[tilespmem:$0x18000] =	vst v63  }
0xd7: {  	s2 =	simm.s32 $0x80;
	s8 =	rddreg [dreg:$0x9]  }
0xd8: {  	s3 =	simm.s32 $0x10;
	s4 =	simm.s32 $0x180;
	s5 =	sadd.s32 $0x0, s8  }
.LBB2_22:
0xd9: {  	[tilespmem:s2], [sflag:$0x2] =	stream.linear.gather [hbm4b:s5+s1], $0x80, $0x38;
	[tilespmem:$0x18000] =	vst v63  }
0xda: {  	s5 =	smov.u32 s3;
	s2 =	smov.u32 s4;
	p0 =	sne.s32 s3, $0x7F0  }
.Ltmp10:
0xdb: {  	s3 =	sadd.s32 $0x10, s3;
	(pc) =	sbr.rel @p0 .LBB2_22-.Ltmp10, $2  }
0xdc: {  	_ =	sdelay $0x2  }
0xdd: {  	s4 =	sadd.s32 $0x100, s4;
	s5 =	sadd.s32 s5, s8  }
0xde: {  	[tilespmem:s2], [sflag:$0x2] =	stream.linear.gather [hbm4b:s5+s1], $0x80, $0x38;
	[tilespmem:$0x18000] =	vst v63  }
0xdf: {  	s2 =	simm.s32 $0x8080;
	s9 =	rddreg [dreg:$0xa]  }
0xe0: {  	s3 =	simm.s32 $0x10;
	s4 =	simm.s32 $0x8180;
	s5 =	sadd.s32 $0x0, s9  }
.LBB2_24:
0xe1: {  	[tilespmem:s2], [sflag:$0x4] =	stream.linear.gather [hbm4b:s5+s1], $0x80, $0x38;
	[tilespmem:$0x18000] =	vst v63  }
0xe2: {  	s5 =	smov.u32 s3;
	s2 =	smov.u32 s4;
	p0 =	sne.s32 s3, $0x7F0  }
.Ltmp11:
0xe3: {  	s3 =	sadd.s32 $0x10, s3;
	(pc) =	sbr.rel @p0 .LBB2_24-.Ltmp11, $2  }
0xe4: {  	_ =	sdelay $0x2  }
0xe5: {  	s4 =	sadd.s32 $0x100, s4;
	s5 =	sadd.s32 s5, s9  }
0xe6: {  	[tilespmem:s2], [sflag:$0x4] =	stream.linear.gather [hbm4b:s5+s1], $0x80, $0x38;
	[tilespmem:$0x18000] =	vst v63  }
0xe7: {  	s5 =	simm.s32 $0x1  }
0xe8: {  	_ =	swait.ge [sflag:s5], $0x4000  }
0xe9: {  	[sflag:s5] =	ssyncset.done $0x0  }
0xea: {  	s6 =	simm.s32 $0x3;
	[sflag:s5] =	ssyncadd.s32 $0xFFFFC000  }
0xeb: {  	_ =	swait.ge [sflag:s6], $0x4000  }
0xec: {  	[sflag:s6] =	ssyncset.done $0x0  }
0xed: {  	s7 =	simm.s32 $0x5;
	[sflag:s6] =	ssyncadd.s32 $0xFFFFC000  }
0xee: {  	_ =	swait.ge [sflag:s7], $0x4000  }
0xef: {  	[sflag:s7] =	ssyncset.done $0x0  }
0xf0: {  	s8 =	simm.s32 $0x8040;
	[sflag:s7] =	ssyncadd.s32 $0xFFFFC000  }
0xf1: {  	v1 =	vld [tilespmem:s8+$0x30]  }
0xf2: {  	v2 =	vld [tilespmem:s8+$0xFFFFFFC0]  }
0xf3: {  	v3 =	vld [tilespmem:s8+$0xFFFFFFD0]  }
0xf4: {  	v4 =	vld [tilespmem:s8+$0xFFFFFFE0]  }
0xf5: {  	v5 =	vld [tilespmem:s8+$0xFFFFFFF0]  }
0xf6: {  	v6 =	vld [tilespmem:s8+$0x0];
	(erf) = vrcp.f32 v1  }
0xf7: {  	v7 =	vld [tilespmem:s8+$0x10];
	(erf) = vrcp.f32 v2  }
0xf8: {  	s3 =	simm.s32 $0x40;
	v8 =	vld [tilespmem:s8+$0x20];
	(erf) = vrcp.f32 v3  }
0xf9: {  	v9 =	vld [tilespmem:s3+$0x30];
	(erf) = vrcp.f32 v4  }
0xfa: {  	v10 =	vld [tilespmem:s3+$0xFFFFFFD0];
	(erf) = vrcp.f32 v5  }
0xfb: {  	v11 =	vld [tilespmem:s3+$0xFFFFFFE0];
	(erf) = vrcp.f32 v6  }
0xfc: {  	v12 =	vld [tilespmem:s3+$0xFFFFFFF0];
	(erf) = vrcp.f32 v7  }
0xfd: {  	s9 =	simm.s32 $0x8140;
	v13 =	vld [tilespmem:s3+$0x0]  }
0xfe: {  	v0 =	vld [tilespmem:s9+$0x30]  }
0xff: {  	v16 =	vld [tilespmem:s9+$0xFFFFFFC0];
	v15 =	vpop (erf)  }
0x100: {  	v60 =	vld [tilespmem:s9+$0x20];
	vm0 =	veq.f32 v2, $0.0e+00;
	v2 =	vpop (erf)  }
0x101: {  	vm1 =	veq.f32 v3, $0.0e+00;
	vm3 =	veq.f32 v4, $0.0e+00;
	v4 =	vld [tilespmem:s9+$0xFFFFFFD0];
	(erf) = vrcp.f32 v8;
	v3 =	vpop (erf)  }
0x102: {  	vm6 =	veq.f32 v5, $0.0e+00;
	vm5 =	veq.f32 v6, $0.0e+00;
	v5 =	vmul.f32 v15, v9;
	v9 =	vld [tilespmem:s9+$0xFFFFFFE0];
	v6 =	vpop (erf)  }
0x103: {  	vm4 =	veq.f32 v7, $0.0e+00;
	vm2 =	veq.f32 v8, $0.0e+00;
	v3 =	vmul.f32 v3, v10;
	v10 =	vld [tilespmem:s9+$0xFFFFFFF0];
	v7 =	vpop (erf)  }
0x104: {  	vm7 =	veq.f32 v1, $0.0e+00;
	(erf) = vrcp.f32 v0;
	v6 =	vmul.f32 v6, v11;
	v11 =	vld [tilespmem:s9+$0x0];
	v8 =	vpop (erf)  }
0x105: {  	v59 =	vld [tilespmem:s9+$0x10];
	vm8 =	veq.f32 v60, $0.0e+00;
	v1 =	vmul.f32 v8, v13;
	v8 =	vpop (erf);
	(erf) = vrcp.f32 v16  }
0x106: {  	v14 =	vld [tilespmem:s3+$0x10];
	vm2 =	vmmov vm2;
	vm0 =	vmmov vm0;
	(erf) = vrcp.f32 v4  }
0x107: {  	v61 =	vld [tilespmem:s3+$0x20];
	v7 =	vmul.f32 v7, v12;
	v3 =	vsel vm1, $0x0, v3;
	(erf) = vrcp.f32 v9  }
0x108: {  	s2 =	simm.s32 $0x10040;
	v63 =	vld [tilespmem:s3+$0xFFFFFFC0];
	s3 =	simm.s32 $0x140;
	v5 =	vsel vm7, $0x0, v5;
	v62 =	vsel vm3, $0x0, v6;
	(erf) = vrcp.f32 v10  }
0x109: {  	[tilespmem:s2+$0x30] =	vst v5;
	vm3 =	veq.f32 v4, $0.0e+00;
	v4 =	vsel vm6, $0x0, v7;
	v7 =	vld [tilespmem:s3+$0x30];
	(erf) = vrcp.f32 v11  }
0x10a: {  	v5 =	vld [tilespmem:s3+$0xFFFFFFE0];
	vm1 =	veq.f32 v16, $0.0e+00;
	[tilespmem:s2+$0xFFFFFFD0] =	vst v3;
	v1 =	vsel vm5, $0x0, v1;
	v3 =	vpop (erf);
	(erf) = vrcp.f32 v59  }
0x10b: {  	vm7 =	veq.f32 v9, $0.0e+00;
	v6 =	vld [tilespmem:s3+$0xFFFFFFD0];
	v8 =	vmul.f32 v8, v14;
	[tilespmem:s2+$0xFFFFFFE0] =	vst v62;
	(erf) = vrcp.f32 v60  }
0x10c: {  	vm6 =	veq.f32 v59, $0.0e+00;
	vm5 =	veq.f32 v10, $0.0e+00;
	[tilespmem:s2+$0xFFFFFFF0] =	vst v4;
	v4 =	vld [tilespmem:s3+$0xFFFFFFF0];
	v10 =	vmul.f32 v3, v61  }
0x10d: {  	v9 =	vsel vm4, $0x0, v8;
	vm4 =	veq.f32 v11, $0.0e+00;
	[tilespmem:s2+$0x0] =	vst v1;
	v8 =	vmul.f32 v2, v63;
	v2 =	vld [tilespmem:s3+$0x10];
	v1 =	vpop (erf)  }
0x10e: {  	s4 =	simm.s32 $0x80;
	s5 =	simm.s32 $0x8240;
	[tilespmem:s2+$0x10] =	vst v9;
	v3 =	vld [tilespmem:s3+$0x0];
	v7 =	vmul.f32 v1, v7;
	v9 =	vsel vm2, $0x0, v10;
	vm2 =	vmmov vm8;
	v1 =	vpop (erf)  }
.LBB2_26:
0x10f: {  	s4 =	sadd.s32 $0x80, s4;
	vm8 =	veq.f32 v0, $0.0e+00;
	v0 =	vld [tilespmem:s5+$0x30];
	v10 =	vpop (erf);
	v8 =	vsel vm0, $0x0, v8;
	[tilespmem:s2+$0x20] =	vst v9;
	vm0 =	vmmov vm1  }
0x110: {  	v9 =	vld [tilespmem:s5+$0xFFFFFFC0];
	p0 =	slt.u32 s4, $0x3F80;
	v13 =	vmul.f32 v10, v6;
	v11 =	vsel vm8, $0x0, v7;
	v10 =	vpop (erf);
	[tilespmem:s2+$0xFFFFFFC0] =	vst v8;
	s2 =	sadd.s32 $0x100, s2  }
0x111: {  	v8 =	vld [tilespmem:s5+$0xFFFFFFD0];
	v5 =	vmul.f32 v10, v5;
	[tilespmem:s2+$0x30] =	vst v11;
	v7 =	vpop (erf)  }
0x112: {  	v10 =	vld [tilespmem:s5+$0xFFFFFFE0];
	v13 =	vsel vm3, $0x0, v13;
	v4 =	vmul.f32 v7, v4;
	v7 =	vpop (erf)  }
0x113: {  	v11 =	vld [tilespmem:s5+$0xFFFFFFF0];
	[tilespmem:s2+$0xFFFFFFD0] =	vst v13;
	v5 =	vsel vm7, $0x0, v5;
	v3 =	vmul.f32 v7, v3;
	v6 =	vpop (erf)  }
0x114: {  	v7 =	vld [tilespmem:s5+$0x0];
	(erf) = vrcp.f32 v0;
	[tilespmem:s2+$0xFFFFFFE0] =	vst v5;
	v4 =	vsel vm5, $0x0, v4;
	v2 =	vmul.f32 v6, v2;
	v12 =	vpop (erf)  }
0x115: {  	vm1 =	veq.f32 v9, $0.0e+00;
	v5 =	vld [tilespmem:s5+$0x10];
	(erf) = vrcp.f32 v9;
	[tilespmem:s2+$0xFFFFFFF0] =	vst v4;
	v3 =	vsel vm4, $0x0, v3  }
0x116: {  	vm3 =	veq.f32 v8, $0.0e+00;
	v4 =	vld [tilespmem:s5+$0x20];
	(erf) = vrcp.f32 v8;
	[tilespmem:s2+$0x0] =	vst v3;
	v2 =	vsel vm6, $0x0, v2  }
0x117: {  	vm7 =	veq.f32 v10, $0.0e+00;
	(erf) = vrcp.f32 v10;
	[tilespmem:s2+$0x10] =	vst v2;
	v2 =	vld [tilespmem:s3+$0x20]  }
0x118: {  	vm5 =	veq.f32 v11, $0.0e+00;
	(erf) = vrcp.f32 v11;
	v8 =	vld [tilespmem:s3+$0xFFFFFFC0];
	s3 =	sadd.s32 $0x100, s3  }
0x119: {  	vm4 =	veq.f32 v7, $0.0e+00;
	v9 =	vld [tilespmem:s3+$0x30];
	(erf) = vrcp.f32 v7  }
.Ltmp12:
0x11a: {  	v6 =	vld [tilespmem:s3+$0xFFFFFFD0];
	vm6 =	veq.f32 v5, $0.0e+00;
	(erf) = vrcp.f32 v5;
	(pc) =	sbr.rel @p0 .LBB2_26-.Ltmp12, $4  }
0x11b: {  	v5 =	vld [tilespmem:s3+$0xFFFFFFE0];
	vm8 =	veq.f32 v4, $0.0e+00;
	(erf) = vrcp.f32 v4  }
0x11c: {  	v4 =	vld [tilespmem:s3+$0xFFFFFFF0];
	v10 =	vmul.f32 v12, v2  }
0x11d: {  	v3 =	vld [tilespmem:s3+$0x0];
	v7 =	vpop (erf);
	v8 =	vmul.f32 v1, v8  }
0x11e: {  	s5 =	sadd.s32 $0x100, s5;
	v2 =	vld [tilespmem:s3+$0x10];
	v7 =	vmul.f32 v7, v9;
	v1 =	vpop (erf);
	v9 =	vsel vm2, $0x0, v10;
	vm2 =	vmmov vm8  }
0x11f: {  	v10 =	vpop (erf)  }
0x120: {  	vm8 =	veq.f32 v0, $0.0e+00;
	v50 =	vsel vm0, $0x0, v8;
	[tilespmem:s2+$0x20] =	vst v9;
	v55 =	vld [tilespmem:s3+$0xFFFFFFC0];
	v6 =	vmul.f32 v10, v6;
	v51 =	vpop (erf)  }
0x121: {  	v52 =	vld [tilespmem:s3+$0x20];
	s4 =	sadd.s32 $0x100, s2;
	v7 =	vsel vm8, $0x0, v7;
	[tilespmem:s2+$0xFFFFFFC0] =	vst v50;
	v53 =	vmul.f32 v51, v5;
	v54 =	vpop (erf)  }
0x122: {  	[tilespmem:s4+$0x30] =	vst v7;
	v6 =	vsel vm3, $0x0, v6;
	v4 =	vmul.f32 v54, v4;
	v56 =	vpop (erf)  }
0x123: {  	[tilespmem:s4+$0xFFFFFFD0] =	vst v6;
	v0 =	vsel vm7, $0x0, v53;
	v3 =	vmul.f32 v56, v3;
	v57 =	vpop (erf)  }
0x124: {  	[tilespmem:s4+$0xFFFFFFE0] =	vst v0;
	v58 =	vsel vm5, $0x0, v4;
	v2 =	vmul.f32 v57, v2  }
0x125: {  	v59 =	vpop (erf);
	v1 =	vmul.f32 v1, v55;
	[tilespmem:s4+$0xFFFFFFF0] =	vst v58;
	v60 =	vsel vm4, $0x0, v3  }
0x126: {  	vm15 =	vmmov vm1;
	v61 =	vmul.f32 v59, v52;
	[tilespmem:s4+$0x0] =	vst v60;
	v62 =	vsel vm6, $0x0, v2  }
0x127: {  	v1 =	vsel vm15, $0x0, v1;
	[tilespmem:s4+$0x10] =	vst v62  }
0x128: {  	v63 =	vsel vm2, $0x0, v61;
	[tilespmem:s4+$0xFFFFFFC0] =	vst v1  }
0x129: {  	[tilespmem:s4+$0x20] =	vst v63  }
0x12a: {  	s3 =	simm.s32 $0x10;
	s9 =	rddreg [dreg:$0xb]  }
0x12b: {  	s2 =	simm.s32 $0x10000;
	s4 =	simm.s32 $0x10100;
	s5 =	sadd.s32 $0x0, s9  }
.LBB2_28:
0x12c: {  	[hbm4b:s5+s1] =	stream.linear.scatter [tilespmem:s2], [sflag:$0x5], $0x80, $0x38;
	[tilespmem:$0x18000] =	vst v63  }
0x12d: {  	s5 =	smov.u32 s3;
	s2 =	smov.u32 s4;
	p0 =	sne.s32 s3, $0x7F0  }
.Ltmp13:
0x12e: {  	s3 =	sadd.s32 $0x10, s3;
	(pc) =	sbr.rel @p0 .LBB2_28-.Ltmp13, $2  }
0x12f: {  	_ =	sdelay $0x2  }
0x130: {  	s4 =	sadd.s32 $0x100, s4;
	s5 =	sadd.s32 s5, s9  }
0x131: {  	[hbm4b:s5+s1] =	stream.linear.scatter [tilespmem:s2], [sflag:$0x5], $0x80, $0x38;
	[tilespmem:$0x18000] =	vst v63  }
0x132: {  	s2 =	simm.s32 $0x0  }
0x133: {  	s3 =	simm.s32 $0x10;
	s5 =	sadd.s32 $0x0, s10;
	s4 =	simm.s32 $0x100  }
.LBB2_30:
0x134: {  	[tilespmem:s2], [sflag:$0x1] =	stream.linear.gather [hbm4b:s5+s1], $0x80, $0x38;
	[tilespmem:$0x18000] =	vst v63  }
0x135: {  	s5 =	smov.u32 s3;
	s2 =	smov.u32 s4;
	p0 =	sne.s32 s3, $0x7F0  }
.Ltmp14:
0x136: {  	s3 =	sadd.s32 $0x10, s3;
	(pc) =	sbr.rel @p0 .LBB2_30-.Ltmp14, $2  }
0x137: {  	_ =	sdelay $0x2  }
0x138: {  	s4 =	sadd.s32 $0x100, s4;
	s5 =	sadd.s32 s5, s10  }
0x139: {  	[tilespmem:s2], [sflag:$0x1] =	stream.linear.gather [hbm4b:s5+s1], $0x80, $0x38;
	[tilespmem:$0x18000] =	vst v63  }
0x13a: {  	s2 =	simm.s32 $0x8000  }
0x13b: {  	s3 =	simm.s32 $0x10;
	s5 =	sadd.s32 $0x0, s11;
	s4 =	simm.s32 $0x8100  }
.LBB2_32:
0x13c: {  	[tilespmem:s2], [sflag:$0x3] =	stream.linear.gather [hbm4b:s5+s1], $0x80, $0x38;
	[tilespmem:$0x18000] =	vst v63  }
0x13d: {  	s5 =	smov.u32 s3;
	s2 =	smov.u32 s4;
	p0 =	sne.s32 s3, $0x7F0  }
.Ltmp15:
0x13e: {  	s3 =	sadd.s32 $0x10, s3;
	(pc) =	sbr.rel @p0 .LBB2_32-.Ltmp15, $2  }
0x13f: {  	_ =	sdelay $0x2  }
0x140: {  	s4 =	sadd.s32 $0x100, s4;
	s5 =	sadd.s32 s5, s11  }
0x141: {  	[tilespmem:s2], [sflag:$0x3] =	stream.linear.gather [hbm4b:s5+s1], $0x80, $0x38;
	[tilespmem:$0x18000] =	vst v63  }
0x142: {  	s5 =	simm.s32 $0x2  }
0x143: {  	_ =	swait.ge [sflag:s5], $0x4000  }
0x144: {  	[sflag:s5] =	ssyncset.done $0x0  }
0x145: {  	s6 =	simm.s32 $0x4;
	[sflag:s5] =	ssyncadd.s32 $0xFFFFC000  }
0x146: {  	_ =	swait.ge [sflag:s6], $0x4000  }
0x147: {  	[sflag:s6] =	ssyncset.done $0x0  }
0x148: {  	s7 =	simm.s32 $0x6;
	[sflag:s6] =	ssyncadd.s32 $0xFFFFC000  }
0x149: {  	_ =	swait.ge [sflag:s7], $0x4000  }
0x14a: {  	[sflag:s7] =	ssyncset.done $0x0  }
0x14b: {  	s8 =	simm.s32 $0x80F0;
	[sflag:s7] =	ssyncadd.s32 $0xFFFFC000  }
0x14c: {  	v1 =	vld [tilespmem:s8+$0x0]  }
0x14d: {  	v2 =	vld [tilespmem:s8+$0xFFFFFF90]  }
0x14e: {  	v3 =	vld [tilespmem:s8+$0xFFFFFFA0]  }
0x14f: {  	v4 =	vld [tilespmem:s8+$0xFFFFFFB0]  }
0x150: {  	v5 =	vld [tilespmem:s8+$0xFFFFFFC0]  }
0x151: {  	v6 =	vld [tilespmem:s8+$0xFFFFFFD0];
	(erf) = vrcp.f32 v1  }
0x152: {  	v7 =	vld [tilespmem:s8+$0xFFFFFFE0];
	(erf) = vrcp.f32 v2  }
0x153: {  	s3 =	simm.s32 $0xF0;
	v8 =	vld [tilespmem:s8+$0xFFFFFFF0];
	(erf) = vrcp.f32 v3  }
0x154: {  	v9 =	vld [tilespmem:s3+$0x0];
	(erf) = vrcp.f32 v4  }
0x155: {  	v10 =	vld [tilespmem:s3+$0xFFFFFFA0];
	(erf) = vrcp.f32 v5  }
0x156: {  	v11 =	vld [tilespmem:s3+$0xFFFFFFB0];
	(erf) = vrcp.f32 v6  }
0x157: {  	v12 =	vld [tilespmem:s3+$0xFFFFFFC0];
	(erf) = vrcp.f32 v7  }
0x158: {  	s9 =	simm.s32 $0x81F0;
	v13 =	vld [tilespmem:s3+$0xFFFFFFD0]  }
0x159: {  	v0 =	vld [tilespmem:s9+$0x0]  }
0x15a: {  	v16 =	vld [tilespmem:s9+$0xFFFFFF90];
	v15 =	vpop (erf)  }
0x15b: {  	v60 =	vld [tilespmem:s9+$0xFFFFFFF0];
	vm0 =	veq.f32 v2, $0.0e+00;
	v2 =	vpop (erf)  }
0x15c: {  	vm1 =	veq.f32 v3, $0.0e+00;
	vm3 =	veq.f32 v4, $0.0e+00;
	v4 =	vld [tilespmem:s9+$0xFFFFFFA0];
	(erf) = vrcp.f32 v8;
	v3 =	vpop (erf)  }
0x15d: {  	vm6 =	veq.f32 v5, $0.0e+00;
	vm5 =	veq.f32 v6, $0.0e+00;
	v5 =	vmul.f32 v15, v9;
	v9 =	vld [tilespmem:s9+$0xFFFFFFB0];
	v6 =	vpop (erf)  }
0x15e: {  	vm4 =	veq.f32 v7, $0.0e+00;
	vm2 =	veq.f32 v8, $0.0e+00;
	v3 =	vmul.f32 v3, v10;
	v10 =	vld [tilespmem:s9+$0xFFFFFFC0];
	v7 =	vpop (erf)  }
0x15f: {  	vm7 =	veq.f32 v1, $0.0e+00;
	(erf) = vrcp.f32 v0;
	v6 =	vmul.f32 v6, v11;
	v11 =	vld [tilespmem:s9+$0xFFFFFFD0];
	v8 =	vpop (erf)  }
0x160: {  	v59 =	vld [tilespmem:s9+$0xFFFFFFE0];
	vm8 =	veq.f32 v60, $0.0e+00;
	v1 =	vmul.f32 v8, v13;
	v8 =	vpop (erf);
	(erf) = vrcp.f32 v16  }
0x161: {  	v14 =	vld [tilespmem:s3+$0xFFFFFFE0];
	vm2 =	vmmov vm2;
	vm0 =	vmmov vm0;
	(erf) = vrcp.f32 v4  }
0x162: {  	v61 =	vld [tilespmem:s3+$0xFFFFFFF0];
	v7 =	vmul.f32 v7, v12;
	v3 =	vsel vm1, $0x0, v3;
	(erf) = vrcp.f32 v9  }
0x163: {  	s2 =	simm.s32 $0x100F0;
	v63 =	vld [tilespmem:s3+$0xFFFFFF90];
	s3 =	simm.s32 $0x1F0;
	v5 =	vsel vm7, $0x0, v5;
	v62 =	vsel vm3, $0x0, v6;
	(erf) = vrcp.f32 v10  }
0x164: {  	[tilespmem:s2+$0x0] =	vst v5;
	vm3 =	veq.f32 v4, $0.0e+00;
	v4 =	vsel vm6, $0x0, v7;
	v7 =	vld [tilespmem:s3+$0x0];
	(erf) = vrcp.f32 v11  }
0x165: {  	v5 =	vld [tilespmem:s3+$0xFFFFFFB0];
	vm1 =	veq.f32 v16, $0.0e+00;
	[tilespmem:s2+$0xFFFFFFA0] =	vst v3;
	v1 =	vsel vm5, $0x0, v1;
	v3 =	vpop (erf);
	(erf) = vrcp.f32 v59  }
0x166: {  	vm7 =	veq.f32 v9, $0.0e+00;
	v6 =	vld [tilespmem:s3+$0xFFFFFFA0];
	v8 =	vmul.f32 v8, v14;
	[tilespmem:s2+$0xFFFFFFB0] =	vst v62;
	(erf) = vrcp.f32 v60  }
0x167: {  	vm6 =	veq.f32 v59, $0.0e+00;
	vm5 =	veq.f32 v10, $0.0e+00;
	[tilespmem:s2+$0xFFFFFFC0] =	vst v4;
	v4 =	vld [tilespmem:s3+$0xFFFFFFC0];
	v10 =	vmul.f32 v3, v61  }
0x168: {  	v9 =	vsel vm4, $0x0, v8;
	vm4 =	veq.f32 v11, $0.0e+00;
	[tilespmem:s2+$0xFFFFFFD0] =	vst v1;
	v8 =	vmul.f32 v2, v63;
	v2 =	vld [tilespmem:s3+$0xFFFFFFE0];
	v1 =	vpop (erf)  }
0x169: {  	s4 =	simm.s32 $0x80;
	s5 =	simm.s32 $0x82F0;
	[tilespmem:s2+$0xFFFFFFE0] =	vst v9;
	v3 =	vld [tilespmem:s3+$0xFFFFFFD0];
	v7 =	vmul.f32 v1, v7;
	v9 =	vsel vm2, $0x0, v10;
	vm2 =	vmmov vm8;
	v1 =	vpop (erf)  }
.LBB2_34:
0x16a: {  	s4 =	sadd.s32 $0x80, s4;
	vm8 =	veq.f32 v0, $0.0e+00;
	v0 =	vld [tilespmem:s5+$0x0];
	v10 =	vpop (erf);
	v8 =	vsel vm0, $0x0, v8;
	[tilespmem:s2+$0xFFFFFFF0] =	vst v9;
	vm0 =	vmmov vm1  }
0x16b: {  	v9 =	vld [tilespmem:s5+$0xFFFFFF90];
	p0 =	slt.u32 s4, $0x3F80;
	v13 =	vmul.f32 v10, v6;
	v11 =	vsel vm8, $0x0, v7;
	v10 =	vpop (erf);
	[tilespmem:s2+$0xFFFFFF90] =	vst v8;
	s2 =	sadd.s32 $0x100, s2  }
0x16c: {  	v8 =	vld [tilespmem:s5+$0xFFFFFFA0];
	v5 =	vmul.f32 v10, v5;
	[tilespmem:s2+$0x0] =	vst v11;
	v7 =	vpop (erf)  }
0x16d: {  	v10 =	vld [tilespmem:s5+$0xFFFFFFB0];
	v13 =	vsel vm3, $0x0, v13;
	v4 =	vmul.f32 v7, v4;
	v7 =	vpop (erf)  }
0x16e: {  	v11 =	vld [tilespmem:s5+$0xFFFFFFC0];
	[tilespmem:s2+$0xFFFFFFA0] =	vst v13;
	v5 =	vsel vm7, $0x0, v5;
	v3 =	vmul.f32 v7, v3;
	v6 =	vpop (erf)  }
0x16f: {  	v7 =	vld [tilespmem:s5+$0xFFFFFFD0];
	(erf) = vrcp.f32 v0;
	[tilespmem:s2+$0xFFFFFFB0] =	vst v5;
	v4 =	vsel vm5, $0x0, v4;
	v2 =	vmul.f32 v6, v2;
	v12 =	vpop (erf)  }
0x170: {  	vm1 =	veq.f32 v9, $0.0e+00;
	v5 =	vld [tilespmem:s5+$0xFFFFFFE0];
	(erf) = vrcp.f32 v9;
	[tilespmem:s2+$0xFFFFFFC0] =	vst v4;
	v3 =	vsel vm4, $0x0, v3  }
0x171: {  	vm3 =	veq.f32 v8, $0.0e+00;
	v4 =	vld [tilespmem:s5+$0xFFFFFFF0];
	(erf) = vrcp.f32 v8;
	[tilespmem:s2+$0xFFFFFFD0] =	vst v3;
	v2 =	vsel vm6, $0x0, v2  }
0x172: {  	vm7 =	veq.f32 v10, $0.0e+00;
	(erf) = vrcp.f32 v10;
	[tilespmem:s2+$0xFFFFFFE0] =	vst v2;
	v2 =	vld [tilespmem:s3+$0xFFFFFFF0]  }
0x173: {  	vm5 =	veq.f32 v11, $0.0e+00;
	(erf) = vrcp.f32 v11;
	v8 =	vld [tilespmem:s3+$0xFFFFFF90];
	s3 =	sadd.s32 $0x100, s3  }
0x174: {  	vm4 =	veq.f32 v7, $0.0e+00;
	v9 =	vld [tilespmem:s3+$0x0];
	(erf) = vrcp.f32 v7  }
.Ltmp16:
0x175: {  	v6 =	vld [tilespmem:s3+$0xFFFFFFA0];
	vm6 =	veq.f32 v5, $0.0e+00;
	(erf) = vrcp.f32 v5;
	(pc) =	sbr.rel @p0 .LBB2_34-.Ltmp16, $4  }
0x176: {  	v5 =	vld [tilespmem:s3+$0xFFFFFFB0];
	vm8 =	veq.f32 v4, $0.0e+00;
	(erf) = vrcp.f32 v4  }
0x177: {  	v4 =	vld [tilespmem:s3+$0xFFFFFFC0];
	v10 =	vmul.f32 v12, v2  }
0x178: {  	v3 =	vld [tilespmem:s3+$0xFFFFFFD0];
	v7 =	vpop (erf);
	v8 =	vmul.f32 v1, v8  }
0x179: {  	s5 =	sadd.s32 $0x100, s5;
	v2 =	vld [tilespmem:s3+$0xFFFFFFE0];
	v7 =	vmul.f32 v7, v9;
	v1 =	vpop (erf);
	v9 =	vsel vm2, $0x0, v10;
	vm2 =	vmmov vm8  }
0x17a: {  	v10 =	vpop (erf)  }
0x17b: {  	vm8 =	veq.f32 v0, $0.0e+00;
	v50 =	vsel vm0, $0x0, v8;
	[tilespmem:s2+$0xFFFFFFF0] =	vst v9;
	v55 =	vld [tilespmem:s3+$0xFFFFFF90];
	v6 =	vmul.f32 v10, v6;
	v51 =	vpop (erf)  }
0x17c: {  	v52 =	vld [tilespmem:s3+$0xFFFFFFF0];
	s4 =	sadd.s32 $0x100, s2;
	v7 =	vsel vm8, $0x0, v7;
	[tilespmem:s2+$0xFFFFFF90] =	vst v50;
	v53 =	vmul.f32 v51, v5;
	v54 =	vpop (erf)  }
0x17d: {  	[tilespmem:s4+$0x0] =	vst v7;
	v6 =	vsel vm3, $0x0, v6;
	v4 =	vmul.f32 v54, v4;
	v56 =	vpop (erf)  }
0x17e: {  	[tilespmem:s4+$0xFFFFFFA0] =	vst v6;
	v0 =	vsel vm7, $0x0, v53;
	v3 =	vmul.f32 v56, v3;
	v57 =	vpop (erf)  }
0x17f: {  	[tilespmem:s4+$0xFFFFFFB0] =	vst v0;
	v58 =	vsel vm5, $0x0, v4;
	v2 =	vmul.f32 v57, v2  }
0x180: {  	v59 =	vpop (erf);
	v1 =	vmul.f32 v1, v55;
	[tilespmem:s4+$0xFFFFFFC0] =	vst v58;
	v60 =	vsel vm4, $0x0, v3  }
0x181: {  	vm15 =	vmmov vm1;
	v61 =	vmul.f32 v59, v52;
	[tilespmem:s4+$0xFFFFFFD0] =	vst v60;
	v62 =	vsel vm6, $0x0, v2  }
0x182: {  	v1 =	vsel vm15, $0x0, v1;
	[tilespmem:s4+$0xFFFFFFE0] =	vst v62  }
0x183: {  	s3 =	simm.s32 $0x10;
	v63 =	vsel vm2, $0x0, v61;
	[tilespmem:s4+$0xFFFFFF90] =	vst v1  }
0x184: {  	s5 =	sadd.s32 $0x0, s12;
	s2 =	simm.s32 $0x10080;
	[tilespmem:s4+$0xFFFFFFF0] =	vst v63;
	s4 =	simm.s32 $0x10180  }
.LBB2_36:
0x185: {  	[hbm4b:s5+s1] =	stream.linear.scatter [tilespmem:s2], [sflag:$0x6], $0x80, $0x38;
	[tilespmem:$0x18000] =	vst v63  }
0x186: {  	s5 =	smov.u32 s3;
	s2 =	smov.u32 s4;
	p0 =	sne.s32 s3, $0x7F0  }
.Ltmp17:
0x187: {  	s3 =	sadd.s32 $0x10, s3;
	(pc) =	sbr.rel @p0 .LBB2_36-.Ltmp17, $2  }
0x188: {  	_ =	sdelay $0x2  }
0x189: {  	s4 =	sadd.s32 $0x100, s4;
	s5 =	sadd.s32 s5, s12  }
0x18a: {  	[hbm4b:s5+s1] =	stream.linear.scatter [tilespmem:s2], [sflag:$0x6], $0x80, $0x38;
	[tilespmem:$0x18000] =	vst v63  }
0x18b: {  	s2 =	simm.s32 $0x80  }
0x18c: {  	s3 =	simm.s32 $0x10;
	s5 =	sadd.s32 $0x0, s13;
	s4 =	simm.s32 $0x180  }
.LBB2_38:
0x18d: {  	[tilespmem:s2], [sflag:$0x2] =	stream.linear.gather [hbm4b:s5+s1], $0x80, $0x38;
	[tilespmem:$0x18000] =	vst v63  }
0x18e: {  	s5 =	smov.u32 s3;
	s2 =	smov.u32 s4;
	p0 =	sne.s32 s3, $0x7F0  }
.Ltmp18:
0x18f: {  	s3 =	sadd.s32 $0x10, s3;
	(pc) =	sbr.rel @p0 .LBB2_38-.Ltmp18, $2  }
0x190: {  	_ =	sdelay $0x2  }
0x191: {  	s4 =	sadd.s32 $0x100, s4;
	s5 =	sadd.s32 s5, s13  }
0x192: {  	[tilespmem:s2], [sflag:$0x2] =	stream.linear.gather [hbm4b:s5+s1], $0x80, $0x38;
	[tilespmem:$0x18000] =	vst v63  }
0x193: {  	s2 =	simm.s32 $0x8080  }
0x194: {  	s3 =	simm.s32 $0x10;
	s5 =	sadd.s32 $0x0, s14;
	s4 =	simm.s32 $0x8180  }
.LBB2_40:
0x195: {  	[tilespmem:s2], [sflag:$0x4] =	stream.linear.gather [hbm4b:s5+s1], $0x80, $0x38;
	[tilespmem:$0x18000] =	vst v63  }
0x196: {  	s5 =	smov.u32 s3;
	s2 =	smov.u32 s4;
	p0 =	sne.s32 s3, $0x7F0  }
.Ltmp19:
0x197: {  	s3 =	sadd.s32 $0x10, s3;
	(pc) =	sbr.rel @p0 .LBB2_40-.Ltmp19, $2  }
0x198: {  	_ =	sdelay $0x2  }
0x199: {  	s4 =	sadd.s32 $0x100, s4;
	s5 =	sadd.s32 s5, s14  }
0x19a: {  	[tilespmem:s2], [sflag:$0x4] =	stream.linear.gather [hbm4b:s5+s1], $0x80, $0x38;
	[tilespmem:$0x18000] =	vst v63  }
0x19b: {  	s5 =	simm.s32 $0x1  }
0x19c: {  	_ =	swait.ge [sflag:s5], $0x4000  }
0x19d: {  	[sflag:s5] =	ssyncset.done $0x0  }
0x19e: {  	s6 =	simm.s32 $0x3;
	[sflag:s5] =	ssyncadd.s32 $0xFFFFC000  }
0x19f: {  	_ =	swait.ge [sflag:s6], $0x4000  }
0x1a0: {  	[sflag:s6] =	ssyncset.done $0x0  }
0x1a1: {  	s7 =	simm.s32 $0x5;
	[sflag:s6] =	ssyncadd.s32 $0xFFFFC000  }
0x1a2: {  	_ =	swait.ge [sflag:s7], $0x4000  }
0x1a3: {  	[sflag:s7] =	ssyncset.done $0x0  }
0x1a4: {  	s8 =	simm.s32 $0x8040;
	[sflag:s7] =	ssyncadd.s32 $0xFFFFC000  }
0x1a5: {  	v1 =	vld [tilespmem:s8+$0x30]  }
0x1a6: {  	v2 =	vld [tilespmem:s8+$0xFFFFFFC0]  }
0x1a7: {  	v3 =	vld [tilespmem:s8+$0xFFFFFFD0]  }
0x1a8: {  	v4 =	vld [tilespmem:s8+$0xFFFFFFE0]  }
0x1a9: {  	v5 =	vld [tilespmem:s8+$0xFFFFFFF0]  }
0x1aa: {  	v6 =	vld [tilespmem:s8+$0x0];
	(erf) = vrcp.f32 v1  }
0x1ab: {  	v7 =	vld [tilespmem:s8+$0x10];
	(erf) = vrcp.f32 v2  }
0x1ac: {  	s3 =	simm.s32 $0x40;
	v8 =	vld [tilespmem:s8+$0x20];
	(erf) = vrcp.f32 v3  }
0x1ad: {  	v9 =	vld [tilespmem:s3+$0x30];
	(erf) = vrcp.f32 v4  }
0x1ae: {  	v10 =	vld [tilespmem:s3+$0xFFFFFFD0];
	(erf) = vrcp.f32 v5  }
0x1af: {  	v11 =	vld [tilespmem:s3+$0xFFFFFFE0];
	(erf) = vrcp.f32 v6  }
0x1b0: {  	v12 =	vld [tilespmem:s3+$0xFFFFFFF0];
	(erf) = vrcp.f32 v7  }
0x1b1: {  	s9 =	simm.s32 $0x8140;
	v13 =	vld [tilespmem:s3+$0x0]  }
0x1b2: {  	v0 =	vld [tilespmem:s9+$0x30]  }
0x1b3: {  	v16 =	vld [tilespmem:s9+$0xFFFFFFC0];
	v15 =	vpop (erf)  }
0x1b4: {  	v60 =	vld [tilespmem:s9+$0x20];
	vm0 =	veq.f32 v2, $0.0e+00;
	v2 =	vpop (erf)  }
0x1b5: {  	vm1 =	veq.f32 v3, $0.0e+00;
	vm3 =	veq.f32 v4, $0.0e+00;
	v4 =	vld [tilespmem:s9+$0xFFFFFFD0];
	(erf) = vrcp.f32 v8;
	v3 =	vpop (erf)  }
0x1b6: {  	vm6 =	veq.f32 v5, $0.0e+00;
	vm5 =	veq.f32 v6, $0.0e+00;
	v5 =	vmul.f32 v15, v9;
	v9 =	vld [tilespmem:s9+$0xFFFFFFE0];
	v6 =	vpop (erf)  }
0x1b7: {  	vm4 =	veq.f32 v7, $0.0e+00;
	vm2 =	veq.f32 v8, $0.0e+00;
	v3 =	vmul.f32 v3, v10;
	v10 =	vld [tilespmem:s9+$0xFFFFFFF0];
	v7 =	vpop (erf)  }
0x1b8: {  	vm7 =	veq.f32 v1, $0.0e+00;
	(erf) = vrcp.f32 v0;
	v6 =	vmul.f32 v6, v11;
	v11 =	vld [tilespmem:s9+$0x0];
	v8 =	vpop (erf)  }
0x1b9: {  	v59 =	vld [tilespmem:s9+$0x10];
	vm8 =	veq.f32 v60, $0.0e+00;
	v1 =	vmul.f32 v8, v13;
	v8 =	vpop (erf);
	(erf) = vrcp.f32 v16  }
0x1ba: {  	v14 =	vld [tilespmem:s3+$0x10];
	vm2 =	vmmov vm2;
	vm0 =	vmmov vm0;
	(erf) = vrcp.f32 v4  }
0x1bb: {  	v61 =	vld [tilespmem:s3+$0x20];
	v7 =	vmul.f32 v7, v12;
	v3 =	vsel vm1, $0x0, v3;
	(erf) = vrcp.f32 v9  }
0x1bc: {  	s2 =	simm.s32 $0x10040;
	v63 =	vld [tilespmem:s3+$0xFFFFFFC0];
	s3 =	simm.s32 $0x140;
	v5 =	vsel vm7, $0x0, v5;
	v62 =	vsel vm3, $0x0, v6;
	(erf) = vrcp.f32 v10  }
0x1bd: {  	[tilespmem:s2+$0x30] =	vst v5;
	vm3 =	veq.f32 v4, $0.0e+00;
	v4 =	vsel vm6, $0x0, v7;
	v7 =	vld [tilespmem:s3+$0x30];
	(erf) = vrcp.f32 v11  }
0x1be: {  	v5 =	vld [tilespmem:s3+$0xFFFFFFE0];
	vm1 =	veq.f32 v16, $0.0e+00;
	[tilespmem:s2+$0xFFFFFFD0] =	vst v3;
	v1 =	vsel vm5, $0x0, v1;
	v3 =	vpop (erf);
	(erf) = vrcp.f32 v59  }
0x1bf: {  	vm7 =	veq.f32 v9, $0.0e+00;
	v6 =	vld [tilespmem:s3+$0xFFFFFFD0];
	v8 =	vmul.f32 v8, v14;
	[tilespmem:s2+$0xFFFFFFE0] =	vst v62;
	(erf) = vrcp.f32 v60  }
0x1c0: {  	vm6 =	veq.f32 v59, $0.0e+00;
	vm5 =	veq.f32 v10, $0.0e+00;
	[tilespmem:s2+$0xFFFFFFF0] =	vst v4;
	v4 =	vld [tilespmem:s3+$0xFFFFFFF0];
	v10 =	vmul.f32 v3, v61  }
0x1c1: {  	v9 =	vsel vm4, $0x0, v8;
	vm4 =	veq.f32 v11, $0.0e+00;
	[tilespmem:s2+$0x0] =	vst v1;
	v8 =	vmul.f32 v2, v63;
	v2 =	vld [tilespmem:s3+$0x10];
	v1 =	vpop (erf)  }
0x1c2: {  	s4 =	simm.s32 $0x80;
	s5 =	simm.s32 $0x8240;
	[tilespmem:s2+$0x10] =	vst v9;
	v3 =	vld [tilespmem:s3+$0x0];
	v7 =	vmul.f32 v1, v7;
	v9 =	vsel vm2, $0x0, v10;
	vm2 =	vmmov vm8;
	v1 =	vpop (erf)  }
.LBB2_42:
0x1c3: {  	s4 =	sadd.s32 $0x80, s4;
	vm8 =	veq.f32 v0, $0.0e+00;
	v0 =	vld [tilespmem:s5+$0x30];
	v10 =	vpop (erf);
	v8 =	vsel vm0, $0x0, v8;
	[tilespmem:s2+$0x20] =	vst v9;
	vm0 =	vmmov vm1  }
0x1c4: {  	v9 =	vld [tilespmem:s5+$0xFFFFFFC0];
	p0 =	slt.u32 s4, $0x3F80;
	v13 =	vmul.f32 v10, v6;
	v11 =	vsel vm8, $0x0, v7;
	v10 =	vpop (erf);
	[tilespmem:s2+$0xFFFFFFC0] =	vst v8;
	s2 =	sadd.s32 $0x100, s2  }
0x1c5: {  	v8 =	vld [tilespmem:s5+$0xFFFFFFD0];
	v5 =	vmul.f32 v10, v5;
	[tilespmem:s2+$0x30] =	vst v11;
	v7 =	vpop (erf)  }
0x1c6: {  	v10 =	vld [tilespmem:s5+$0xFFFFFFE0];
	v13 =	vsel vm3, $0x0, v13;
	v4 =	vmul.f32 v7, v4;
	v7 =	vpop (erf)  }
0x1c7: {  	v11 =	vld [tilespmem:s5+$0xFFFFFFF0];
	[tilespmem:s2+$0xFFFFFFD0] =	vst v13;
	v5 =	vsel vm7, $0x0, v5;
	v3 =	vmul.f32 v7, v3;
	v6 =	vpop (erf)  }
0x1c8: {  	v7 =	vld [tilespmem:s5+$0x0];
	(erf) = vrcp.f32 v0;
	[tilespmem:s2+$0xFFFFFFE0] =	vst v5;
	v4 =	vsel vm5, $0x0, v4;
	v2 =	vmul.f32 v6, v2;
	v12 =	vpop (erf)  }
0x1c9: {  	vm1 =	veq.f32 v9, $0.0e+00;
	v5 =	vld [tilespmem:s5+$0x10];
	(erf) = vrcp.f32 v9;
	[tilespmem:s2+$0xFFFFFFF0] =	vst v4;
	v3 =	vsel vm4, $0x0, v3  }
0x1ca: {  	vm3 =	veq.f32 v8, $0.0e+00;
	v4 =	vld [tilespmem:s5+$0x20];
	(erf) = vrcp.f32 v8;
	[tilespmem:s2+$0x0] =	vst v3;
	v2 =	vsel vm6, $0x0, v2  }
0x1cb: {  	vm7 =	veq.f32 v10, $0.0e+00;
	(erf) = vrcp.f32 v10;
	[tilespmem:s2+$0x10] =	vst v2;
	v2 =	vld [tilespmem:s3+$0x20]  }
0x1cc: {  	vm5 =	veq.f32 v11, $0.0e+00;
	(erf) = vrcp.f32 v11;
	v8 =	vld [tilespmem:s3+$0xFFFFFFC0];
	s3 =	sadd.s32 $0x100, s3  }
0x1cd: {  	vm4 =	veq.f32 v7, $0.0e+00;
	v9 =	vld [tilespmem:s3+$0x30];
	(erf) = vrcp.f32 v7  }
.Ltmp20:
0x1ce: {  	v6 =	vld [tilespmem:s3+$0xFFFFFFD0];
	vm6 =	veq.f32 v5, $0.0e+00;
	(erf) = vrcp.f32 v5;
	(pc) =	sbr.rel @p0 .LBB2_42-.Ltmp20, $4  }
0x1cf: {  	v5 =	vld [tilespmem:s3+$0xFFFFFFE0];
	vm8 =	veq.f32 v4, $0.0e+00;
	(erf) = vrcp.f32 v4  }
0x1d0: {  	v4 =	vld [tilespmem:s3+$0xFFFFFFF0];
	v10 =	vmul.f32 v12, v2  }
0x1d1: {  	v3 =	vld [tilespmem:s3+$0x0];
	v7 =	vpop (erf);
	v8 =	vmul.f32 v1, v8  }
0x1d2: {  	s5 =	sadd.s32 $0x100, s5;
	v2 =	vld [tilespmem:s3+$0x10];
	v7 =	vmul.f32 v7, v9;
	v1 =	vpop (erf);
	v9 =	vsel vm2, $0x0, v10;
	vm2 =	vmmov vm8  }
0x1d3: {  	v10 =	vpop (erf)  }
0x1d4: {  	vm8 =	veq.f32 v0, $0.0e+00;
	v50 =	vsel vm0, $0x0, v8;
	[tilespmem:s2+$0x20] =	vst v9;
	v55 =	vld [tilespmem:s3+$0xFFFFFFC0];
	v6 =	vmul.f32 v10, v6;
	v51 =	vpop (erf)  }
0x1d5: {  	v52 =	vld [tilespmem:s3+$0x20];
	s4 =	sadd.s32 $0x100, s2;
	v7 =	vsel vm8, $0x0, v7;
	[tilespmem:s2+$0xFFFFFFC0] =	vst v50;
	v53 =	vmul.f32 v51, v5;
	v54 =	vpop (erf)  }
0x1d6: {  	[tilespmem:s4+$0x30] =	vst v7;
	v6 =	vsel vm3, $0x0, v6;
	v4 =	vmul.f32 v54, v4;
	v56 =	vpop (erf)  }
0x1d7: {  	[tilespmem:s4+$0xFFFFFFD0] =	vst v6;
	v0 =	vsel vm7, $0x0, v53;
	v3 =	vmul.f32 v56, v3;
	v57 =	vpop (erf)  }
0x1d8: {  	[tilespmem:s4+$0xFFFFFFE0] =	vst v0;
	v58 =	vsel vm5, $0x0, v4;
	v2 =	vmul.f32 v57, v2  }
0x1d9: {  	v59 =	vpop (erf);
	v1 =	vmul.f32 v1, v55;
	[tilespmem:s4+$0xFFFFFFF0] =	vst v58;
	v60 =	vsel vm4, $0x0, v3  }
0x1da: {  	vm15 =	vmmov vm1;
	v61 =	vmul.f32 v59, v52;
	[tilespmem:s4+$0x0] =	vst v60;
	v62 =	vsel vm6, $0x0, v2  }
0x1db: {  	v1 =	vsel vm15, $0x0, v1;
	[tilespmem:s4+$0x10] =	vst v62  }
0x1dc: {  	s3 =	simm.s32 $0x10;
	v63 =	vsel vm2, $0x0, v61;
	[tilespmem:s4+$0xFFFFFFC0] =	vst v1  }
0x1dd: {  	s5 =	sadd.s32 $0x0, s15;
	s2 =	simm.s32 $0x10000;
	[tilespmem:s4+$0x20] =	vst v63;
	s4 =	simm.s32 $0x10100  }
.LBB2_44:
0x1de: {  	[hbm4b:s5+s1] =	stream.linear.scatter [tilespmem:s2], [sflag:$0x5], $0x80, $0x38;
	[tilespmem:$0x18000] =	vst v63  }
0x1df: {  	s5 =	smov.u32 s3;
	s2 =	smov.u32 s4;
	p0 =	sne.s32 s3, $0x7F0  }
.Ltmp21:
0x1e0: {  	s3 =	sadd.s32 $0x10, s3;
	(pc) =	sbr.rel @p0 .LBB2_44-.Ltmp21, $2  }
0x1e1: {  	_ =	sdelay $0x2  }
0x1e2: {  	s4 =	sadd.s32 $0x100, s4;
	s5 =	sadd.s32 s5, s15  }
0x1e3: {  	[hbm4b:s5+s1] =	stream.linear.scatter [tilespmem:s2], [sflag:$0x5], $0x80, $0x38;
	[tilespmem:$0x18000] =	vst v63  }
0x1e4: {  	s2 =	simm.s32 $0x0  }
0x1e5: {  	s3 =	simm.s32 $0x10;
	s5 =	sadd.s32 $0x0, s16;
	s4 =	simm.s32 $0x100  }
.LBB2_46:
0x1e6: {  	[tilespmem:s2], [sflag:$0x1] =	stream.linear.gather [hbm4b:s5+s1], $0x80, $0x38;
	[tilespmem:$0x18000] =	vst v63  }
0x1e7: {  	s5 =	smov.u32 s3;
	s2 =	smov.u32 s4;
	p0 =	sne.s32 s3, $0x7F0  }
.Ltmp22:
0x1e8: {  	s3 =	sadd.s32 $0x10, s3;
	(pc) =	sbr.rel @p0 .LBB2_46-.Ltmp22, $2  }
0x1e9: {  	_ =	sdelay $0x2  }
0x1ea: {  	s4 =	sadd.s32 $0x100, s4;
	s5 =	sadd.s32 s5, s16  }
0x1eb: {  	[tilespmem:s2], [sflag:$0x1] =	stream.linear.gather [hbm4b:s5+s1], $0x80, $0x38;
	[tilespmem:$0x18000] =	vst v63  }
0x1ec: {  	s2 =	simm.s32 $0x8000  }
0x1ed: {  	s3 =	simm.s32 $0x10;
	s5 =	sadd.s32 $0x0, s17;
	s4 =	simm.s32 $0x8100  }
.LBB2_48:
0x1ee: {  	[tilespmem:s2], [sflag:$0x3] =	stream.linear.gather [hbm4b:s5+s1], $0x80, $0x38;
	[tilespmem:$0x18000] =	vst v63  }
0x1ef: {  	s5 =	smov.u32 s3;
	s2 =	smov.u32 s4;
	p0 =	sne.s32 s3, $0x7F0  }
.Ltmp23:
0x1f0: {  	s3 =	sadd.s32 $0x10, s3;
	(pc) =	sbr.rel @p0 .LBB2_48-.Ltmp23, $2  }
0x1f1: {  	_ =	sdelay $0x2  }
0x1f2: {  	s4 =	sadd.s32 $0x100, s4;
	s5 =	sadd.s32 s5, s17  }
0x1f3: {  	[tilespmem:s2], [sflag:$0x3] =	stream.linear.gather [hbm4b:s5+s1], $0x80, $0x38;
	[tilespmem:$0x18000] =	vst v63  }
0x1f4: {  	s5 =	simm.s32 $0x2  }
0x1f5: {  	_ =	swait.ge [sflag:s5], $0x4000  }
0x1f6: {  	[sflag:s5] =	ssyncset.done $0x0  }
0x1f7: {  	s6 =	simm.s32 $0x4;
	[sflag:s5] =	ssyncadd.s32 $0xFFFFC000  }
0x1f8: {  	_ =	swait.ge [sflag:s6], $0x4000  }
0x1f9: {  	[sflag:s6] =	ssyncset.done $0x0  }
0x1fa: {  	s7 =	simm.s32 $0x6;
	[sflag:s6] =	ssyncadd.s32 $0xFFFFC000  }
0x1fb: {  	_ =	swait.ge [sflag:s7], $0x4000  }
0x1fc: {  	[sflag:s7] =	ssyncset.done $0x0  }
0x1fd: {  	s8 =	simm.s32 $0x80F0;
	[sflag:s7] =	ssyncadd.s32 $0xFFFFC000  }
0x1fe: {  	v1 =	vld [tilespmem:s8+$0x0]  }
0x1ff: {  	v2 =	vld [tilespmem:s8+$0xFFFFFF90]  }
0x200: {  	v3 =	vld [tilespmem:s8+$0xFFFFFFA0]  }
0x201: {  	v4 =	vld [tilespmem:s8+$0xFFFFFFB0]  }
0x202: {  	v5 =	vld [tilespmem:s8+$0xFFFFFFC0]  }
0x203: {  	v6 =	vld [tilespmem:s8+$0xFFFFFFD0];
	(erf) = vrcp.f32 v1  }
0x204: {  	v7 =	vld [tilespmem:s8+$0xFFFFFFE0];
	(erf) = vrcp.f32 v2  }
0x205: {  	s3 =	simm.s32 $0xF0;
	v8 =	vld [tilespmem:s8+$0xFFFFFFF0];
	(erf) = vrcp.f32 v3  }
0x206: {  	v9 =	vld [tilespmem:s3+$0x0];
	(erf) = vrcp.f32 v4  }
0x207: {  	v10 =	vld [tilespmem:s3+$0xFFFFFFA0];
	(erf) = vrcp.f32 v5  }
0x208: {  	v11 =	vld [tilespmem:s3+$0xFFFFFFB0];
	(erf) = vrcp.f32 v6  }
0x209: {  	v12 =	vld [tilespmem:s3+$0xFFFFFFC0];
	(erf) = vrcp.f32 v7  }
0x20a: {  	s9 =	simm.s32 $0x81F0;
	v13 =	vld [tilespmem:s3+$0xFFFFFFD0]  }
0x20b: {  	v0 =	vld [tilespmem:s9+$0x0]  }
0x20c: {  	v16 =	vld [tilespmem:s9+$0xFFFFFF90];
	v15 =	vpop (erf)  }
0x20d: {  	v60 =	vld [tilespmem:s9+$0xFFFFFFF0];
	vm0 =	veq.f32 v2, $0.0e+00;
	v2 =	vpop (erf)  }
0x20e: {  	vm1 =	veq.f32 v3, $0.0e+00;
	vm3 =	veq.f32 v4, $0.0e+00;
	v4 =	vld [tilespmem:s9+$0xFFFFFFA0];
	(erf) = vrcp.f32 v8;
	v3 =	vpop (erf)  }
0x20f: {  	vm6 =	veq.f32 v5, $0.0e+00;
	vm5 =	veq.f32 v6, $0.0e+00;
	v5 =	vmul.f32 v15, v9;
	v9 =	vld [tilespmem:s9+$0xFFFFFFB0];
	v6 =	vpop (erf)  }
0x210: {  	vm4 =	veq.f32 v7, $0.0e+00;
	vm2 =	veq.f32 v8, $0.0e+00;
	v3 =	vmul.f32 v3, v10;
	v10 =	vld [tilespmem:s9+$0xFFFFFFC0];
	v7 =	vpop (erf)  }
0x211: {  	vm7 =	veq.f32 v1, $0.0e+00;
	(erf) = vrcp.f32 v0;
	v6 =	vmul.f32 v6, v11;
	v11 =	vld [tilespmem:s9+$0xFFFFFFD0];
	v8 =	vpop (erf)  }
0x212: {  	v59 =	vld [tilespmem:s9+$0xFFFFFFE0];
	vm8 =	veq.f32 v60, $0.0e+00;
	v1 =	vmul.f32 v8, v13;
	v8 =	vpop (erf);
	(erf) = vrcp.f32 v16  }
0x213: {  	v14 =	vld [tilespmem:s3+$0xFFFFFFE0];
	vm2 =	vmmov vm2;
	vm0 =	vmmov vm0;
	(erf) = vrcp.f32 v4  }
0x214: {  	v61 =	vld [tilespmem:s3+$0xFFFFFFF0];
	v7 =	vmul.f32 v7, v12;
	v3 =	vsel vm1, $0x0, v3;
	(erf) = vrcp.f32 v9  }
0x215: {  	s2 =	simm.s32 $0x100F0;
	v63 =	vld [tilespmem:s3+$0xFFFFFF90];
	s3 =	simm.s32 $0x1F0;
	v5 =	vsel vm7, $0x0, v5;
	v62 =	vsel vm3, $0x0, v6;
	(erf) = vrcp.f32 v10  }
0x216: {  	[tilespmem:s2+$0x0] =	vst v5;
	vm3 =	veq.f32 v4, $0.0e+00;
	v4 =	vsel vm6, $0x0, v7;
	v7 =	vld [tilespmem:s3+$0x0];
	(erf) = vrcp.f32 v11  }
0x217: {  	v5 =	vld [tilespmem:s3+$0xFFFFFFB0];
	vm1 =	veq.f32 v16, $0.0e+00;
	[tilespmem:s2+$0xFFFFFFA0] =	vst v3;
	v1 =	vsel vm5, $0x0, v1;
	v3 =	vpop (erf);
	(erf) = vrcp.f32 v59  }
0x218: {  	vm7 =	veq.f32 v9, $0.0e+00;
	v6 =	vld [tilespmem:s3+$0xFFFFFFA0];
	v8 =	vmul.f32 v8, v14;
	[tilespmem:s2+$0xFFFFFFB0] =	vst v62;
	(erf) = vrcp.f32 v60  }
0x219: {  	vm6 =	veq.f32 v59, $0.0e+00;
	vm5 =	veq.f32 v10, $0.0e+00;
	[tilespmem:s2+$0xFFFFFFC0] =	vst v4;
	v4 =	vld [tilespmem:s3+$0xFFFFFFC0];
	v10 =	vmul.f32 v3, v61  }
0x21a: {  	v9 =	vsel vm4, $0x0, v8;
	vm4 =	veq.f32 v11, $0.0e+00;
	[tilespmem:s2+$0xFFFFFFD0] =	vst v1;
	v8 =	vmul.f32 v2, v63;
	v2 =	vld [tilespmem:s3+$0xFFFFFFE0];
	v1 =	vpop (erf)  }
0x21b: {  	s4 =	simm.s32 $0x80;
	s5 =	simm.s32 $0x82F0;
	[tilespmem:s2+$0xFFFFFFE0] =	vst v9;
	v3 =	vld [tilespmem:s3+$0xFFFFFFD0];
	v7 =	vmul.f32 v1, v7;
	v9 =	vsel vm2, $0x0, v10;
	vm2 =	vmmov vm8;
	v1 =	vpop (erf)  }
.LBB2_50:
0x21c: {  	s4 =	sadd.s32 $0x80, s4;
	vm8 =	veq.f32 v0, $0.0e+00;
	v0 =	vld [tilespmem:s5+$0x0];
	v10 =	vpop (erf);
	v8 =	vsel vm0, $0x0, v8;
	[tilespmem:s2+$0xFFFFFFF0] =	vst v9;
	vm0 =	vmmov vm1  }
0x21d: {  	v9 =	vld [tilespmem:s5+$0xFFFFFF90];
	p0 =	slt.u32 s4, $0x3F80;
	v13 =	vmul.f32 v10, v6;
	v11 =	vsel vm8, $0x0, v7;
	v10 =	vpop (erf);
	[tilespmem:s2+$0xFFFFFF90] =	vst v8;
	s2 =	sadd.s32 $0x100, s2  }
0x21e: {  	v8 =	vld [tilespmem:s5+$0xFFFFFFA0];
	v5 =	vmul.f32 v10, v5;
	[tilespmem:s2+$0x0] =	vst v11;
	v7 =	vpop (erf)  }
0x21f: {  	v10 =	vld [tilespmem:s5+$0xFFFFFFB0];
	v13 =	vsel vm3, $0x0, v13;
	v4 =	vmul.f32 v7, v4;
	v7 =	vpop (erf)  }
0x220: {  	v11 =	vld [tilespmem:s5+$0xFFFFFFC0];
	[tilespmem:s2+$0xFFFFFFA0] =	vst v13;
	v5 =	vsel vm7, $0x0, v5;
	v3 =	vmul.f32 v7, v3;
	v6 =	vpop (erf)  }
0x221: {  	v7 =	vld [tilespmem:s5+$0xFFFFFFD0];
	(erf) = vrcp.f32 v0;
	[tilespmem:s2+$0xFFFFFFB0] =	vst v5;
	v4 =	vsel vm5, $0x0, v4;
	v2 =	vmul.f32 v6, v2;
	v12 =	vpop (erf)  }
0x222: {  	vm1 =	veq.f32 v9, $0.0e+00;
	v5 =	vld [tilespmem:s5+$0xFFFFFFE0];
	(erf) = vrcp.f32 v9;
	[tilespmem:s2+$0xFFFFFFC0] =	vst v4;
	v3 =	vsel vm4, $0x0, v3  }
0x223: {  	vm3 =	veq.f32 v8, $0.0e+00;
	v4 =	vld [tilespmem:s5+$0xFFFFFFF0];
	(erf) = vrcp.f32 v8;
	[tilespmem:s2+$0xFFFFFFD0] =	vst v3;
	v2 =	vsel vm6, $0x0, v2  }
0x224: {  	vm7 =	veq.f32 v10, $0.0e+00;
	(erf) = vrcp.f32 v10;
	[tilespmem:s2+$0xFFFFFFE0] =	vst v2;
	v2 =	vld [tilespmem:s3+$0xFFFFFFF0]  }
0x225: {  	vm5 =	veq.f32 v11, $0.0e+00;
	(erf) = vrcp.f32 v11;
	v8 =	vld [tilespmem:s3+$0xFFFFFF90];
	s3 =	sadd.s32 $0x100, s3  }
0x226: {  	vm4 =	veq.f32 v7, $0.0e+00;
	v9 =	vld [tilespmem:s3+$0x0];
	(erf) = vrcp.f32 v7  }
.Ltmp24:
0x227: {  	v6 =	vld [tilespmem:s3+$0xFFFFFFA0];
	vm6 =	veq.f32 v5, $0.0e+00;
	(erf) = vrcp.f32 v5;
	(pc) =	sbr.rel @p0 .LBB2_50-.Ltmp24, $4  }
0x228: {  	v5 =	vld [tilespmem:s3+$0xFFFFFFB0];
	vm8 =	veq.f32 v4, $0.0e+00;
	(erf) = vrcp.f32 v4  }
0x229: {  	v4 =	vld [tilespmem:s3+$0xFFFFFFC0];
	v10 =	vmul.f32 v12, v2  }
0x22a: {  	v3 =	vld [tilespmem:s3+$0xFFFFFFD0];
	v7 =	vpop (erf);
	v8 =	vmul.f32 v1, v8  }
0x22b: {  	s5 =	sadd.s32 $0x100, s5;
	v2 =	vld [tilespmem:s3+$0xFFFFFFE0];
	v7 =	vmul.f32 v7, v9;
	v1 =	vpop (erf);
	v9 =	vsel vm2, $0x0, v10;
	vm2 =	vmmov vm8  }
0x22c: {  	v10 =	vpop (erf)  }
0x22d: {  	vm8 =	veq.f32 v0, $0.0e+00;
	v50 =	vsel vm0, $0x0, v8;
	[tilespmem:s2+$0xFFFFFFF0] =	vst v9;
	v55 =	vld [tilespmem:s3+$0xFFFFFF90];
	v6 =	vmul.f32 v10, v6;
	v51 =	vpop (erf)  }
0x22e: {  	v52 =	vld [tilespmem:s3+$0xFFFFFFF0];
	s4 =	sadd.s32 $0x100, s2;
	v7 =	vsel vm8, $0x0, v7;
	[tilespmem:s2+$0xFFFFFF90] =	vst v50;
	v53 =	vmul.f32 v51, v5;
	v54 =	vpop (erf)  }
0x22f: {  	[tilespmem:s4+$0x0] =	vst v7;
	v6 =	vsel vm3, $0x0, v6;
	v4 =	vmul.f32 v54, v4;
	v56 =	vpop (erf)  }
0x230: {  	[tilespmem:s4+$0xFFFFFFA0] =	vst v6;
	v0 =	vsel vm7, $0x0, v53;
	v3 =	vmul.f32 v56, v3;
	v57 =	vpop (erf)  }
0x231: {  	[tilespmem:s4+$0xFFFFFFB0] =	vst v0;
	v58 =	vsel vm5, $0x0, v4;
	v2 =	vmul.f32 v57, v2  }
0x232: {  	v59 =	vpop (erf);
	v1 =	vmul.f32 v1, v55;
	[tilespmem:s4+$0xFFFFFFC0] =	vst v58;
	v60 =	vsel vm4, $0x0, v3  }
0x233: {  	vm15 =	vmmov vm1;
	v61 =	vmul.f32 v59, v52;
	[tilespmem:s4+$0xFFFFFFD0] =	vst v60;
	v62 =	vsel vm6, $0x0, v2  }
0x234: {  	v1 =	vsel vm15, $0x0, v1;
	[tilespmem:s4+$0xFFFFFFE0] =	vst v62  }
0x235: {  	s3 =	simm.s32 $0x10;
	v63 =	vsel vm2, $0x0, v61;
	[tilespmem:s4+$0xFFFFFF90] =	vst v1  }
0x236: {  	s5 =	sadd.s32 $0x0, s18;
	s2 =	simm.s32 $0x10080;
	[tilespmem:s4+$0xFFFFFFF0] =	vst v63;
	s4 =	simm.s32 $0x10180  }
.LBB2_52:
0x237: {  	[hbm4b:s5+s1] =	stream.linear.scatter [tilespmem:s2], [sflag:$0x6], $0x80, $0x38;
	[tilespmem:$0x18000] =	vst v63  }
0x238: {  	s5 =	smov.u32 s3;
	s2 =	smov.u32 s4;
	p0 =	sne.s32 s3, $0x7F0  }
.Ltmp25:
0x239: {  	s3 =	sadd.s32 $0x10, s3;
	(pc) =	sbr.rel @p0 .LBB2_52-.Ltmp25, $2  }
0x23a: {  	_ =	sdelay $0x2  }
0x23b: {  	s4 =	sadd.s32 $0x100, s4;
	s5 =	sadd.s32 s5, s18  }
0x23c: {  	[hbm4b:s5+s1] =	stream.linear.scatter [tilespmem:s2], [sflag:$0x6], $0x80, $0x38;
	[tilespmem:$0x18000] =	vst v63  }
0x23d: {  	s2 =	simm.s32 $0x80  }
0x23e: {  	s3 =	simm.s32 $0x10;
	s5 =	sadd.s32 $0x0, s20;
	s4 =	simm.s32 $0x180  }
.LBB2_54:
0x23f: {  	[tilespmem:s2], [sflag:$0x2] =	stream.linear.gather [hbm4b:s5+s1], $0x80, $0x38;
	[tilespmem:$0x18000] =	vst v63  }
0x240: {  	s5 =	smov.u32 s3;
	s2 =	smov.u32 s4;
	p0 =	sne.s32 s3, $0x7F0  }
.Ltmp26:
0x241: {  	s3 =	sadd.s32 $0x10, s3;
	(pc) =	sbr.rel @p0 .LBB2_54-.Ltmp26, $2  }
0x242: {  	_ =	sdelay $0x2  }
0x243: {  	s4 =	sadd.s32 $0x100, s4;
	s5 =	sadd.s32 s5, s20  }
0x244: {  	[tilespmem:s2], [sflag:$0x2] =	stream.linear.gather [hbm4b:s5+s1], $0x80, $0x38;
	[tilespmem:$0x18000] =	vst v63  }
0x245: {  	s2 =	simm.s32 $0x8080  }
0x246: {  	s3 =	simm.s32 $0x10;
	s5 =	sadd.s32 $0x0, s21;
	s4 =	simm.s32 $0x8180  }
.LBB2_56:
0x247: {  	[tilespmem:s2], [sflag:$0x4] =	stream.linear.gather [hbm4b:s5+s1], $0x80, $0x38;
	[tilespmem:$0x18000] =	vst v63  }
0x248: {  	s5 =	smov.u32 s3;
	s2 =	smov.u32 s4;
	p0 =	sne.s32 s3, $0x7F0  }
.Ltmp27:
0x249: {  	s3 =	sadd.s32 $0x10, s3;
	(pc) =	sbr.rel @p0 .LBB2_56-.Ltmp27, $2  }
0x24a: {  	_ =	sdelay $0x2  }
0x24b: {  	s4 =	sadd.s32 $0x100, s4;
	s5 =	sadd.s32 s5, s21  }
0x24c: {  	[tilespmem:s2], [sflag:$0x4] =	stream.linear.gather [hbm4b:s5+s1], $0x80, $0x38;
	[tilespmem:$0x18000] =	vst v63  }
0x24d: {  	s5 =	simm.s32 $0x1  }
0x24e: {  	_ =	swait.ge [sflag:s5], $0x4000  }
0x24f: {  	[sflag:s5] =	ssyncset.done $0x0  }
0x250: {  	s6 =	simm.s32 $0x3;
	[sflag:s5] =	ssyncadd.s32 $0xFFFFC000  }
0x251: {  	_ =	swait.ge [sflag:s6], $0x4000  }
0x252: {  	[sflag:s6] =	ssyncset.done $0x0  }
0x253: {  	s7 =	simm.s32 $0x5;
	[sflag:s6] =	ssyncadd.s32 $0xFFFFC000  }
0x254: {  	_ =	swait.ge [sflag:s7], $0x4000  }
0x255: {  	[sflag:s7] =	ssyncset.done $0x0  }
0x256: {  	s8 =	simm.s32 $0x8040;
	[sflag:s7] =	ssyncadd.s32 $0xFFFFC000  }
0x257: {  	v1 =	vld [tilespmem:s8+$0x30]  }
0x258: {  	v2 =	vld [tilespmem:s8+$0xFFFFFFC0]  }
0x259: {  	v3 =	vld [tilespmem:s8+$0xFFFFFFD0]  }
0x25a: {  	v4 =	vld [tilespmem:s8+$0xFFFFFFE0]  }
0x25b: {  	v5 =	vld [tilespmem:s8+$0xFFFFFFF0]  }
0x25c: {  	v6 =	vld [tilespmem:s8+$0x0];
	(erf) = vrcp.f32 v1  }
0x25d: {  	v7 =	vld [tilespmem:s8+$0x10];
	(erf) = vrcp.f32 v2  }
0x25e: {  	s3 =	simm.s32 $0x40;
	v8 =	vld [tilespmem:s8+$0x20];
	(erf) = vrcp.f32 v3  }
0x25f: {  	v9 =	vld [tilespmem:s3+$0x30];
	(erf) = vrcp.f32 v4  }
0x260: {  	v10 =	vld [tilespmem:s3+$0xFFFFFFD0];
	(erf) = vrcp.f32 v5  }
0x261: {  	v11 =	vld [tilespmem:s3+$0xFFFFFFE0];
	(erf) = vrcp.f32 v6  }
0x262: {  	v12 =	vld [tilespmem:s3+$0xFFFFFFF0];
	(erf) = vrcp.f32 v7  }
0x263: {  	s9 =	simm.s32 $0x8140;
	v13 =	vld [tilespmem:s3+$0x0]  }
0x264: {  	v0 =	vld [tilespmem:s9+$0x30]  }
0x265: {  	v16 =	vld [tilespmem:s9+$0xFFFFFFC0];
	v15 =	vpop (erf)  }
0x266: {  	v60 =	vld [tilespmem:s9+$0x20];
	vm0 =	veq.f32 v2, $0.0e+00;
	v2 =	vpop (erf)  }
0x267: {  	vm1 =	veq.f32 v3, $0.0e+00;
	vm3 =	veq.f32 v4, $0.0e+00;
	v4 =	vld [tilespmem:s9+$0xFFFFFFD0];
	(erf) = vrcp.f32 v8;
	v3 =	vpop (erf)  }
0x268: {  	vm6 =	veq.f32 v5, $0.0e+00;
	vm5 =	veq.f32 v6, $0.0e+00;
	v5 =	vmul.f32 v15, v9;
	v9 =	vld [tilespmem:s9+$0xFFFFFFE0];
	v6 =	vpop (erf)  }
0x269: {  	vm4 =	veq.f32 v7, $0.0e+00;
	vm2 =	veq.f32 v8, $0.0e+00;
	v3 =	vmul.f32 v3, v10;
	v10 =	vld [tilespmem:s9+$0xFFFFFFF0];
	v7 =	vpop (erf)  }
0x26a: {  	vm7 =	veq.f32 v1, $0.0e+00;
	(erf) = vrcp.f32 v0;
	v6 =	vmul.f32 v6, v11;
	v11 =	vld [tilespmem:s9+$0x0];
	v8 =	vpop (erf)  }
0x26b: {  	v59 =	vld [tilespmem:s9+$0x10];
	vm8 =	veq.f32 v60, $0.0e+00;
	v1 =	vmul.f32 v8, v13;
	v8 =	vpop (erf);
	(erf) = vrcp.f32 v16  }
0x26c: {  	v14 =	vld [tilespmem:s3+$0x10];
	vm2 =	vmmov vm2;
	vm0 =	vmmov vm0;
	(erf) = vrcp.f32 v4  }
0x26d: {  	v61 =	vld [tilespmem:s3+$0x20];
	v7 =	vmul.f32 v7, v12;
	v3 =	vsel vm1, $0x0, v3;
	(erf) = vrcp.f32 v9  }
0x26e: {  	s2 =	simm.s32 $0x10040;
	v63 =	vld [tilespmem:s3+$0xFFFFFFC0];
	s3 =	simm.s32 $0x140;
	v5 =	vsel vm7, $0x0, v5;
	v62 =	vsel vm3, $0x0, v6;
	(erf) = vrcp.f32 v10  }
0x26f: {  	[tilespmem:s2+$0x30] =	vst v5;
	vm3 =	veq.f32 v4, $0.0e+00;
	v4 =	vsel vm6, $0x0, v7;
	v7 =	vld [tilespmem:s3+$0x30];
	(erf) = vrcp.f32 v11  }
0x270: {  	v5 =	vld [tilespmem:s3+$0xFFFFFFE0];
	vm1 =	veq.f32 v16, $0.0e+00;
	[tilespmem:s2+$0xFFFFFFD0] =	vst v3;
	v1 =	vsel vm5, $0x0, v1;
	v3 =	vpop (erf);
	(erf) = vrcp.f32 v59  }
0x271: {  	vm7 =	veq.f32 v9, $0.0e+00;
	v6 =	vld [tilespmem:s3+$0xFFFFFFD0];
	v8 =	vmul.f32 v8, v14;
	[tilespmem:s2+$0xFFFFFFE0] =	vst v62;
	(erf) = vrcp.f32 v60  }
0x272: {  	vm6 =	veq.f32 v59, $0.0e+00;
	vm5 =	veq.f32 v10, $0.0e+00;
	[tilespmem:s2+$0xFFFFFFF0] =	vst v4;
	v4 =	vld [tilespmem:s3+$0xFFFFFFF0];
	v10 =	vmul.f32 v3, v61  }
0x273: {  	v9 =	vsel vm4, $0x0, v8;
	vm4 =	veq.f32 v11, $0.0e+00;
	[tilespmem:s2+$0x0] =	vst v1;
	v8 =	vmul.f32 v2, v63;
	v2 =	vld [tilespmem:s3+$0x10];
	v1 =	vpop (erf)  }
0x274: {  	s4 =	simm.s32 $0x80;
	s5 =	simm.s32 $0x8240;
	[tilespmem:s2+$0x10] =	vst v9;
	v3 =	vld [tilespmem:s3+$0x0];
	v7 =	vmul.f32 v1, v7;
	v9 =	vsel vm2, $0x0, v10;
	vm2 =	vmmov vm8;
	v1 =	vpop (erf)  }
.LBB2_58:
0x275: {  	s4 =	sadd.s32 $0x80, s4;
	vm8 =	veq.f32 v0, $0.0e+00;
	v0 =	vld [tilespmem:s5+$0x30];
	v10 =	vpop (erf);
	v8 =	vsel vm0, $0x0, v8;
	[tilespmem:s2+$0x20] =	vst v9;
	vm0 =	vmmov vm1  }
0x276: {  	v9 =	vld [tilespmem:s5+$0xFFFFFFC0];
	p0 =	slt.u32 s4, $0x3F80;
	v13 =	vmul.f32 v10, v6;
	v11 =	vsel vm8, $0x0, v7;
	v10 =	vpop (erf);
	[tilespmem:s2+$0xFFFFFFC0] =	vst v8;
	s2 =	sadd.s32 $0x100, s2  }
0x277: {  	v8 =	vld [tilespmem:s5+$0xFFFFFFD0];
	v5 =	vmul.f32 v10, v5;
	[tilespmem:s2+$0x30] =	vst v11;
	v7 =	vpop (erf)  }
0x278: {  	v10 =	vld [tilespmem:s5+$0xFFFFFFE0];
	v13 =	vsel vm3, $0x0, v13;
	v4 =	vmul.f32 v7, v4;
	v7 =	vpop (erf)  }
0x279: {  	v11 =	vld [tilespmem:s5+$0xFFFFFFF0];
	[tilespmem:s2+$0xFFFFFFD0] =	vst v13;
	v5 =	vsel vm7, $0x0, v5;
	v3 =	vmul.f32 v7, v3;
	v6 =	vpop (erf)  }
0x27a: {  	v7 =	vld [tilespmem:s5+$0x0];
	(erf) = vrcp.f32 v0;
	[tilespmem:s2+$0xFFFFFFE0] =	vst v5;
	v4 =	vsel vm5, $0x0, v4;
	v2 =	vmul.f32 v6, v2;
	v12 =	vpop (erf)  }
0x27b: {  	vm1 =	veq.f32 v9, $0.0e+00;
	v5 =	vld [tilespmem:s5+$0x10];
	(erf) = vrcp.f32 v9;
	[tilespmem:s2+$0xFFFFFFF0] =	vst v4;
	v3 =	vsel vm4, $0x0, v3  }
0x27c: {  	vm3 =	veq.f32 v8, $0.0e+00;
	v4 =	vld [tilespmem:s5+$0x20];
	(erf) = vrcp.f32 v8;
	[tilespmem:s2+$0x0] =	vst v3;
	v2 =	vsel vm6, $0x0, v2  }
0x27d: {  	vm7 =	veq.f32 v10, $0.0e+00;
	(erf) = vrcp.f32 v10;
	[tilespmem:s2+$0x10] =	vst v2;
	v2 =	vld [tilespmem:s3+$0x20]  }
0x27e: {  	vm5 =	veq.f32 v11, $0.0e+00;
	(erf) = vrcp.f32 v11;
	v8 =	vld [tilespmem:s3+$0xFFFFFFC0];
	s3 =	sadd.s32 $0x100, s3  }
0x27f: {  	vm4 =	veq.f32 v7, $0.0e+00;
	v9 =	vld [tilespmem:s3+$0x30];
	(erf) = vrcp.f32 v7  }
.Ltmp28:
0x280: {  	v6 =	vld [tilespmem:s3+$0xFFFFFFD0];
	vm6 =	veq.f32 v5, $0.0e+00;
	(erf) = vrcp.f32 v5;
	(pc) =	sbr.rel @p0 .LBB2_58-.Ltmp28, $4  }
0x281: {  	v5 =	vld [tilespmem:s3+$0xFFFFFFE0];
	vm8 =	veq.f32 v4, $0.0e+00;
	(erf) = vrcp.f32 v4  }
0x282: {  	v4 =	vld [tilespmem:s3+$0xFFFFFFF0];
	v10 =	vmul.f32 v12, v2  }
0x283: {  	v3 =	vld [tilespmem:s3+$0x0];
	v7 =	vpop (erf);
	v8 =	vmul.f32 v1, v8  }
0x284: {  	s5 =	sadd.s32 $0x100, s5;
	v2 =	vld [tilespmem:s3+$0x10];
	v7 =	vmul.f32 v7, v9;
	v1 =	vpop (erf);
	v9 =	vsel vm2, $0x0, v10;
	vm2 =	vmmov vm8  }
0x285: {  	v10 =	vpop (erf)  }
0x286: {  	vm8 =	veq.f32 v0, $0.0e+00;
	v50 =	vsel vm0, $0x0, v8;
	[tilespmem:s2+$0x20] =	vst v9;
	v55 =	vld [tilespmem:s3+$0xFFFFFFC0];
	v6 =	vmul.f32 v10, v6;
	v51 =	vpop (erf)  }
0x287: {  	v52 =	vld [tilespmem:s3+$0x20];
	s4 =	sadd.s32 $0x100, s2;
	v7 =	vsel vm8, $0x0, v7;
	[tilespmem:s2+$0xFFFFFFC0] =	vst v50;
	v53 =	vmul.f32 v51, v5;
	v54 =	vpop (erf)  }
0x288: {  	[tilespmem:s4+$0x30] =	vst v7;
	v6 =	vsel vm3, $0x0, v6;
	v4 =	vmul.f32 v54, v4;
	v56 =	vpop (erf)  }
0x289: {  	[tilespmem:s4+$0xFFFFFFD0] =	vst v6;
	v0 =	vsel vm7, $0x0, v53;
	v3 =	vmul.f32 v56, v3;
	v57 =	vpop (erf)  }
0x28a: {  	[tilespmem:s4+$0xFFFFFFE0] =	vst v0;
	v58 =	vsel vm5, $0x0, v4;
	v2 =	vmul.f32 v57, v2  }
0x28b: {  	v59 =	vpop (erf);
	v1 =	vmul.f32 v1, v55;
	[tilespmem:s4+$0xFFFFFFF0] =	vst v58;
	v60 =	vsel vm4, $0x0, v3  }
0x28c: {  	vm15 =	vmmov vm1;
	v61 =	vmul.f32 v59, v52;
	[tilespmem:s4+$0x0] =	vst v60;
	v62 =	vsel vm6, $0x0, v2  }
0x28d: {  	v1 =	vsel vm15, $0x0, v1;
	[tilespmem:s4+$0x10] =	vst v62  }
0x28e: {  	s3 =	simm.s32 $0x10;
	v63 =	vsel vm2, $0x0, v61;
	[tilespmem:s4+$0xFFFFFFC0] =	vst v1  }
0x28f: {  	s5 =	sadd.s32 $0x0, s19;
	s2 =	simm.s32 $0x10000;
	[tilespmem:s4+$0x20] =	vst v63;
	s4 =	simm.s32 $0x10100  }
.LBB2_60:
0x290: {  	[hbm4b:s5+s1] =	stream.linear.scatter [tilespmem:s2], [sflag:$0x5], $0x80, $0x38;
	[tilespmem:$0x18000] =	vst v63  }
0x291: {  	s5 =	smov.u32 s3;
	s2 =	smov.u32 s4;
	p0 =	sne.s32 s3, $0x7F0  }
.Ltmp29:
0x292: {  	s3 =	sadd.s32 $0x10, s3;
	(pc) =	sbr.rel @p0 .LBB2_60-.Ltmp29, $2  }
0x293: {  	_ =	sdelay $0x2  }
0x294: {  	s4 =	sadd.s32 $0x100, s4;
	s5 =	sadd.s32 s5, s19  }
0x295: {  	[hbm4b:s5+s1] =	stream.linear.scatter [tilespmem:s2], [sflag:$0x5], $0x80, $0x38;
	[tilespmem:$0x18000] =	vst v63  }
0x296: {  	s2 =	simm.s32 $0x0  }
0x297: {  	s3 =	simm.s32 $0x10;
	s5 =	sadd.s32 $0x0, s28;
	s4 =	simm.s32 $0x100  }
.LBB2_62:
0x298: {  	[tilespmem:s2], [sflag:$0x1] =	stream.linear.gather [hbm4b:s5+s1], $0x80, $0x38;
	[tilespmem:$0x18000] =	vst v63  }
0x299: {  	s5 =	smov.u32 s3;
	s2 =	smov.u32 s4;
	p0 =	sne.s32 s3, $0x7F0  }
.Ltmp30:
0x29a: {  	s3 =	sadd.s32 $0x10, s3;
	(pc) =	sbr.rel @p0 .LBB2_62-.Ltmp30, $2  }
0x29b: {  	_ =	sdelay $0x2  }
0x29c: {  	s4 =	sadd.s32 $0x100, s4;
	s5 =	sadd.s32 s5, s28  }
0x29d: {  	[tilespmem:s2], [sflag:$0x1] =	stream.linear.gather [hbm4b:s5+s1], $0x80, $0x38;
	[tilespmem:$0x18000] =	vst v63  }
0x29e: {  	s2 =	simm.s32 $0x8000  }
0x29f: {  	s3 =	simm.s32 $0x10;
	s5 =	sadd.s32 $0x0, s30;
	s4 =	simm.s32 $0x8100  }
.LBB2_64:
0x2a0: {  	[tilespmem:s2], [sflag:$0x3] =	stream.linear.gather [hbm4b:s5+s1], $0x80, $0x38;
	[tilespmem:$0x18000] =	vst v63  }
0x2a1: {  	s5 =	smov.u32 s3;
	s2 =	smov.u32 s4;
	p0 =	sne.s32 s3, $0x7F0  }
.Ltmp31:
0x2a2: {  	s3 =	sadd.s32 $0x10, s3;
	(pc) =	sbr.rel @p0 .LBB2_64-.Ltmp31, $2  }
0x2a3: {  	_ =	sdelay $0x2  }
0x2a4: {  	s4 =	sadd.s32 $0x100, s4;
	s5 =	sadd.s32 s5, s30  }
0x2a5: {  	[tilespmem:s2], [sflag:$0x3] =	stream.linear.gather [hbm4b:s5+s1], $0x80, $0x38;
	[tilespmem:$0x18000] =	vst v63  }
0x2a6: {  	s5 =	simm.s32 $0x2  }
0x2a7: {  	_ =	swait.ge [sflag:s5], $0x4000  }
0x2a8: {  	[sflag:s5] =	ssyncset.done $0x0  }
0x2a9: {  	s6 =	simm.s32 $0x4;
	[sflag:s5] =	ssyncadd.s32 $0xFFFFC000  }
0x2aa: {  	_ =	swait.ge [sflag:s6], $0x4000  }
0x2ab: {  	[sflag:s6] =	ssyncset.done $0x0  }
0x2ac: {  	s7 =	simm.s32 $0x6;
	[sflag:s6] =	ssyncadd.s32 $0xFFFFC000  }
0x2ad: {  	_ =	swait.ge [sflag:s7], $0x4000  }
0x2ae: {  	[sflag:s7] =	ssyncset.done $0x0  }
0x2af: {  	s8 =	simm.s32 $0x80F0;
	[sflag:s7] =	ssyncadd.s32 $0xFFFFC000  }
0x2b0: {  	v1 =	vld [tilespmem:s8+$0x0]  }
0x2b1: {  	v2 =	vld [tilespmem:s8+$0xFFFFFF90]  }
0x2b2: {  	v3 =	vld [tilespmem:s8+$0xFFFFFFA0]  }
0x2b3: {  	v4 =	vld [tilespmem:s8+$0xFFFFFFB0]  }
0x2b4: {  	v5 =	vld [tilespmem:s8+$0xFFFFFFC0]  }
0x2b5: {  	v6 =	vld [tilespmem:s8+$0xFFFFFFD0];
	(erf) = vrcp.f32 v1  }
0x2b6: {  	v7 =	vld [tilespmem:s8+$0xFFFFFFE0];
	(erf) = vrcp.f32 v2  }
0x2b7: {  	s3 =	simm.s32 $0xF0;
	v8 =	vld [tilespmem:s8+$0xFFFFFFF0];
	(erf) = vrcp.f32 v3  }
0x2b8: {  	v9 =	vld [tilespmem:s3+$0x0];
	(erf) = vrcp.f32 v4  }
0x2b9: {  	v10 =	vld [tilespmem:s3+$0xFFFFFFA0];
	(erf) = vrcp.f32 v5  }
0x2ba: {  	v11 =	vld [tilespmem:s3+$0xFFFFFFB0];
	(erf) = vrcp.f32 v6  }
0x2bb: {  	v12 =	vld [tilespmem:s3+$0xFFFFFFC0];
	(erf) = vrcp.f32 v7  }
0x2bc: {  	s9 =	simm.s32 $0x81F0;
	v13 =	vld [tilespmem:s3+$0xFFFFFFD0]  }
0x2bd: {  	v0 =	vld [tilespmem:s9+$0x0]  }
0x2be: {  	v16 =	vld [tilespmem:s9+$0xFFFFFF90];
	v15 =	vpop (erf)  }
0x2bf: {  	v60 =	vld [tilespmem:s9+$0xFFFFFFF0];
	vm0 =	veq.f32 v2, $0.0e+00;
	v2 =	vpop (erf)  }
0x2c0: {  	vm1 =	veq.f32 v3, $0.0e+00;
	vm3 =	veq.f32 v4, $0.0e+00;
	v4 =	vld [tilespmem:s9+$0xFFFFFFA0];
	(erf) = vrcp.f32 v8;
	v3 =	vpop (erf)  }
0x2c1: {  	vm6 =	veq.f32 v5, $0.0e+00;
	vm5 =	veq.f32 v6, $0.0e+00;
	v5 =	vmul.f32 v15, v9;
	v9 =	vld [tilespmem:s9+$0xFFFFFFB0];
	v6 =	vpop (erf)  }
0x2c2: {  	vm4 =	veq.f32 v7, $0.0e+00;
	vm2 =	veq.f32 v8, $0.0e+00;
	v3 =	vmul.f32 v3, v10;
	v10 =	vld [tilespmem:s9+$0xFFFFFFC0];
	v7 =	vpop (erf)  }
0x2c3: {  	vm7 =	veq.f32 v1, $0.0e+00;
	(erf) = vrcp.f32 v0;
	v6 =	vmul.f32 v6, v11;
	v11 =	vld [tilespmem:s9+$0xFFFFFFD0];
	v8 =	vpop (erf)  }
0x2c4: {  	v59 =	vld [tilespmem:s9+$0xFFFFFFE0];
	vm8 =	veq.f32 v60, $0.0e+00;
	v1 =	vmul.f32 v8, v13;
	v8 =	vpop (erf);
	(erf) = vrcp.f32 v16  }
0x2c5: {  	v14 =	vld [tilespmem:s3+$0xFFFFFFE0];
	vm2 =	vmmov vm2;
	vm0 =	vmmov vm0;
	(erf) = vrcp.f32 v4  }
0x2c6: {  	v61 =	vld [tilespmem:s3+$0xFFFFFFF0];
	v7 =	vmul.f32 v7, v12;
	v3 =	vsel vm1, $0x0, v3;
	(erf) = vrcp.f32 v9  }
0x2c7: {  	s2 =	simm.s32 $0x100F0;
	v63 =	vld [tilespmem:s3+$0xFFFFFF90];
	s3 =	simm.s32 $0x1F0;
	v5 =	vsel vm7, $0x0, v5;
	v62 =	vsel vm3, $0x0, v6;
	(erf) = vrcp.f32 v10  }
0x2c8: {  	[tilespmem:s2+$0x0] =	vst v5;
	vm3 =	veq.f32 v4, $0.0e+00;
	v4 =	vsel vm6, $0x0, v7;
	v7 =	vld [tilespmem:s3+$0x0];
	(erf) = vrcp.f32 v11  }
0x2c9: {  	v5 =	vld [tilespmem:s3+$0xFFFFFFB0];
	vm1 =	veq.f32 v16, $0.0e+00;
	[tilespmem:s2+$0xFFFFFFA0] =	vst v3;
	v1 =	vsel vm5, $0x0, v1;
	v3 =	vpop (erf);
	(erf) = vrcp.f32 v59  }
0x2ca: {  	vm7 =	veq.f32 v9, $0.0e+00;
	v6 =	vld [tilespmem:s3+$0xFFFFFFA0];
	v8 =	vmul.f32 v8, v14;
	[tilespmem:s2+$0xFFFFFFB0] =	vst v62;
	(erf) = vrcp.f32 v60  }
0x2cb: {  	vm6 =	veq.f32 v59, $0.0e+00;
	vm5 =	veq.f32 v10, $0.0e+00;
	[tilespmem:s2+$0xFFFFFFC0] =	vst v4;
	v4 =	vld [tilespmem:s3+$0xFFFFFFC0];
	v10 =	vmul.f32 v3, v61  }
0x2cc: {  	v9 =	vsel vm4, $0x0, v8;
	vm4 =	veq.f32 v11, $0.0e+00;
	[tilespmem:s2+$0xFFFFFFD0] =	vst v1;
	v8 =	vmul.f32 v2, v63;
	v2 =	vld [tilespmem:s3+$0xFFFFFFE0];
	v1 =	vpop (erf)  }
0x2cd: {  	s4 =	simm.s32 $0x80;
	s5 =	simm.s32 $0x82F0;
	[tilespmem:s2+$0xFFFFFFE0] =	vst v9;
	v3 =	vld [tilespmem:s3+$0xFFFFFFD0];
	v7 =	vmul.f32 v1, v7;
	v9 =	vsel vm2, $0x0, v10;
	vm2 =	vmmov vm8;
	v1 =	vpop (erf)  }
.LBB2_66:
0x2ce: {  	s4 =	sadd.s32 $0x80, s4;
	vm8 =	veq.f32 v0, $0.0e+00;
	v0 =	vld [tilespmem:s5+$0x0];
	v10 =	vpop (erf);
	v8 =	vsel vm0, $0x0, v8;
	[tilespmem:s2+$0xFFFFFFF0] =	vst v9;
	vm0 =	vmmov vm1  }
0x2cf: {  	v9 =	vld [tilespmem:s5+$0xFFFFFF90];
	p0 =	slt.u32 s4, $0x3F80;
	v13 =	vmul.f32 v10, v6;
	v11 =	vsel vm8, $0x0, v7;
	v10 =	vpop (erf);
	[tilespmem:s2+$0xFFFFFF90] =	vst v8;
	s2 =	sadd.s32 $0x100, s2  }
0x2d0: {  	v8 =	vld [tilespmem:s5+$0xFFFFFFA0];
	v5 =	vmul.f32 v10, v5;
	[tilespmem:s2+$0x0] =	vst v11;
	v7 =	vpop (erf)  }
0x2d1: {  	v10 =	vld [tilespmem:s5+$0xFFFFFFB0];
	v13 =	vsel vm3, $0x0, v13;
	v4 =	vmul.f32 v7, v4;
	v7 =	vpop (erf)  }
0x2d2: {  	v11 =	vld [tilespmem:s5+$0xFFFFFFC0];
	[tilespmem:s2+$0xFFFFFFA0] =	vst v13;
	v5 =	vsel vm7, $0x0, v5;
	v3 =	vmul.f32 v7, v3;
	v6 =	vpop (erf)  }
0x2d3: {  	v7 =	vld [tilespmem:s5+$0xFFFFFFD0];
	(erf) = vrcp.f32 v0;
	[tilespmem:s2+$0xFFFFFFB0] =	vst v5;
	v4 =	vsel vm5, $0x0, v4;
	v2 =	vmul.f32 v6, v2;
	v12 =	vpop (erf)  }
0x2d4: {  	vm1 =	veq.f32 v9, $0.0e+00;
	v5 =	vld [tilespmem:s5+$0xFFFFFFE0];
	(erf) = vrcp.f32 v9;
	[tilespmem:s2+$0xFFFFFFC0] =	vst v4;
	v3 =	vsel vm4, $0x0, v3  }
0x2d5: {  	vm3 =	veq.f32 v8, $0.0e+00;
	v4 =	vld [tilespmem:s5+$0xFFFFFFF0];
	(erf) = vrcp.f32 v8;
	[tilespmem:s2+$0xFFFFFFD0] =	vst v3;
	v2 =	vsel vm6, $0x0, v2  }
0x2d6: {  	vm7 =	veq.f32 v10, $0.0e+00;
	(erf) = vrcp.f32 v10;
	[tilespmem:s2+$0xFFFFFFE0] =	vst v2;
	v2 =	vld [tilespmem:s3+$0xFFFFFFF0]  }
0x2d7: {  	vm5 =	veq.f32 v11, $0.0e+00;
	(erf) = vrcp.f32 v11;
	v8 =	vld [tilespmem:s3+$0xFFFFFF90];
	s3 =	sadd.s32 $0x100, s3  }
0x2d8: {  	vm4 =	veq.f32 v7, $0.0e+00;
	v9 =	vld [tilespmem:s3+$0x0];
	(erf) = vrcp.f32 v7  }
.Ltmp32:
0x2d9: {  	v6 =	vld [tilespmem:s3+$0xFFFFFFA0];
	vm6 =	veq.f32 v5, $0.0e+00;
	(erf) = vrcp.f32 v5;
	(pc) =	sbr.rel @p0 .LBB2_66-.Ltmp32, $4  }
0x2da: {  	v5 =	vld [tilespmem:s3+$0xFFFFFFB0];
	vm8 =	veq.f32 v4, $0.0e+00;
	(erf) = vrcp.f32 v4  }
0x2db: {  	v4 =	vld [tilespmem:s3+$0xFFFFFFC0];
	v10 =	vmul.f32 v12, v2  }
0x2dc: {  	v3 =	vld [tilespmem:s3+$0xFFFFFFD0];
	v7 =	vpop (erf);
	v8 =	vmul.f32 v1, v8  }
0x2dd: {  	s5 =	sadd.s32 $0x100, s5;
	v2 =	vld [tilespmem:s3+$0xFFFFFFE0];
	v7 =	vmul.f32 v7, v9;
	v1 =	vpop (erf);
	v9 =	vsel vm2, $0x0, v10;
	vm2 =	vmmov vm8  }
0x2de: {  	v10 =	vpop (erf)  }
0x2df: {  	vm8 =	veq.f32 v0, $0.0e+00;
	v50 =	vsel vm0, $0x0, v8;
	[tilespmem:s2+$0xFFFFFFF0] =	vst v9;
	v55 =	vld [tilespmem:s3+$0xFFFFFF90];
	v6 =	vmul.f32 v10, v6;
	v51 =	vpop (erf)  }
0x2e0: {  	v52 =	vld [tilespmem:s3+$0xFFFFFFF0];
	s4 =	sadd.s32 $0x100, s2;
	v7 =	vsel vm8, $0x0, v7;
	[tilespmem:s2+$0xFFFFFF90] =	vst v50;
	v53 =	vmul.f32 v51, v5;
	v54 =	vpop (erf)  }
0x2e1: {  	[tilespmem:s4+$0x0] =	vst v7;
	v6 =	vsel vm3, $0x0, v6;
	v4 =	vmul.f32 v54, v4;
	v56 =	vpop (erf)  }
0x2e2: {  	[tilespmem:s4+$0xFFFFFFA0] =	vst v6;
	v0 =	vsel vm7, $0x0, v53;
	v3 =	vmul.f32 v56, v3;
	v57 =	vpop (erf)  }
0x2e3: {  	[tilespmem:s4+$0xFFFFFFB0] =	vst v0;
	v58 =	vsel vm5, $0x0, v4;
	v2 =	vmul.f32 v57, v2  }
0x2e4: {  	v59 =	vpop (erf);
	v1 =	vmul.f32 v1, v55;
	[tilespmem:s4+$0xFFFFFFC0] =	vst v58;
	v60 =	vsel vm4, $0x0, v3  }
0x2e5: {  	vm15 =	vmmov vm1;
	v61 =	vmul.f32 v59, v52;
	[tilespmem:s4+$0xFFFFFFD0] =	vst v60;
	v62 =	vsel vm6, $0x0, v2  }
0x2e6: {  	v1 =	vsel vm15, $0x0, v1;
	[tilespmem:s4+$0xFFFFFFE0] =	vst v62  }
0x2e7: {  	s3 =	simm.s32 $0x10;
	v63 =	vsel vm2, $0x0, v61;
	[tilespmem:s4+$0xFFFFFF90] =	vst v1  }
0x2e8: {  	s5 =	sadd.s32 $0x0, s22;
	s2 =	simm.s32 $0x10080;
	[tilespmem:s4+$0xFFFFFFF0] =	vst v63;
	s4 =	simm.s32 $0x10180  }
.LBB2_68:
0x2e9: {  	[hbm4b:s5+s1] =	stream.linear.scatter [tilespmem:s2], [sflag:$0x6], $0x80, $0x38;
	[tilespmem:$0x18000] =	vst v63  }
0x2ea: {  	s5 =	smov.u32 s3;
	s2 =	smov.u32 s4;
	p0 =	sne.s32 s3, $0x7F0  }
.Ltmp33:
0x2eb: {  	s3 =	sadd.s32 $0x10, s3;
	(pc) =	sbr.rel @p0 .LBB2_68-.Ltmp33, $2  }
0x2ec: {  	_ =	sdelay $0x2  }
0x2ed: {  	s4 =	sadd.s32 $0x100, s4;
	s5 =	sadd.s32 s5, s22  }
0x2ee: {  	[hbm4b:s5+s1] =	stream.linear.scatter [tilespmem:s2], [sflag:$0x6], $0x80, $0x38;
	[tilespmem:$0x18000] =	vst v63  }
0x2ef: {  	s2 =	simm.s32 $0x80  }
0x2f0: {  	s3 =	simm.s32 $0x10;
	s5 =	sadd.s32 $0x0, s29;
	s4 =	simm.s32 $0x180  }
.LBB2_70:
0x2f1: {  	[tilespmem:s2], [sflag:$0x2] =	stream.linear.gather [hbm4b:s5+s1], $0x80, $0x38;
	[tilespmem:$0x18000] =	vst v63  }
0x2f2: {  	s5 =	smov.u32 s3;
	s2 =	smov.u32 s4;
	p0 =	sne.s32 s3, $0x7F0  }
.Ltmp34:
0x2f3: {  	s3 =	sadd.s32 $0x10, s3;
	(pc) =	sbr.rel @p0 .LBB2_70-.Ltmp34, $2  }
0x2f4: {  	_ =	sdelay $0x2  }
0x2f5: {  	s4 =	sadd.s32 $0x100, s4;
	s5 =	sadd.s32 s5, s29  }
0x2f6: {  	[tilespmem:s2], [sflag:$0x2] =	stream.linear.gather [hbm4b:s5+s1], $0x80, $0x38;
	[tilespmem:$0x18000] =	vst v63  }
0x2f7: {  	s2 =	simm.s32 $0x8080  }
0x2f8: {  	s3 =	simm.s32 $0x10;
	s5 =	sadd.s32 $0x0, s31;
	s4 =	simm.s32 $0x8180  }
.LBB2_72:
0x2f9: {  	[tilespmem:s2], [sflag:$0x4] =	stream.linear.gather [hbm4b:s5+s1], $0x80, $0x38;
	[tilespmem:$0x18000] =	vst v63  }
0x2fa: {  	s5 =	smov.u32 s3;
	s2 =	smov.u32 s4;
	p0 =	sne.s32 s3, $0x7F0  }
.Ltmp35:
0x2fb: {  	s3 =	sadd.s32 $0x10, s3;
	(pc) =	sbr.rel @p0 .LBB2_72-.Ltmp35, $2  }
0x2fc: {  	_ =	sdelay $0x2  }
0x2fd: {  	s4 =	sadd.s32 $0x100, s4;
	s5 =	sadd.s32 s5, s31  }
0x2fe: {  	[tilespmem:s2], [sflag:$0x4] =	stream.linear.gather [hbm4b:s5+s1], $0x80, $0x38;
	[tilespmem:$0x18000] =	vst v63  }
0x2ff: {  	s5 =	simm.s32 $0x1  }
0x300: {  	_ =	swait.ge [sflag:s5], $0x4000  }
0x301: {  	[sflag:s5] =	ssyncset.done $0x0  }
0x302: {  	s6 =	simm.s32 $0x3;
	[sflag:s5] =	ssyncadd.s32 $0xFFFFC000  }
0x303: {  	_ =	swait.ge [sflag:s6], $0x4000  }
0x304: {  	[sflag:s6] =	ssyncset.done $0x0  }
0x305: {  	s7 =	simm.s32 $0x5;
	[sflag:s6] =	ssyncadd.s32 $0xFFFFC000  }
0x306: {  	_ =	swait.ge [sflag:s7], $0x4000  }
0x307: {  	[sflag:s7] =	ssyncset.done $0x0  }
0x308: {  	s8 =	simm.s32 $0x8040;
	[sflag:s7] =	ssyncadd.s32 $0xFFFFC000  }
0x309: {  	v1 =	vld [tilespmem:s8+$0x30]  }
0x30a: {  	v2 =	vld [tilespmem:s8+$0xFFFFFFC0]  }
0x30b: {  	v3 =	vld [tilespmem:s8+$0xFFFFFFD0]  }
0x30c: {  	v4 =	vld [tilespmem:s8+$0xFFFFFFE0]  }
0x30d: {  	v5 =	vld [tilespmem:s8+$0xFFFFFFF0]  }
0x30e: {  	v6 =	vld [tilespmem:s8+$0x0];
	(erf) = vrcp.f32 v1  }
0x30f: {  	v7 =	vld [tilespmem:s8+$0x10];
	(erf) = vrcp.f32 v2  }
0x310: {  	s3 =	simm.s32 $0x40;
	v8 =	vld [tilespmem:s8+$0x20];
	(erf) = vrcp.f32 v3  }
0x311: {  	v9 =	vld [tilespmem:s3+$0x30];
	(erf) = vrcp.f32 v4  }
0x312: {  	v10 =	vld [tilespmem:s3+$0xFFFFFFD0];
	(erf) = vrcp.f32 v5  }
0x313: {  	v11 =	vld [tilespmem:s3+$0xFFFFFFE0];
	(erf) = vrcp.f32 v6  }
0x314: {  	v12 =	vld [tilespmem:s3+$0xFFFFFFF0];
	(erf) = vrcp.f32 v7  }
0x315: {  	s9 =	simm.s32 $0x8140;
	v13 =	vld [tilespmem:s3+$0x0]  }
0x316: {  	v0 =	vld [tilespmem:s9+$0x30]  }
0x317: {  	v16 =	vld [tilespmem:s9+$0xFFFFFFC0];
	v15 =	vpop (erf)  }
0x318: {  	v60 =	vld [tilespmem:s9+$0x20];
	vm0 =	veq.f32 v2, $0.0e+00;
	v2 =	vpop (erf)  }
0x319: {  	vm1 =	veq.f32 v3, $0.0e+00;
	vm3 =	veq.f32 v4, $0.0e+00;
	v4 =	vld [tilespmem:s9+$0xFFFFFFD0];
	(erf) = vrcp.f32 v8;
	v3 =	vpop (erf)  }
0x31a: {  	vm6 =	veq.f32 v5, $0.0e+00;
	vm5 =	veq.f32 v6, $0.0e+00;
	v5 =	vmul.f32 v15, v9;
	v9 =	vld [tilespmem:s9+$0xFFFFFFE0];
	v6 =	vpop (erf)  }
0x31b: {  	vm4 =	veq.f32 v7, $0.0e+00;
	vm2 =	veq.f32 v8, $0.0e+00;
	v3 =	vmul.f32 v3, v10;
	v10 =	vld [tilespmem:s9+$0xFFFFFFF0];
	v7 =	vpop (erf)  }
0x31c: {  	vm7 =	veq.f32 v1, $0.0e+00;
	(erf) = vrcp.f32 v0;
	v6 =	vmul.f32 v6, v11;
	v11 =	vld [tilespmem:s9+$0x0];
	v8 =	vpop (erf)  }
0x31d: {  	v59 =	vld [tilespmem:s9+$0x10];
	vm8 =	veq.f32 v60, $0.0e+00;
	v1 =	vmul.f32 v8, v13;
	v8 =	vpop (erf);
	(erf) = vrcp.f32 v16  }
0x31e: {  	v14 =	vld [tilespmem:s3+$0x10];
	vm2 =	vmmov vm2;
	vm0 =	vmmov vm0;
	(erf) = vrcp.f32 v4  }
0x31f: {  	v61 =	vld [tilespmem:s3+$0x20];
	v7 =	vmul.f32 v7, v12;
	v3 =	vsel vm1, $0x0, v3;
	(erf) = vrcp.f32 v9  }
0x320: {  	s2 =	simm.s32 $0x10040;
	v63 =	vld [tilespmem:s3+$0xFFFFFFC0];
	s3 =	simm.s32 $0x140;
	v5 =	vsel vm7, $0x0, v5;
	v62 =	vsel vm3, $0x0, v6;
	(erf) = vrcp.f32 v10  }
0x321: {  	[tilespmem:s2+$0x30] =	vst v5;
	vm3 =	veq.f32 v4, $0.0e+00;
	v4 =	vsel vm6, $0x0, v7;
	v7 =	vld [tilespmem:s3+$0x30];
	(erf) = vrcp.f32 v11  }
0x322: {  	v5 =	vld [tilespmem:s3+$0xFFFFFFE0];
	vm1 =	veq.f32 v16, $0.0e+00;
	[tilespmem:s2+$0xFFFFFFD0] =	vst v3;
	v1 =	vsel vm5, $0x0, v1;
	v3 =	vpop (erf);
	(erf) = vrcp.f32 v59  }
0x323: {  	vm7 =	veq.f32 v9, $0.0e+00;
	v6 =	vld [tilespmem:s3+$0xFFFFFFD0];
	v8 =	vmul.f32 v8, v14;
	[tilespmem:s2+$0xFFFFFFE0] =	vst v62;
	(erf) = vrcp.f32 v60  }
0x324: {  	vm6 =	veq.f32 v59, $0.0e+00;
	vm5 =	veq.f32 v10, $0.0e+00;
	[tilespmem:s2+$0xFFFFFFF0] =	vst v4;
	v4 =	vld [tilespmem:s3+$0xFFFFFFF0];
	v10 =	vmul.f32 v3, v61  }
0x325: {  	v9 =	vsel vm4, $0x0, v8;
	vm4 =	veq.f32 v11, $0.0e+00;
	[tilespmem:s2+$0x0] =	vst v1;
	v8 =	vmul.f32 v2, v63;
	v2 =	vld [tilespmem:s3+$0x10];
	v1 =	vpop (erf)  }
0x326: {  	s4 =	simm.s32 $0x80;
	s5 =	simm.s32 $0x8240;
	[tilespmem:s2+$0x10] =	vst v9;
	v3 =	vld [tilespmem:s3+$0x0];
	v7 =	vmul.f32 v1, v7;
	v9 =	vsel vm2, $0x0, v10;
	vm2 =	vmmov vm8;
	v1 =	vpop (erf)  }
.LBB2_74:
0x327: {  	s4 =	sadd.s32 $0x80, s4;
	vm8 =	veq.f32 v0, $0.0e+00;
	v0 =	vld [tilespmem:s5+$0x30];
	v10 =	vpop (erf);
	v8 =	vsel vm0, $0x0, v8;
	[tilespmem:s2+$0x20] =	vst v9;
	vm0 =	vmmov vm1  }
0x328: {  	v9 =	vld [tilespmem:s5+$0xFFFFFFC0];
	p0 =	slt.u32 s4, $0x3F80;
	v13 =	vmul.f32 v10, v6;
	v11 =	vsel vm8, $0x0, v7;
	v10 =	vpop (erf);
	[tilespmem:s2+$0xFFFFFFC0] =	vst v8;
	s2 =	sadd.s32 $0x100, s2  }
0x329: {  	v8 =	vld [tilespmem:s5+$0xFFFFFFD0];
	v5 =	vmul.f32 v10, v5;
	[tilespmem:s2+$0x30] =	vst v11;
	v7 =	vpop (erf)  }
0x32a: {  	v10 =	vld [tilespmem:s5+$0xFFFFFFE0];
	v13 =	vsel vm3, $0x0, v13;
	v4 =	vmul.f32 v7, v4;
	v7 =	vpop (erf)  }
0x32b: {  	v11 =	vld [tilespmem:s5+$0xFFFFFFF0];
	[tilespmem:s2+$0xFFFFFFD0] =	vst v13;
	v5 =	vsel vm7, $0x0, v5;
	v3 =	vmul.f32 v7, v3;
	v6 =	vpop (erf)  }
0x32c: {  	v7 =	vld [tilespmem:s5+$0x0];
	(erf) = vrcp.f32 v0;
	[tilespmem:s2+$0xFFFFFFE0] =	vst v5;
	v4 =	vsel vm5, $0x0, v4;
	v2 =	vmul.f32 v6, v2;
	v12 =	vpop (erf)  }
0x32d: {  	vm1 =	veq.f32 v9, $0.0e+00;
	v5 =	vld [tilespmem:s5+$0x10];
	(erf) = vrcp.f32 v9;
	[tilespmem:s2+$0xFFFFFFF0] =	vst v4;
	v3 =	vsel vm4, $0x0, v3  }
0x32e: {  	vm3 =	veq.f32 v8, $0.0e+00;
	v4 =	vld [tilespmem:s5+$0x20];
	(erf) = vrcp.f32 v8;
	[tilespmem:s2+$0x0] =	vst v3;
	v2 =	vsel vm6, $0x0, v2  }
0x32f: {  	vm7 =	veq.f32 v10, $0.0e+00;
	(erf) = vrcp.f32 v10;
	[tilespmem:s2+$0x10] =	vst v2;
	v2 =	vld [tilespmem:s3+$0x20]  }
0x330: {  	vm5 =	veq.f32 v11, $0.0e+00;
	(erf) = vrcp.f32 v11;
	v8 =	vld [tilespmem:s3+$0xFFFFFFC0];
	s3 =	sadd.s32 $0x100, s3  }
0x331: {  	vm4 =	veq.f32 v7, $0.0e+00;
	v9 =	vld [tilespmem:s3+$0x30];
	(erf) = vrcp.f32 v7  }
.Ltmp36:
0x332: {  	v6 =	vld [tilespmem:s3+$0xFFFFFFD0];
	vm6 =	veq.f32 v5, $0.0e+00;
	(erf) = vrcp.f32 v5;
	(pc) =	sbr.rel @p0 .LBB2_74-.Ltmp36, $4  }
0x333: {  	v5 =	vld [tilespmem:s3+$0xFFFFFFE0];
	vm8 =	veq.f32 v4, $0.0e+00;
	(erf) = vrcp.f32 v4  }
0x334: {  	v4 =	vld [tilespmem:s3+$0xFFFFFFF0];
	v10 =	vmul.f32 v12, v2  }
0x335: {  	v3 =	vld [tilespmem:s3+$0x0];
	v7 =	vpop (erf);
	v8 =	vmul.f32 v1, v8  }
0x336: {  	s5 =	sadd.s32 $0x100, s5;
	v2 =	vld [tilespmem:s3+$0x10];
	v7 =	vmul.f32 v7, v9;
	v1 =	vpop (erf);
	v9 =	vsel vm2, $0x0, v10;
	vm2 =	vmmov vm8  }
0x337: {  	v10 =	vpop (erf)  }
0x338: {  	vm8 =	veq.f32 v0, $0.0e+00;
	v50 =	vsel vm0, $0x0, v8;
	[tilespmem:s2+$0x20] =	vst v9;
	v55 =	vld [tilespmem:s3+$0xFFFFFFC0];
	v6 =	vmul.f32 v10, v6;
	v51 =	vpop (erf)  }
0x339: {  	v52 =	vld [tilespmem:s3+$0x20];
	s4 =	sadd.s32 $0x100, s2;
	v7 =	vsel vm8, $0x0, v7;
	[tilespmem:s2+$0xFFFFFFC0] =	vst v50;
	v53 =	vmul.f32 v51, v5;
	v54 =	vpop (erf)  }
0x33a: {  	[tilespmem:s4+$0x30] =	vst v7;
	v6 =	vsel vm3, $0x0, v6;
	v4 =	vmul.f32 v54, v4;
	v56 =	vpop (erf)  }
0x33b: {  	[tilespmem:s4+$0xFFFFFFD0] =	vst v6;
	v0 =	vsel vm7, $0x0, v53;
	v3 =	vmul.f32 v56, v3;
	v57 =	vpop (erf)  }
0x33c: {  	[tilespmem:s4+$0xFFFFFFE0] =	vst v0;
	v58 =	vsel vm5, $0x0, v4;
	v2 =	vmul.f32 v57, v2  }
0x33d: {  	v59 =	vpop (erf);
	v1 =	vmul.f32 v1, v55;
	[tilespmem:s4+$0xFFFFFFF0] =	vst v58;
	v60 =	vsel vm4, $0x0, v3  }
0x33e: {  	vm15 =	vmmov vm1;
	v61 =	vmul.f32 v59, v52;
	[tilespmem:s4+$0x0] =	vst v60;
	v62 =	vsel vm6, $0x0, v2  }
0x33f: {  	v1 =	vsel vm15, $0x0, v1;
	[tilespmem:s4+$0x10] =	vst v62  }
0x340: {  	s3 =	simm.s32 $0x10;
	v63 =	vsel vm2, $0x0, v61;
	[tilespmem:s4+$0xFFFFFFC0] =	vst v1  }
0x341: {  	s5 =	sadd.s32 $0x0, s26;
	s2 =	simm.s32 $0x10000;
	[tilespmem:s4+$0x20] =	vst v63;
	s4 =	simm.s32 $0x10100  }
.LBB2_76:
0x342: {  	[hbm4b:s5+s1] =	stream.linear.scatter [tilespmem:s2], [sflag:$0x5], $0x80, $0x38;
	[tilespmem:$0x18000] =	vst v63  }
0x343: {  	s5 =	smov.u32 s3;
	s2 =	smov.u32 s4;
	p0 =	sne.s32 s3, $0x7F0  }
.Ltmp37:
0x344: {  	s3 =	sadd.s32 $0x10, s3;
	(pc) =	sbr.rel @p0 .LBB2_76-.Ltmp37, $2  }
0x345: {  	_ =	sdelay $0x2  }
0x346: {  	s4 =	sadd.s32 $0x100, s4;
	s5 =	sadd.s32 s5, s26  }
0x347: {  	[hbm4b:s5+s1] =	stream.linear.scatter [tilespmem:s2], [sflag:$0x5], $0x80, $0x38;
	[tilespmem:$0x18000] =	vst v63  }
0x348: {  	s5 =	simm.s32 $0x2  }
0x349: {  	_ =	swait.ge [sflag:s5], $0x4000  }
0x34a: {  	[sflag:s5] =	ssyncset.done $0x0  }
0x34b: {  	s6 =	simm.s32 $0x4;
	[sflag:s5] =	ssyncadd.s32 $0xFFFFC000  }
0x34c: {  	_ =	swait.ge [sflag:s6], $0x4000  }
0x34d: {  	[sflag:s6] =	ssyncset.done $0x0  }
0x34e: {  	s7 =	simm.s32 $0x6;
	[sflag:s6] =	ssyncadd.s32 $0xFFFFC000  }
0x34f: {  	_ =	swait.ge [sflag:s7], $0x4000  }
0x350: {  	[sflag:s7] =	ssyncset.done $0x0  }
0x351: {  	s8 =	simm.s32 $0x80F0;
	[sflag:s7] =	ssyncadd.s32 $0xFFFFC000  }
0x352: {  	v1 =	vld [tilespmem:s8+$0x0]  }
0x353: {  	v2 =	vld [tilespmem:s8+$0xFFFFFF90]  }
0x354: {  	v3 =	vld [tilespmem:s8+$0xFFFFFFA0]  }
0x355: {  	v4 =	vld [tilespmem:s8+$0xFFFFFFB0]  }
0x356: {  	v5 =	vld [tilespmem:s8+$0xFFFFFFC0]  }
0x357: {  	v6 =	vld [tilespmem:s8+$0xFFFFFFD0];
	(erf) = vrcp.f32 v1  }
0x358: {  	v7 =	vld [tilespmem:s8+$0xFFFFFFE0];
	(erf) = vrcp.f32 v2  }
0x359: {  	s3 =	simm.s32 $0xF0;
	v8 =	vld [tilespmem:s8+$0xFFFFFFF0];
	(erf) = vrcp.f32 v3  }
0x35a: {  	v9 =	vld [tilespmem:s3+$0x0];
	(erf) = vrcp.f32 v4  }
0x35b: {  	v10 =	vld [tilespmem:s3+$0xFFFFFFA0];
	(erf) = vrcp.f32 v5  }
0x35c: {  	v11 =	vld [tilespmem:s3+$0xFFFFFFB0];
	(erf) = vrcp.f32 v6  }
0x35d: {  	v12 =	vld [tilespmem:s3+$0xFFFFFFC0];
	(erf) = vrcp.f32 v7  }
0x35e: {  	s9 =	simm.s32 $0x81F0;
	v13 =	vld [tilespmem:s3+$0xFFFFFFD0]  }
0x35f: {  	v0 =	vld [tilespmem:s9+$0x0]  }
0x360: {  	v16 =	vld [tilespmem:s9+$0xFFFFFF90];
	v15 =	vpop (erf)  }
0x361: {  	v60 =	vld [tilespmem:s9+$0xFFFFFFF0];
	vm0 =	veq.f32 v2, $0.0e+00;
	v2 =	vpop (erf)  }
0x362: {  	vm1 =	veq.f32 v3, $0.0e+00;
	vm3 =	veq.f32 v4, $0.0e+00;
	v4 =	vld [tilespmem:s9+$0xFFFFFFA0];
	(erf) = vrcp.f32 v8;
	v3 =	vpop (erf)  }
0x363: {  	vm6 =	veq.f32 v5, $0.0e+00;
	vm5 =	veq.f32 v6, $0.0e+00;
	v5 =	vmul.f32 v15, v9;
	v9 =	vld [tilespmem:s9+$0xFFFFFFB0];
	v6 =	vpop (erf)  }
0x364: {  	vm4 =	veq.f32 v7, $0.0e+00;
	vm2 =	veq.f32 v8, $0.0e+00;
	v3 =	vmul.f32 v3, v10;
	v10 =	vld [tilespmem:s9+$0xFFFFFFC0];
	v7 =	vpop (erf)  }
0x365: {  	vm7 =	veq.f32 v1, $0.0e+00;
	(erf) = vrcp.f32 v0;
	v6 =	vmul.f32 v6, v11;
	v11 =	vld [tilespmem:s9+$0xFFFFFFD0];
	v8 =	vpop (erf)  }
0x366: {  	v59 =	vld [tilespmem:s9+$0xFFFFFFE0];
	vm8 =	veq.f32 v60, $0.0e+00;
	v1 =	vmul.f32 v8, v13;
	v8 =	vpop (erf);
	(erf) = vrcp.f32 v16  }
0x367: {  	v14 =	vld [tilespmem:s3+$0xFFFFFFE0];
	vm2 =	vmmov vm2;
	vm0 =	vmmov vm0;
	(erf) = vrcp.f32 v4  }
0x368: {  	v61 =	vld [tilespmem:s3+$0xFFFFFFF0];
	v7 =	vmul.f32 v7, v12;
	v3 =	vsel vm1, $0x0, v3;
	(erf) = vrcp.f32 v9  }
0x369: {  	s2 =	simm.s32 $0x100F0;
	v63 =	vld [tilespmem:s3+$0xFFFFFF90];
	s3 =	simm.s32 $0x1F0;
	v5 =	vsel vm7, $0x0, v5;
	v62 =	vsel vm3, $0x0, v6;
	(erf) = vrcp.f32 v10  }
0x36a: {  	[tilespmem:s2+$0x0] =	vst v5;
	vm3 =	veq.f32 v4, $0.0e+00;
	v4 =	vsel vm6, $0x0, v7;
	v7 =	vld [tilespmem:s3+$0x0];
	(erf) = vrcp.f32 v11  }
0x36b: {  	v5 =	vld [tilespmem:s3+$0xFFFFFFB0];
	vm1 =	veq.f32 v16, $0.0e+00;
	[tilespmem:s2+$0xFFFFFFA0] =	vst v3;
	v1 =	vsel vm5, $0x0, v1;
	v3 =	vpop (erf);
	(erf) = vrcp.f32 v59  }
0x36c: {  	vm7 =	veq.f32 v9, $0.0e+00;
	v6 =	vld [tilespmem:s3+$0xFFFFFFA0];
	v8 =	vmul.f32 v8, v14;
	[tilespmem:s2+$0xFFFFFFB0] =	vst v62;
	(erf) = vrcp.f32 v60  }
0x36d: {  	vm6 =	veq.f32 v59, $0.0e+00;
	vm5 =	veq.f32 v10, $0.0e+00;
	[tilespmem:s2+$0xFFFFFFC0] =	vst v4;
	v4 =	vld [tilespmem:s3+$0xFFFFFFC0];
	v10 =	vmul.f32 v3, v61  }
0x36e: {  	v9 =	vsel vm4, $0x0, v8;
	vm4 =	veq.f32 v11, $0.0e+00;
	[tilespmem:s2+$0xFFFFFFD0] =	vst v1;
	v8 =	vmul.f32 v2, v63;
	v2 =	vld [tilespmem:s3+$0xFFFFFFE0];
	v1 =	vpop (erf)  }
0x36f: {  	s4 =	simm.s32 $0x80;
	s5 =	simm.s32 $0x82F0;
	[tilespmem:s2+$0xFFFFFFE0] =	vst v9;
	v3 =	vld [tilespmem:s3+$0xFFFFFFD0];
	v7 =	vmul.f32 v1, v7;
	v9 =	vsel vm2, $0x0, v10;
	vm2 =	vmmov vm8;
	v1 =	vpop (erf)  }
.LBB2_78:
0x370: {  	s4 =	sadd.s32 $0x80, s4;
	vm8 =	veq.f32 v0, $0.0e+00;
	v0 =	vld [tilespmem:s5+$0x0];
	v10 =	vpop (erf);
	v8 =	vsel vm0, $0x0, v8;
	[tilespmem:s2+$0xFFFFFFF0] =	vst v9;
	vm0 =	vmmov vm1  }
0x371: {  	v9 =	vld [tilespmem:s5+$0xFFFFFF90];
	p0 =	slt.u32 s4, $0x3F80;
	v13 =	vmul.f32 v10, v6;
	v11 =	vsel vm8, $0x0, v7;
	v10 =	vpop (erf);
	[tilespmem:s2+$0xFFFFFF90] =	vst v8;
	s2 =	sadd.s32 $0x100, s2  }
0x372: {  	v8 =	vld [tilespmem:s5+$0xFFFFFFA0];
	v5 =	vmul.f32 v10, v5;
	[tilespmem:s2+$0x0] =	vst v11;
	v7 =	vpop (erf)  }
0x373: {  	v10 =	vld [tilespmem:s5+$0xFFFFFFB0];
	v13 =	vsel vm3, $0x0, v13;
	v4 =	vmul.f32 v7, v4;
	v7 =	vpop (erf)  }
0x374: {  	v11 =	vld [tilespmem:s5+$0xFFFFFFC0];
	[tilespmem:s2+$0xFFFFFFA0] =	vst v13;
	v5 =	vsel vm7, $0x0, v5;
	v3 =	vmul.f32 v7, v3;
	v6 =	vpop (erf)  }
0x375: {  	v7 =	vld [tilespmem:s5+$0xFFFFFFD0];
	(erf) = vrcp.f32 v0;
	[tilespmem:s2+$0xFFFFFFB0] =	vst v5;
	v4 =	vsel vm5, $0x0, v4;
	v2 =	vmul.f32 v6, v2;
	v12 =	vpop (erf)  }
0x376: {  	vm1 =	veq.f32 v9, $0.0e+00;
	v5 =	vld [tilespmem:s5+$0xFFFFFFE0];
	(erf) = vrcp.f32 v9;
	[tilespmem:s2+$0xFFFFFFC0] =	vst v4;
	v3 =	vsel vm4, $0x0, v3  }
0x377: {  	vm3 =	veq.f32 v8, $0.0e+00;
	v4 =	vld [tilespmem:s5+$0xFFFFFFF0];
	(erf) = vrcp.f32 v8;
	[tilespmem:s2+$0xFFFFFFD0] =	vst v3;
	v2 =	vsel vm6, $0x0, v2  }
0x378: {  	vm7 =	veq.f32 v10, $0.0e+00;
	(erf) = vrcp.f32 v10;
	[tilespmem:s2+$0xFFFFFFE0] =	vst v2;
	v2 =	vld [tilespmem:s3+$0xFFFFFFF0]  }
0x379: {  	vm5 =	veq.f32 v11, $0.0e+00;
	(erf) = vrcp.f32 v11;
	v8 =	vld [tilespmem:s3+$0xFFFFFF90];
	s3 =	sadd.s32 $0x100, s3  }
0x37a: {  	vm4 =	veq.f32 v7, $0.0e+00;
	v9 =	vld [tilespmem:s3+$0x0];
	(erf) = vrcp.f32 v7  }
.Ltmp38:
0x37b: {  	v6 =	vld [tilespmem:s3+$0xFFFFFFA0];
	vm6 =	veq.f32 v5, $0.0e+00;
	(erf) = vrcp.f32 v5;
	(pc) =	sbr.rel @p0 .LBB2_78-.Ltmp38, $4  }
0x37c: {  	v5 =	vld [tilespmem:s3+$0xFFFFFFB0];
	vm8 =	veq.f32 v4, $0.0e+00;
	(erf) = vrcp.f32 v4  }
0x37d: {  	v4 =	vld [tilespmem:s3+$0xFFFFFFC0];
	v10 =	vmul.f32 v12, v2  }
0x37e: {  	v3 =	vld [tilespmem:s3+$0xFFFFFFD0];
	v7 =	vpop (erf);
	v8 =	vmul.f32 v1, v8  }
0x37f: {  	s5 =	sadd.s32 $0x100, s5;
	v2 =	vld [tilespmem:s3+$0xFFFFFFE0];
	v7 =	vmul.f32 v7, v9;
	v1 =	vpop (erf);
	v9 =	vsel vm2, $0x0, v10;
	vm2 =	vmmov vm8  }
0x380: {  	v10 =	vpop (erf)  }
0x381: {  	vm8 =	veq.f32 v0, $0.0e+00;
	v50 =	vsel vm0, $0x0, v8;
	[tilespmem:s2+$0xFFFFFFF0] =	vst v9;
	v55 =	vld [tilespmem:s3+$0xFFFFFF90];
	v6 =	vmul.f32 v10, v6;
	v51 =	vpop (erf)  }
0x382: {  	v52 =	vld [tilespmem:s3+$0xFFFFFFF0];
	s4 =	sadd.s32 $0x100, s2;
	v7 =	vsel vm8, $0x0, v7;
	[tilespmem:s2+$0xFFFFFF90] =	vst v50;
	v53 =	vmul.f32 v51, v5;
	v54 =	vpop (erf)  }
0x383: {  	[tilespmem:s4+$0x0] =	vst v7;
	v6 =	vsel vm3, $0x0, v6;
	v4 =	vmul.f32 v54, v4;
	v56 =	vpop (erf)  }
0x384: {  	[tilespmem:s4+$0xFFFFFFA0] =	vst v6;
	v0 =	vsel vm7, $0x0, v53;
	v3 =	vmul.f32 v56, v3;
	v57 =	vpop (erf)  }
0x385: {  	[tilespmem:s4+$0xFFFFFFB0] =	vst v0;
	v58 =	vsel vm5, $0x0, v4;
	v2 =	vmul.f32 v57, v2  }
0x386: {  	v59 =	vpop (erf);
	v1 =	vmul.f32 v1, v55;
	[tilespmem:s4+$0xFFFFFFC0] =	vst v58;
	v60 =	vsel vm4, $0x0, v3  }
0x387: {  	vm15 =	vmmov vm1;
	v61 =	vmul.f32 v59, v52;
	[tilespmem:s4+$0xFFFFFFD0] =	vst v60;
	v62 =	vsel vm6, $0x0, v2  }
0x388: {  	v1 =	vsel vm15, $0x0, v1;
	[tilespmem:s4+$0xFFFFFFE0] =	vst v62  }
0x389: {  	s3 =	simm.s32 $0x10;
	v63 =	vsel vm2, $0x0, v61;
	[tilespmem:s4+$0xFFFFFF90] =	vst v1  }
0x38a: {  	s5 =	sadd.s32 $0x0, s0;
	s2 =	simm.s32 $0x10080;
	[tilespmem:s4+$0xFFFFFFF0] =	vst v63;
	s4 =	simm.s32 $0x10180  }
.LBB2_80:
0x38b: {  	[hbm4b:s5+s1] =	stream.linear.scatter [tilespmem:s2], [sflag:$0x6], $0x80, $0x38;
	[tilespmem:$0x18000] =	vst v63  }
0x38c: {  	s5 =	smov.u32 s3;
	s2 =	smov.u32 s4;
	p0 =	sne.s32 s3, $0x7F0  }
.Ltmp39:
0x38d: {  	s3 =	sadd.s32 $0x10, s3;
	(pc) =	sbr.rel @p0 .LBB2_80-.Ltmp39, $2  }
0x38e: {  	_ =	sdelay $0x2  }
0x38f: {  	s4 =	sadd.s32 $0x100, s4;
	s5 =	sadd.s32 s5, s0  }
0x390: {  	[hbm4b:s5+s1] =	stream.linear.scatter [tilespmem:s2], [sflag:$0x6], $0x80, $0x38;
	[tilespmem:$0x18000] =	vst v63  }
0x391: {  	s8 =	simm.s32 $0x5  }
0x392: {  	_ =	swait.ge [sflag:s8], $0x4000  }
0x393: {  	[sflag:s8] =	ssyncset.done $0x0  }
0x394: {  	s3 =	simm.s32 $0x6;
	[sflag:s8] =	ssyncadd.s32 $0xFFFFC000  }
0x395: {  	_ =	swait.ge [sflag:s3], $0x4000  }
0x396: {  	s4 =	rddreg [dreg:$0xd]  }
0x397: {  	s9 =	rddreg [dreg:$0xc];
	s4 =	sadd.s32 $0x1, s4  }
0x398: {  	p0 =	sne.s32 s4, s9  }
.Ltmp40:
0x399: {  	_ = 	snop;
	(pc) =	sbr.rel @p0 .LBB2_1-.Ltmp40, $3  }
0x39a: {  	_ =	sdelay $0x1  }
0x39b: {  	[sflag:s3] =	ssyncset.done $0x0  }
0x39c: {  	[sflag:s3] =	ssyncadd.s32 $0xFFFFC000  }
0x39d: {  	_ =	sfence.sel $0x180000  }
0x39e: {  	[bflag:$0x0] =	sbarrier.arrive $0xFFFF  }
0x39f: {  	_ =	strace $0x90000047  }
0x3a0: {  	s0 =	stileid.u32;
	[bflag:$0x2] =	sbarrier.arrive $0xFFFF  }
0x3a1: {  	p0 =	sne.s32 s0, $0x0;
	s0 =	rddreg [dreg:$0x3]  }
0x3a2: {  	s0 =	sadd.s32 @!p0 $0x100000, s0  }
0x3a3: {  	[sflag:s0] =	ssyncadd.tile.s32 @!p0 $0x1;
	_ =	shalt  }
.Lfunc_end2:
_tile_overlayer_lowered:
.L_overlay_start_2:
0x3a4: {  	(tag) =	ssettag $0x2  }
0x3a5: {  	s0 =	rddreg [dreg:$0x0];
	s2 =	stileid.u32  }
0x3a6: {  	s1 =	rddreg [dreg:$0x1];
	p0 =	sne.s32 s2, $0x0  }
0x3a7: {  	s3 =	rddreg [dreg:$0x2];
	[bflag:$0x3] =	sbarrier.arrive $0xFFFF;
	s2 =	simm.s32 @!p0 $0x1C07  }
0x3a8: {  	[timem:s3], [sflag:s2] =	dma.local @!p0 [hbm:s0], s1  }
0x3a9: {  	s0 =	simm.s32 @!p0 $0x7  }
0x3aa: {  	_ =	swait.ge @!p0 [sflag:s0], s1  }
0x3ab: {  	s1 =	ssub.s32 @!p0 $0x0, s1;
	[sflag:s0] =	ssyncset.done @!p0 $0x0  }
0x3ac: {  	[sflag:s0] =	ssyncadd.s32 @!p0 s1  }
0x3ad: {  	[bflag:$0x3] =	sbarrier.arrive $0xFFFF  }
0x3ae: {  	_ =	shalt  }

</sc_bundles>
